<compile_context>
chip_gen: v7x
topology: tpu7x:2x2x1
jax: 0.10.2.dev20260603
libtpu: 0.0.44.dev20260713+nightly
codegen_flags: <defaults>
</compile_context>

<pallas_src>
import functools

import jax
import jax.numpy as jnp
from jax import lax
from jax.experimental import pallas as pl
from jax.experimental.pallas import tpu as pltpu
from jax.experimental.pallas import tpu_sc as plsc

_MAX_POS = 1024
_LANES = 16
_CH = 112
_NBUF = 4
_LAG = 2


@functools.lru_cache(maxsize=None)
def _build(n, vocab, d):
    info = plsc.get_sparse_core_info()
    nw = info.num_cores * info.num_subcores
    nch = -(-n // (nw * _CH))
    bpw = nch * _CH
    assert n % 8 == 0 and bpw % 8 == 0 and bpw % _LANES == 0 and n >= bpw

    mesh = plsc.VectorSubcoreMesh(core_axis_name="c", subcore_axis_name="s")

    def body(table_hbm, idx_hbm, out_hbm, idx_v, buf_v, table_sh, gsem, wsem, ssem):
        sid = lax.axis_index("s")
        wid = sid * info.num_cores + lax.axis_index("c")
        base = jnp.minimum(wid * bpw, n - bpw)

        @pl.when(sid == 0)
        def _():
            pltpu.async_copy(table_hbm, table_sh, ssem)

        pltpu.sync_copy(idx_hbm.at[pl.ds(pl.multiple_of(base, 8), bpw)], idx_v)

        def clamp(i, carry):
            s = pl.ds(i * _LANES, _LANES)
            idx_v[s] = jnp.minimum(jnp.maximum(idx_v[s], 0), _MAX_POS)
            return carry

        lax.fori_loop(0, bpw // _LANES, clamp, 0)

        @pl.when(sid == 0)
        def _():
            pltpu.make_async_copy(table_hbm, table_sh, ssem).wait()

        plsc.subcore_barrier()

        def fire_gather(ck):
            b = ck % _NBUF
            return pltpu.async_copy(
                table_sh.at[idx_v.at[pl.ds(ck * _CH, _CH)]],
                buf_v.at[b],
                gsem.at[b],
            )

        def fire_write(ck):
            b = ck % _NBUF
            off = pl.multiple_of(base + ck * _CH, 8)
            return pltpu.async_copy(
                buf_v.at[b],
                out_hbm.at[pl.ds(off, _CH)],
                wsem.at[b],
            )

        gathers = {}
        writes = {}
        for t in range(nch + _LAG):
            if t < nch:
                if t >= _NBUF:
                    writes.pop(t - _NBUF).wait()
                gathers[t] = fire_gather(t)
            j = t - _LAG
            if j >= 0:
                gathers.pop(j).wait()
                writes[j] = fire_write(j)
        for j in sorted(writes):
            writes.pop(j).wait()

    return pl.kernel(
        body,
        mesh=mesh,
        out_type=jax.ShapeDtypeStruct((n, d), jnp.float32),
        scratch_types=[
            pltpu.VMEM((bpw,), jnp.int32),
            pltpu.VMEM((_NBUF, _CH, d), jnp.float32),
            pltpu.VMEM_SHARED((vocab, d), jnp.float32),
            pltpu.SemaphoreType.DMA((_NBUF,)),
            pltpu.SemaphoreType.DMA((_NBUF,)),
            pltpu.SemaphoreType.DMA,
        ],
    )


def kernel(node_idx, pos_embedding_weight):
    n = node_idx.shape[0]
    vocab, d = pos_embedding_weight.shape
    f = _build(n, vocab, d)
    return f(pos_embedding_weight, node_idx.astype(jnp.int32))

# --- scband reference (transcript-rebuilt; emitter-appended) ---
"""Pipeline reference for scband-pos-encoder-42958262894954 (READ-ONLY COPY).

The authoritative reference and input builder live on the scoring server;
editing this copy changes nothing except your own understanding.
"""

import jax, jax.numpy as jnp
import numpy as np

MAX_POS = 1024
EMB_DIM = 128
N = 100000


def setup_inputs(seed: int = 0) -> dict:
    key = jax.random.key(seed)
    k1, k2 = jax.random.split(key)
    # g.ndata['nid'] -> flat node-id tensor
    node_idx = jax.random.randint(k1, (N,), 0, MAX_POS + 1, dtype=jnp.int64)
    # nn.Embedding(max_pos + 1, embedding_dim, padding_idx=0): row 0 is zero
    table = jax.random.normal(k2, (MAX_POS + 1, EMB_DIM), dtype=jnp.float32)
    table = table.at[0].set(0.0)
    return {"node_idx": node_idx, "pos_embedding_weight": table}


def reference(node_idx, pos_embedding_weight):
    # torch.clamp(node_idx, min=0, max=self.max_pos)
    idx = jnp.clip(node_idx, 0, MAX_POS)
    # embedding lookup -> row gather
    pos_embedding = jnp.take(pos_embedding_weight, idx, axis=0)
    return pos_embedding

if __name__ == "__main__":
    import jax
    _d = setup_inputs()
    print(jax.jit(kernel)(*tuple(_d.values())))

</pallas_src>

<mosaic_0001>
#map = affine_map<(d0, d1) -> (0, 0)>
#map1 = affine_map<(d0, d1) -> (0)>
module attributes {stable_mosaic.version = 14 : i64} {
  func.func @body(%arg0: i32, %arg1: i32, %arg2: memref<1025x128xf32, #tpu.memory_space<hbm>>, %arg3: memref<100000xi32, #tpu.memory_space<hbm>>, %arg4: memref<100000x128xf32, #tpu.memory_space<hbm>>, %arg5: memref<3136xi32, #tpu.memory_space<vmem>>, %arg6: memref<4x112x128xf32, #tpu.memory_space<vmem>>, %arg7: memref<1025x128xf32, #tpu.memory_space<vmem_shared>>, %arg8: memref<4x!tpu.dma_semaphore, #tpu.memory_space<semaphore_mem>>, %arg9: memref<4x!tpu.dma_semaphore, #tpu.memory_space<semaphore_mem>>, %arg10: memref<!tpu.dma_semaphore, #tpu.memory_space<semaphore_mem>>) attributes {dimension_semantics = [#tpu.dimension_semantics<core_parallel>, #tpu.dimension_semantics<subcore_parallel>], iteration_bounds = array<i64: 2, 16>, scalar_prefetch = 0 : i64, scratch_operands = 6 : i64, tpu.core_type = #tpu.core_type<sc_vector_subcore>, window_params = [{transform_indices = #map}, {transform_indices = #map1}, {transform_indices = #map}]} {
    %mul3A = arith.constant 2 : i32
    %mul3A_0 = arith.muli %arg1, %mul3A : i32
    %add3A = arith.addi %mul3A_0, %arg0 : i32
    %mul3A_1 = arith.constant 3136 : i32
    %mul3A_2 = arith.muli %add3A, %mul3A_1 : i32
    %min3A = arith.constant 96864 : i32
    %min3A_3 = arith.minsi %mul3A_2, %min3A : i32
    %eq3A = arith.constant 0 : i32
    %eq3A_4 = arith.cmpi eq, %arg1, %eq3A : i32
    %convert_element_type3A = arith.extui %eq3A_4 : i1 to i32
    %cond3A = arith.constant 0 : i32
    %cond3A_5 = arith.cmpi ne, %convert_element_type3A, %cond3A : i32
    scf.if %cond3A_5 {
      tpu.enqueue_dma source(%arg2 : memref<1025x128xf32, #tpu.memory_space<hbm>>) target(%arg7 : memref<1025x128xf32, #tpu.memory_space<vmem_shared>>) target_semaphore(%arg10 : memref<!tpu.dma_semaphore, #tpu.memory_space<semaphore_mem>>)
    } else {
    }
    %multiple_of3A = tpu.assume_multiple %min3A_3, 8 : i32
    "tpu.region"() ({
      %run_scoped3A = tpu.sem_alloc : memref<!tpu.dma_semaphore, #tpu.memory_space<semaphore_mem>>
      %dma_start3A_1722 = tpu.memref_slice %arg3[%multiple_of3A] : memref<100000xi32, #tpu.memory_space<hbm>> -> memref<3136xi32, #tpu.memory_space<hbm>>
      %dma_start3A_1723 = tpu.memref_slice %arg3[%multiple_of3A] : memref<100000xi32, #tpu.memory_space<hbm>> -> memref<3136xi32, #tpu.memory_space<hbm>>
      tpu.enqueue_dma source(%dma_start3A_1723 : memref<3136xi32, #tpu.memory_space<hbm>>) target(%arg5 : memref<3136xi32, #tpu.memory_space<vmem>>) target_semaphore(%run_scoped3A : memref<!tpu.dma_semaphore, #tpu.memory_space<semaphore_mem>>)
      %dma_wait3A_1724 = tpu.memref_slice %arg3[%multiple_of3A] : memref<100000xi32, #tpu.memory_space<hbm>> -> memref<3136xi32, #tpu.memory_space<hbm>>
      %dma_wait3A_1725 = tpu.memref_slice %arg3[%multiple_of3A] : memref<100000xi32, #tpu.memory_space<hbm>> -> memref<3136xi32, #tpu.memory_space<hbm>>
      tpu.wait_dma2 semaphore(%run_scoped3A : memref<!tpu.dma_semaphore, #tpu.memory_space<semaphore_mem>>) src(%dma_wait3A_1725 : memref<3136xi32, #tpu.memory_space<hbm>>) dst(%arg5 : memref<3136xi32, #tpu.memory_space<vmem>>)
      tpu.yield
    }) : () -> ()
    %scan3A = arith.constant 0 : i32
    %scan3A_6 = arith.constant 0 : i32
    %scan3A_7 = arith.constant 196 : i32
    %scan3A_8 = arith.addi %scan3A_6, %scan3A_7 : i32
    %scan3A_9 = arith.constant 1 : i32
    scf.for %scan3A_1722 = %scan3A_6 to %scan3A_8 step %scan3A_9  : i32 {
      %mul3A_1723 = arith.constant 16 : i32
      %mul3A_1724 = arith.muli %scan3A_1722, %mul3A_1723 : i32
      %get3A = arith.index_cast %mul3A_1724 : i32 to index
      %get3A_1725 = tpu.vector_load %arg5[%get3A] {strides = array<i32>} : memref<3136xi32, #tpu.memory_space<vmem>>, vector<16xi32>,
      %get3A_1726 = vector.shape_cast %get3A_1725 : vector<16xi32> to vector<16xi32>
      %max3A = arith.constant 0 : i32
      %max3A_1727 = vector.broadcast %max3A : i32 to vector<16xi32>
      %max3A_1728 = arith.maxsi %get3A_1726, %max3A_1727 : vector<16xi32>
      %min3A_1729 = arith.constant 1024 : i32
      %min3A_1730 = vector.broadcast %min3A_1729 : i32 to vector<16xi32>
      %min3A_1731 = arith.minsi %max3A_1728, %min3A_1730 : vector<16xi32>
      %swap3A = arith.index_cast %mul3A_1724 : i32 to index
      %swap3A_1732 = tpu.vector_load %arg5[%swap3A] {strides = array<i32>} : memref<3136xi32, #tpu.memory_space<vmem>>, vector<16xi32>,
      %swap3A_1733 = vector.shape_cast %swap3A_1732 : vector<16xi32> to vector<16xi32>
      %swap3A_1734 = vector.shape_cast %min3A_1731 : vector<16xi32> to vector<16xi32>
      tpu.vector_store %arg5[%swap3A], %swap3A_1734 {strides = array<i32>} : memref<3136xi32, #tpu.memory_space<vmem>>, vector<16xi32>,
    }
    %scan3A_10 = arith.constant 196 : i32
    %eq3A_11 = arith.constant 0 : i32
    %eq3A_12 = arith.cmpi eq, %arg1, %eq3A_11 : i32
    %convert_element_type3A_13 = arith.extui %eq3A_12 : i1 to i32
    %cond3A_14 = arith.constant 0 : i32
    %cond3A_15 = arith.cmpi ne, %convert_element_type3A_13, %cond3A_14 : i32
    scf.if %cond3A_15 {
      tpu.wait_dma2 semaphore(%arg10 : memref<!tpu.dma_semaphore, #tpu.memory_space<semaphore_mem>>) src(%arg2 : memref<1025x128xf32, #tpu.memory_space<hbm>>) dst(%arg7 : memref<1025x128xf32, #tpu.memory_space<vmem_shared>>)
    } else {
    }
    %barrier3A = arith.constant 0 : index
    tpu.barrier barrier_id(%barrier3A)
    %dma_start3A = arith.constant 0 : i32
    %dma_start3A_16 = arith.constant 0 : i32
    %dma_start3A_17 = arith.constant 0 : i32
    %dma_start3A_18 = arith.constant 0 : i32
    %dma_start3A_19 = tpu.memref_slice %arg6[%dma_start3A, %dma_start3A_17, %dma_start3A_18] : memref<4x112x128xf32, #tpu.memory_space<vmem>> -> memref<1x112x128xf32, #tpu.memory_space<vmem>>
    %dma_start3A_20 = tpu.memref_squeeze %dma_start3A_19 : memref<1x112x128xf32, #tpu.memory_space<vmem>> -> memref<112x128xf32, #tpu.memory_space<vmem>>
    %dma_start3A_21 = arith.constant 0 : i32
    %dma_start3A_22 = tpu.memref_slice %arg5[%dma_start3A_21] : memref<3136xi32, #tpu.memory_space<vmem>> -> memref<112xi32, #tpu.memory_space<vmem>>
    %dma_start3A_23 = arith.constant 0 : i32
    %dma_start3A_24 = arith.constant 0 : i32
    %dma_start3A_25 = tpu.memref_slice %arg7[%dma_start3A_23, %dma_start3A_24] : memref<1025x128xf32, #tpu.memory_space<vmem_shared>> -> memref<1025x128xf32, #tpu.memory_space<vmem_shared>>
    %dma_start3A_26 = tpu.memref_slice %arg8[%dma_start3A_16] : memref<4x!tpu.dma_semaphore, #tpu.memory_space<semaphore_mem>> -> memref<1x!tpu.dma_semaphore, #tpu.memory_space<semaphore_mem>>
    %dma_start3A_27 = tpu.memref_squeeze %dma_start3A_26 : memref<1x!tpu.dma_semaphore, #tpu.memory_space<semaphore_mem>> -> memref<!tpu.dma_semaphore, #tpu.memory_space<semaphore_mem>>
    tpu.enqueue_indirect_dma source(%dma_start3A_25 : memref<1025x128xf32, #tpu.memory_space<vmem_shared>>) target(%dma_start3A_20 : memref<112x128xf32, #tpu.memory_space<vmem>>) offsets(%dma_start3A_22 : memref<112xi32, #tpu.memory_space<vmem>>) semaphore(%dma_start3A_27 : memref<!tpu.dma_semaphore, #tpu.memory_space<semaphore_mem>>)
    %dma_start3A_28 = arith.constant 1 : i32
    %dma_start3A_29 = arith.constant 1 : i32
    %dma_start3A_30 = arith.constant 0 : i32
    %dma_start3A_31 = arith.constant 0 : i32
    %dma_start3A_32 = tpu.memref_slice %arg6[%dma_start3A_28, %dma_start3A_30, %dma_start3A_31] : memref<4x112x128xf32, #tpu.memory_space<vmem>> -> memref<1x112x128xf32, #tpu.memory_space<vmem>>
    %dma_start3A_33 = tpu.memref_squeeze %dma_start3A_32 : memref<1x112x128xf32, #tpu.memory_space<vmem>> -> memref<112x128xf32, #tpu.memory_space<vmem>>
    %dma_start3A_34 = arith.constant 112 : i32
    %dma_start3A_35 = tpu.memref_slice %arg5[%dma_start3A_34] : memref<3136xi32, #tpu.memory_space<vmem>> -> memref<112xi32, #tpu.memory_space<vmem>>
    %dma_start3A_36 = arith.constant 0 : i32
    %dma_start3A_37 = arith.constant 0 : i32
    %dma_start3A_38 = tpu.memref_slice %arg7[%dma_start3A_36, %dma_start3A_37] : memref<1025x128xf32, #tpu.memory_space<vmem_shared>> -> memref<1025x128xf32, #tpu.memory_space<vmem_shared>>
    %dma_start3A_39 = tpu.memref_slice %arg8[%dma_start3A_29] : memref<4x!tpu.dma_semaphore, #tpu.memory_space<semaphore_mem>> -> memref<1x!tpu.dma_semaphore, #tpu.memory_space<semaphore_mem>>
    %dma_start3A_40 = tpu.memref_squeeze %dma_start3A_39 : memref<1x!tpu.dma_semaphore, #tpu.memory_space<semaphore_mem>> -> memref<!tpu.dma_semaphore, #tpu.memory_space<semaphore_mem>>
    tpu.enqueue_indirect_dma source(%dma_start3A_38 : memref<1025x128xf32, #tpu.memory_space<vmem_shared>>) target(%dma_start3A_33 : memref<112x128xf32, #tpu.memory_space<vmem>>) offsets(%dma_start3A_35 : memref<112xi32, #tpu.memory_space<vmem>>) semaphore(%dma_start3A_40 : memref<!tpu.dma_semaphore, #tpu.memory_space<semaphore_mem>>)
    %dma_start3A_41 = arith.constant 2 : i32
    %dma_start3A_42 = arith.constant 2 : i32
    %dma_start3A_43 = arith.constant 0 : i32
    %dma_start3A_44 = arith.constant 0 : i32
    %dma_start3A_45 = tpu.memref_slice %arg6[%dma_start3A_41, %dma_start3A_43, %dma_start3A_44] : memref<4x112x128xf32, #tpu.memory_space<vmem>> -> memref<1x112x128xf32, #tpu.memory_space<vmem>>
    %dma_start3A_46 = tpu.memref_squeeze %dma_start3A_45 : memref<1x112x128xf32, #tpu.memory_space<vmem>> -> memref<112x128xf32, #tpu.memory_space<vmem>>
    %dma_start3A_47 = arith.constant 224 : i32
    %dma_start3A_48 = tpu.memref_slice %arg5[%dma_start3A_47] : memref<3136xi32, #tpu.memory_space<vmem>> -> memref<112xi32, #tpu.memory_space<vmem>>
    %dma_start3A_49 = arith.constant 0 : i32
    %dma_start3A_50 = arith.constant 0 : i32
    %dma_start3A_51 = tpu.memref_slice %arg7[%dma_start3A_49, %dma_start3A_50] : memref<1025x128xf32, #tpu.memory_space<vmem_shared>> -> memref<1025x128xf32, #tpu.memory_space<vmem_shared>>
    %dma_start3A_52 = tpu.memref_slice %arg8[%dma_start3A_42] : memref<4x!tpu.dma_semaphore, #tpu.memory_space<semaphore_mem>> -> memref<1x!tpu.dma_semaphore, #tpu.memory_space<semaphore_mem>>
    %dma_start3A_53 = tpu.memref_squeeze %dma_start3A_52 : memref<1x!tpu.dma_semaphore, #tpu.memory_space<semaphore_mem>> -> memref<!tpu.dma_semaphore, #tpu.memory_space<semaphore_mem>>
    tpu.enqueue_indirect_dma source(%dma_start3A_51 : memref<1025x128xf32, #tpu.memory_space<vmem_shared>>) target(%dma_start3A_46 : memref<112x128xf32, #tpu.memory_space<vmem>>) offsets(%dma_start3A_48 : memref<112xi32, #tpu.memory_space<vmem>>) semaphore(%dma_start3A_53 : memref<!tpu.dma_semaphore, #tpu.memory_space<semaphore_mem>>)
    %dma_wait3A = arith.constant 0 : i32
    %dma_wait3A_54 = arith.constant 0 : i32
    %dma_wait3A_55 = arith.constant 0 : i32
    %dma_wait3A_56 = arith.constant 0 : i32
    %dma_wait3A_57 = tpu.memref_slice %arg6[%dma_wait3A, %dma_wait3A_55, %dma_wait3A_56] : memref<4x112x128xf32, #tpu.memory_space<vmem>> -> memref<1x112x128xf32, #tpu.memory_space<vmem>>
    %dma_wait3A_58 = tpu.memref_squeeze %dma_wait3A_57 : memref<1x112x128xf32, #tpu.memory_space<vmem>> -> memref<112x128xf32, #tpu.memory_space<vmem>>
    %dma_wait3A_59 = arith.constant 0 : i32
    %dma_wait3A_60 = tpu.memref_slice %arg5[%dma_wait3A_59] : memref<3136xi32, #tpu.memory_space<vmem>> -> memref<112xi32, #tpu.memory_space<vmem>>
    %dma_wait3A_61 = arith.constant 0 : i32
    %dma_wait3A_62 = arith.constant 0 : i32
    %dma_wait3A_63 = tpu.memref_slice %arg7[%dma_wait3A_61, %dma_wait3A_62] : memref<1025x128xf32, #tpu.memory_space<vmem_shared>> -> memref<1025x128xf32, #tpu.memory_space<vmem_shared>>
    %dma_wait3A_64 = tpu.memref_slice %arg8[%dma_wait3A_54] : memref<4x!tpu.dma_semaphore, #tpu.memory_space<semaphore_mem>> -> memref<1x!tpu.dma_semaphore, #tpu.memory_space<semaphore_mem>>
    %dma_wait3A_65 = tpu.memref_squeeze %dma_wait3A_64 : memref<1x!tpu.dma_semaphore, #tpu.memory_space<semaphore_mem>> -> memref<!tpu.dma_semaphore, #tpu.memory_space<semaphore_mem>>
    tpu.wait_indirect_dma semaphore(%dma_wait3A_65 : memref<!tpu.dma_semaphore, #tpu.memory_space<semaphore_mem>>) src(%dma_wait3A_63 : memref<1025x128xf32, #tpu.memory_space<vmem_shared>>) dst(%dma_wait3A_58 : memref<112x128xf32, #tpu.memory_space<vmem>>)
    %add3A_66 = arith.constant 0 : i32
    %add3A_67 = arith.addi %min3A_3, %add3A_66 : i32
    %multiple_of3A_68 = tpu.assume_multiple %add3A_67, 8 : i32
    %dma_start3A_69 = arith.constant 0 : i32
    %dma_start3A_70 = arith.constant 0 : i32
    %dma_start3A_71 = arith.constant 0 : i32
    %dma_start3A_72 = arith.constant 0 : i32
    %dma_start3A_73 = tpu.memref_slice %arg6[%dma_start3A_69, %dma_start3A_71, %dma_start3A_72] : memref<4x112x128xf32, #tpu.memory_space<vmem>> -> memref<1x112x128xf32, #tpu.memory_space<vmem>>
    %dma_start3A_74 = tpu.memref_squeeze %dma_start3A_73 : memref<1x112x128xf32, #tpu.memory_space<vmem>> -> memref<112x128xf32, #tpu.memory_space<vmem>>
    %dma_start3A_75 = arith.constant 0 : i32
    %dma_start3A_76 = tpu.memref_slice %arg4[%multiple_of3A_68, %dma_start3A_75] : memref<100000x128xf32, #tpu.memory_space<hbm>> -> memref<112x128xf32, #tpu.memory_space<hbm>>
    %dma_start3A_77 = tpu.memref_slice %arg9[%dma_start3A_70] : memref<4x!tpu.dma_semaphore, #tpu.memory_space<semaphore_mem>> -> memref<1x!tpu.dma_semaphore, #tpu.memory_space<semaphore_mem>>
    %dma_start3A_78 = tpu.memref_squeeze %dma_start3A_77 : memref<1x!tpu.dma_semaphore, #tpu.memory_space<semaphore_mem>> -> memref<!tpu.dma_semaphore, #tpu.memory_space<semaphore_mem>>
    %dma_start3A_79 = arith.constant 0 : i32
    %dma_start3A_80 = tpu.memref_slice %arg4[%multiple_of3A_68, %dma_start3A_79] : memref<100000x128xf32, #tpu.memory_space<hbm>> -> memref<112x128xf32, #tpu.memory_space<hbm>>
    %dma_start3A_81 = arith.constant 0 : i32
    %dma_start3A_82 = arith.constant 0 : i32
    %dma_start3A_83 = tpu.memref_slice %arg6[%dma_start3A_69, %dma_start3A_81, %dma_start3A_82] : memref<4x112x128xf32, #tpu.memory_space<vmem>> -> memref<1x112x128xf32, #tpu.memory_space<vmem>>
    %dma_start3A_84 = tpu.memref_squeeze %dma_start3A_83 : memref<1x112x128xf32, #tpu.memory_space<vmem>> -> memref<112x128xf32, #tpu.memory_space<vmem>>
    tpu.enqueue_dma source(%dma_start3A_84 : memref<112x128xf32, #tpu.memory_space<vmem>>) target(%dma_start3A_80 : memref<112x128xf32, #tpu.memory_space<hbm>>) target_semaphore(%dma_start3A_78 : memref<!tpu.dma_semaphore, #tpu.memory_space<semaphore_mem>>)
    %dma_start3A_85 = arith.constant 3 : i32
    %dma_start3A_86 = arith.constant 3 : i32
    %dma_start3A_87 = arith.constant 0 : i32
    %dma_start3A_88 = arith.constant 0 : i32
    %dma_start3A_89 = tpu.memref_slice %arg6[%dma_start3A_85, %dma_start3A_87, %dma_start3A_88] : memref<4x112x128xf32, #tpu.memory_space<vmem>> -> memref<1x112x128xf32, #tpu.memory_space<vmem>>
    %dma_start3A_90 = tpu.memref_squeeze %dma_start3A_89 : memref<1x112x128xf32, #tpu.memory_space<vmem>> -> memref<112x128xf32, #tpu.memory_space<vmem>>
    %dma_start3A_91 = arith.constant 336 : i32
    %dma_start3A_92 = tpu.memref_slice %arg5[%dma_start3A_91] : memref<3136xi32, #tpu.memory_space<vmem>> -> memref<112xi32, #tpu.memory_space<vmem>>
    %dma_start3A_93 = arith.constant 0 : i32
    %dma_start3A_94 = arith.constant 0 : i32
    %dma_start3A_95 = tpu.memref_slice %arg7[%dma_start3A_93, %dma_start3A_94] : memref<1025x128xf32, #tpu.memory_space<vmem_shared>> -> memref<1025x128xf32, #tpu.memory_space<vmem_shared>>
    %dma_start3A_96 = tpu.memref_slice %arg8[%dma_start3A_86] : memref<4x!tpu.dma_semaphore, #tpu.memory_space<semaphore_mem>> -> memref<1x!tpu.dma_semaphore, #tpu.memory_space<semaphore_mem>>
    %dma_start3A_97 = tpu.memref_squeeze %dma_start3A_96 : memref<1x!tpu.dma_semaphore, #tpu.memory_space<semaphore_mem>> -> memref<!tpu.dma_semaphore, #tpu.memory_space<semaphore_mem>>
    tpu.enqueue_indirect_dma source(%dma_start3A_95 : memref<1025x128xf32, #tpu.memory_space<vmem_shared>>) target(%dma_start3A_90 : memref<112x128xf32, #tpu.memory_space<vmem>>) offsets(%dma_start3A_92 : memref<112xi32, #tpu.memory_space<vmem>>) semaphore(%dma_start3A_97 : memref<!tpu.dma_semaphore, #tpu.memory_space<semaphore_mem>>)
    %dma_wait3A_98 = arith.constant 1 : i32
    %dma_wait3A_99 = arith.constant 1 : i32
    %dma_wait3A_100 = arith.constant 0 : i32
    %dma_wait3A_101 = arith.constant 0 : i32
    %dma_wait3A_102 = tpu.memref_slice %arg6[%dma_wait3A_98, %dma_wait3A_100, %dma_wait3A_101] : memref<4x112x128xf32, #tpu.memory_space<vmem>> -> memref<1x112x128xf32, #tpu.memory_space<vmem>>
    %dma_wait3A_103 = tpu.memref_squeeze %dma_wait3A_102 : memref<1x112x128xf32, #tpu.memory_space<vmem>> -> memref<112x128xf32, #tpu.memory_space<vmem>>
    %dma_wait3A_104 = arith.constant 112 : i32
    %dma_wait3A_105 = tpu.memref_slice %arg5[%dma_wait3A_104] : memref<3136xi32, #tpu.memory_space<vmem>> -> memref<112xi32, #tpu.memory_space<vmem>>
    %dma_wait3A_106 = arith.constant 0 : i32
    %dma_wait3A_107 = arith.constant 0 : i32
    %dma_wait3A_108 = tpu.memref_slice %arg7[%dma_wait3A_106, %dma_wait3A_107] : memref<1025x128xf32, #tpu.memory_space<vmem_shared>> -> memref<1025x128xf32, #tpu.memory_space<vmem_shared>>
    %dma_wait3A_109 = tpu.memref_slice %arg8[%dma_wait3A_99] : memref<4x!tpu.dma_semaphore, #tpu.memory_space<semaphore_mem>> -> memref<1x!tpu.dma_semaphore, #tpu.memory_space<semaphore_mem>>
    %dma_wait3A_110 = tpu.memref_squeeze %dma_wait3A_109 : memref<1x!tpu.dma_semaphore, #tpu.memory_space<semaphore_mem>> -> memref<!tpu.dma_semaphore, #tpu.memory_space<semaphore_mem>>
    tpu.wait_indirect_dma semaphore(%dma_wait3A_110 : memref<!tpu.dma_semaphore, #tpu.memory_space<semaphore_mem>>) src(%dma_wait3A_108 : memref<1025x128xf32, #tpu.memory_space<vmem_shared>>) dst(%dma_wait3A_103 : memref<112x128xf32, #tpu.memory_space<vmem>>)
    %add3A_111 = arith.constant 112 : i32
    %add3A_112 = arith.addi %min3A_3, %add3A_111 : i32
    %multiple_of3A_113 = tpu.assume_multiple %add3A_112, 8 : i32
    %dma_start3A_114 = arith.constant 1 : i32
    %dma_start3A_115 = arith.constant 1 : i32
    %dma_start3A_116 = arith.constant 0 : i32
    %dma_start3A_117 = arith.constant 0 : i32
    %dma_start3A_118 = tpu.memref_slice %arg6[%dma_start3A_114, %dma_start3A_116, %dma_start3A_117] : memref<4x112x128xf32, #tpu.memory_space<vmem>> -> memref<1x112x128xf32, #tpu.memory_space<vmem>>
    %dma_start3A_119 = tpu.memref_squeeze %dma_start3A_118 : memref<1x112x128xf32, #tpu.memory_space<vmem>> -> memref<112x128xf32, #tpu.memory_space<vmem>>
    %dma_start3A_120 = arith.constant 0 : i32
    %dma_start3A_121 = tpu.memref_slice %arg4[%multiple_of3A_113, %dma_start3A_120] : memref<100000x128xf32, #tpu.memory_space<hbm>> -> memref<112x128xf32, #tpu.memory_space<hbm>>
    %dma_start3A_122 = tpu.memref_slice %arg9[%dma_start3A_115] : memref<4x!tpu.dma_semaphore, #tpu.memory_space<semaphore_mem>> -> memref<1x!tpu.dma_semaphore, #tpu.memory_space<semaphore_mem>>
    %dma_start3A_123 = tpu.memref_squeeze %dma_start3A_122 : memref<1x!tpu.dma_semaphore, #tpu.memory_space<semaphore_mem>> -> memref<!tpu.dma_semaphore, #tpu.memory_space<semaphore_mem>>
    %dma_start3A_124 = arith.constant 0 : i32
    %dma_start3A_125 = tpu.memref_slice %arg4[%multiple_of3A_113, %dma_start3A_124] : memref<100000x128xf32, #tpu.memory_space<hbm>> -> memref<112x128xf32, #tpu.memory_space<hbm>>
    %dma_start3A_126 = arith.constant 0 : i32
    %dma_start3A_127 = arith.constant 0 : i32
    %dma_start3A_128 = tpu.memref_slice %arg6[%dma_start3A_114, %dma_start3A_126, %dma_start3A_127] : memref<4x112x128xf32, #tpu.memory_space<vmem>> -> memref<1x112x128xf32, #tpu.memory_space<vmem>>
    %dma_start3A_129 = tpu.memref_squeeze %dma_start3A_128 : memref<1x112x128xf32, #tpu.memory_space<vmem>> -> memref<112x128xf32, #tpu.memory_space<vmem>>
    tpu.enqueue_dma source(%dma_start3A_129 : memref<112x128xf32, #tpu.memory_space<vmem>>) target(%dma_start3A_125 : memref<112x128xf32, #tpu.memory_space<hbm>>) target_semaphore(%dma_start3A_123 : memref<!tpu.dma_semaphore, #tpu.memory_space<semaphore_mem>>)
    %dma_wait3A_130 = arith.constant 0 : i32
    %dma_wait3A_131 = arith.constant 0 : i32
    %dma_wait3A_132 = arith.constant 0 : i32
    %dma_wait3A_133 = arith.constant 0 : i32
    %dma_wait3A_134 = tpu.memref_slice %arg6[%dma_wait3A_130, %dma_wait3A_132, %dma_wait3A_133] : memref<4x112x128xf32, #tpu.memory_space<vmem>> -> memref<1x112x128xf32, #tpu.memory_space<vmem>>
    %dma_wait3A_135 = tpu.memref_squeeze %dma_wait3A_134 : memref<1x112x128xf32, #tpu.memory_space<vmem>> -> memref<112x128xf32, #tpu.memory_space<vmem>>
    %dma_wait3A_136 = arith.constant 0 : i32
    %dma_wait3A_137 = tpu.memref_slice %arg4[%multiple_of3A_68, %dma_wait3A_136] : memref<100000x128xf32, #tpu.memory_space<hbm>> -> memref<112x128xf32, #tpu.memory_space<hbm>>
    %dma_wait3A_138 = tpu.memref_slice %arg9[%dma_wait3A_131] : memref<4x!tpu.dma_semaphore, #tpu.memory_space<semaphore_mem>> -> memref<1x!tpu.dma_semaphore, #tpu.memory_space<semaphore_mem>>
    %dma_wait3A_139 = tpu.memref_squeeze %dma_wait3A_138 : memref<1x!tpu.dma_semaphore, #tpu.memory_space<semaphore_mem>> -> memref<!tpu.dma_semaphore, #tpu.memory_space<semaphore_mem>>
    %dma_wait3A_140 = arith.constant 0 : i32
    %dma_wait3A_141 = tpu.memref_slice %arg4[%multiple_of3A_68, %dma_wait3A_140] : memref<100000x128xf32, #tpu.memory_space<hbm>> -> memref<112x128xf32, #tpu.memory_space<hbm>>
    %dma_wait3A_142 = arith.constant 0 : i32
    %dma_wait3A_143 = arith.constant 0 : i32
    %dma_wait3A_144 = tpu.memref_slice %arg6[%dma_wait3A_130, %dma_wait3A_142, %dma_wait3A_143] : memref<4x112x128xf32, #tpu.memory_space<vmem>> -> memref<1x112x128xf32, #tpu.memory_space<vmem>>
    %dma_wait3A_145 = tpu.memref_squeeze %dma_wait3A_144 : memref<1x112x128xf32, #tpu.memory_space<vmem>> -> memref<112x128xf32, #tpu.memory_space<vmem>>
    tpu.wait_dma2 semaphore(%dma_wait3A_139 : memref<!tpu.dma_semaphore, #tpu.memory_space<semaphore_mem>>) src(%dma_wait3A_145 : memref<112x128xf32, #tpu.memory_space<vmem>>) dst(%dma_wait3A_141 : memref<112x128xf32, #tpu.memory_space<hbm>>)
    %dma_start3A_146 = arith.constant 0 : i32
    %dma_start3A_147 = arith.constant 0 : i32
    %dma_start3A_148 = arith.constant 0 : i32
    %dma_start3A_149 = arith.constant 0 : i32
    %dma_start3A_150 = tpu.memref_slice %arg6[%dma_start3A_146, %dma_start3A_148, %dma_start3A_149] : memref<4x112x128xf32, #tpu.memory_space<vmem>> -> memref<1x112x128xf32, #tpu.memory_space<vmem>>
    %dma_start3A_151 = tpu.memref_squeeze %dma_start3A_150 : memref<1x112x128xf32, #tpu.memory_space<vmem>> -> memref<112x128xf32, #tpu.memory_space<vmem>>
    %dma_start3A_152 = arith.constant 448 : i32
    %dma_start3A_153 = tpu.memref_slice %arg5[%dma_start3A_152] : memref<3136xi32, #tpu.memory_space<vmem>> -> memref<112xi32, #tpu.memory_space<vmem>>
    %dma_start3A_154 = arith.constant 0 : i32
    %dma_start3A_155 = arith.constant 0 : i32
    %dma_start3A_156 = tpu.memref_slice %arg7[%dma_start3A_154, %dma_start3A_155] : memref<1025x128xf32, #tpu.memory_space<vmem_shared>> -> memref<1025x128xf32, #tpu.memory_space<vmem_shared>>
    %dma_start3A_157 = tpu.memref_slice %arg8[%dma_start3A_147] : memref<4x!tpu.dma_semaphore, #tpu.memory_space<semaphore_mem>> -> memref<1x!tpu.dma_semaphore, #tpu.memory_space<semaphore_mem>>
    %dma_start3A_158 = tpu.memref_squeeze %dma_start3A_157 : memref<1x!tpu.dma_semaphore, #tpu.memory_space<semaphore_mem>> -> memref<!tpu.dma_semaphore, #tpu.memory_space<semaphore_mem>>
    tpu.enqueue_indirect_dma source(%dma_start3A_156 : memref<1025x128xf32, #tpu.memory_space<vmem_shared>>) target(%dma_start3A_151 : memref<112x128xf32, #tpu.memory_space<vmem>>) offsets(%dma_start3A_153 : memref<112xi32, #tpu.memory_space<vmem>>) semaphore(%dma_start3A_158 : memref<!tpu.dma_semaphore, #tpu.memory_space<semaphore_mem>>)
    %dma_wait3A_159 = arith.constant 2 : i32
    %dma_wait3A_160 = arith.constant 2 : i32
    %dma_wait3A_161 = arith.constant 0 : i32
    %dma_wait3A_162 = arith.constant 0 : i32
    %dma_wait3A_163 = tpu.memref_slice %arg6[%dma_wait3A_159, %dma_wait3A_161, %dma_wait3A_162] : memref<4x112x128xf32, #tpu.memory_space<vmem>> -> memref<1x112x128xf32, #tpu.memory_space<vmem>>
    %dma_wait3A_164 = tpu.memref_squeeze %dma_wait3A_163 : memref<1x112x128xf32, #tpu.memory_space<vmem>> -> memref<112x128xf32, #tpu.memory_space<vmem>>
    %dma_wait3A_165 = arith.constant 224 : i32
    %dma_wait3A_166 = tpu.memref_slice %arg5[%dma_wait3A_165] : memref<3136xi32, #tpu.memory_space<vmem>> -> memref<112xi32, #tpu.memory_space<vmem>>
    %dma_wait3A_167 = arith.constant 0 : i32
    %dma_wait3A_168 = arith.constant 0 : i32
    %dma_wait3A_169 = tpu.memref_slice %arg7[%dma_wait3A_167, %dma_wait3A_168] : memref<1025x128xf32, #tpu.memory_space<vmem_shared>> -> memref<1025x128xf32, #tpu.memory_space<vmem_shared>>
    %dma_wait3A_170 = tpu.memref_slice %arg8[%dma_wait3A_160] : memref<4x!tpu.dma_semaphore, #tpu.memory_space<semaphore_mem>> -> memref<1x!tpu.dma_semaphore, #tpu.memory_space<semaphore_mem>>
    %dma_wait3A_171 = tpu.memref_squeeze %dma_wait3A_170 : memref<1x!tpu.dma_semaphore, #tpu.memory_space<semaphore_mem>> -> memref<!tpu.dma_semaphore, #tpu.memory_space<semaphore_mem>>
    tpu.wait_indirect_dma semaphore(%dma_wait3A_171 : memref<!tpu.dma_semaphore, #tpu.memory_space<semaphore_mem>>) src(%dma_wait3A_169 : memref<1025x128xf32, #tpu.memory_space<vmem_shared>>) dst(%dma_wait3A_164 : memref<112x128xf32, #tpu.memory_space<vmem>>)
    %add3A_172 = arith.constant 224 : i32
    %add3A_173 = arith.addi %min3A_3, %add3A_172 : i32
    %multiple_of3A_174 = tpu.assume_multiple %add3A_173, 8 : i32
    %dma_start3A_175 = arith.constant 2 : i32
    %dma_start3A_176 = arith.constant 2 : i32
    %dma_start3A_177 = arith.constant 0 : i32
    %dma_start3A_178 = arith.constant 0 : i32
    %dma_start3A_179 = tpu.memref_slice %arg6[%dma_start3A_175, %dma_start3A_177, %dma_start3A_178] : memref<4x112x128xf32, #tpu.memory_space<vmem>> -> memref<1x112x128xf32, #tpu.memory_space<vmem>>
    %dma_start3A_180 = tpu.memref_squeeze %dma_start3A_179 : memref<1x112x128xf32, #tpu.memory_space<vmem>> -> memref<112x128xf32, #tpu.memory_space<vmem>>
    %dma_start3A_181 = arith.constant 0 : i32
    %dma_start3A_182 = tpu.memref_slice %arg4[%multiple_of3A_174, %dma_start3A_181] : memref<100000x128xf32, #tpu.memory_space<hbm>> -> memref<112x128xf32, #tpu.memory_space<hbm>>
    %dma_start3A_183 = tpu.memref_slice %arg9[%dma_start3A_176] : memref<4x!tpu.dma_semaphore, #tpu.memory_space<semaphore_mem>> -> memref<1x!tpu.dma_semaphore, #tpu.memory_space<semaphore_mem>>
    %dma_start3A_184 = tpu.memref_squeeze %dma_start3A_183 : memref<1x!tpu.dma_semaphore, #tpu.memory_space<semaphore_mem>> -> memref<!tpu.dma_semaphore, #tpu.memory_space<semaphore_mem>>
    %dma_start3A_185 = arith.constant 0 : i32
    %dma_start3A_186 = tpu.memref_slice %arg4[%multiple_of3A_174, %dma_start3A_185] : memref<100000x128xf32, #tpu.memory_space<hbm>> -> memref<112x128xf32, #tpu.memory_space<hbm>>
    %dma_start3A_187 = arith.constant 0 : i32
    %dma_start3A_188 = arith.constant 0 : i32
    %dma_start3A_189 = tpu.memref_slice %arg6[%dma_start3A_175, %dma_start3A_187, %dma_start3A_188] : memref<4x112x128xf32, #tpu.memory_space<vmem>> -> memref<1x112x128xf32, #tpu.memory_space<vmem>>
    %dma_start3A_190 = tpu.memref_squeeze %dma_start3A_189 : memref<1x112x128xf32, #tpu.memory_space<vmem>> -> memref<112x128xf32, #tpu.memory_space<vmem>>
    tpu.enqueue_dma source(%dma_start3A_190 : memref<112x128xf32, #tpu.memory_space<vmem>>) target(%dma_start3A_186 : memref<112x128xf32, #tpu.memory_space<hbm>>) target_semaphore(%dma_start3A_184 : memref<!tpu.dma_semaphore, #tpu.memory_space<semaphore_mem>>)
    %dma_wait3A_191 = arith.constant 1 : i32
    %dma_wait3A_192 = arith.constant 1 : i32
    %dma_wait3A_193 = arith.constant 0 : i32
    %dma_wait3A_194 = arith.constant 0 : i32
    %dma_wait3A_195 = tpu.memref_slice %arg6[%dma_wait3A_191, %dma_wait3A_193, %dma_wait3A_194] : memref<4x112x128xf32, #tpu.memory_space<vmem>> -> memref<1x112x128xf32, #tpu.memory_space<vmem>>
    %dma_wait3A_196 = tpu.memref_squeeze %dma_wait3A_195 : memref<1x112x128xf32, #tpu.memory_space<vmem>> -> memref<112x128xf32, #tpu.memory_space<vmem>>
    %dma_wait3A_197 = arith.constant 0 : i32
    %dma_wait3A_198 = tpu.memref_slice %arg4[%multiple_of3A_113, %dma_wait3A_197] : memref<100000x128xf32, #tpu.memory_space<hbm>> -> memref<112x128xf32, #tpu.memory_space<hbm>>
    %dma_wait3A_199 = tpu.memref_slice %arg9[%dma_wait3A_192] : memref<4x!tpu.dma_semaphore, #tpu.memory_space<semaphore_mem>> -> memref<1x!tpu.dma_semaphore, #tpu.memory_space<semaphore_mem>>
    %dma_wait3A_200 = tpu.memref_squeeze %dma_wait3A_199 : memref<1x!tpu.dma_semaphore, #tpu.memory_space<semaphore_mem>> -> memref<!tpu.dma_semaphore, #tpu.memory_space<semaphore_mem>>
    %dma_wait3A_201 = arith.constant 0 : i32
    %dma_wait3A_202 = tpu.memref_slice %arg4[%multiple_of3A_113, %dma_wait3A_201] : memref<100000x128xf32, #tpu.memory_space<hbm>> -> memref<112x128xf32, #tpu.memory_space<hbm>>
    %dma_wait3A_203 = arith.constant 0 : i32
    %dma_wait3A_204 = arith.constant 0 : i32
    %dma_wait3A_205 = tpu.memref_slice %arg6[%dma_wait3A_191, %dma_wait3A_203, %dma_wait3A_204] : memref<4x112x128xf32, #tpu.memory_space<vmem>> -> memref<1x112x128xf32, #tpu.memory_space<vmem>>
    %dma_wait3A_206 = tpu.memref_squeeze %dma_wait3A_205 : memref<1x112x128xf32, #tpu.memory_space<vmem>> -> memref<112x128xf32, #tpu.memory_space<vmem>>
    tpu.wait_dma2 semaphore(%dma_wait3A_200 : memref<!tpu.dma_semaphore, #tpu.memory_space<semaphore_mem>>) src(%dma_wait3A_206 : memref<112x128xf32, #tpu.memory_space<vmem>>) dst(%dma_wait3A_202 : memref<112x128xf32, #tpu.memory_space<hbm>>)
    %dma_start3A_207 = arith.constant 1 : i32
    %dma_start3A_208 = arith.constant 1 : i32
    %dma_start3A_209 = arith.constant 0 : i32
    %dma_start3A_210 = arith.constant 0 : i32
    %dma_start3A_211 = tpu.memref_slice %arg6[%dma_start3A_207, %dma_start3A_209, %dma_start3A_210] : memref<4x112x128xf32, #tpu.memory_space<vmem>> -> memref<1x112x128xf32, #tpu.memory_space<vmem>>
    %dma_start3A_212 = tpu.memref_squeeze %dma_start3A_211 : memref<1x112x128xf32, #tpu.memory_space<vmem>> -> memref<112x128xf32, #tpu.memory_space<vmem>>
    %dma_start3A_213 = arith.constant 560 : i32
    %dma_start3A_214 = tpu.memref_slice %arg5[%dma_start3A_213] : memref<3136xi32, #tpu.memory_space<vmem>> -> memref<112xi32, #tpu.memory_space<vmem>>
    %dma_start3A_215 = arith.constant 0 : i32
    %dma_start3A_216 = arith.constant 0 : i32
    %dma_start3A_217 = tpu.memref_slice %arg7[%dma_start3A_215, %dma_start3A_216] : memref<1025x128xf32, #tpu.memory_space<vmem_shared>> -> memref<1025x128xf32, #tpu.memory_space<vmem_shared>>
    %dma_start3A_218 = tpu.memref_slice %arg8[%dma_start3A_208] : memref<4x!tpu.dma_semaphore, #tpu.memory_space<semaphore_mem>> -> memref<1x!tpu.dma_semaphore, #tpu.memory_space<semaphore_mem>>
    %dma_start3A_219 = tpu.memref_squeeze %dma_start3A_218 : memref<1x!tpu.dma_semaphore, #tpu.memory_space<semaphore_mem>> -> memref<!tpu.dma_semaphore, #tpu.memory_space<semaphore_mem>>
    tpu.enqueue_indirect_dma source(%dma_start3A_217 : memref<1025x128xf32, #tpu.memory_space<vmem_shared>>) target(%dma_start3A_212 : memref<112x128xf32, #tpu.memory_space<vmem>>) offsets(%dma_start3A_214 : memref<112xi32, #tpu.memory_space<vmem>>) semaphore(%dma_start3A_219 : memref<!tpu.dma_semaphore, #tpu.memory_space<semaphore_mem>>)
    %dma_wait3A_220 = arith.constant 3 : i32
    %dma_wait3A_221 = arith.constant 3 : i32
    %dma_wait3A_222 = arith.constant 0 : i32
    %dma_wait3A_223 = arith.constant 0 : i32
    %dma_wait3A_224 = tpu.memref_slice %arg6[%dma_wait3A_220, %dma_wait3A_222, %dma_wait3A_223] : memref<4x112x128xf32, #tpu.memory_space<vmem>> -> memref<1x112x128xf32, #tpu.memory_space<vmem>>
    %dma_wait3A_225 = tpu.memref_squeeze %dma_wait3A_224 : memref<1x112x128xf32, #tpu.memory_space<vmem>> -> memref<112x128xf32, #tpu.memory_space<vmem>>
    %dma_wait3A_226 = arith.constant 336 : i32
    %dma_wait3A_227 = tpu.memref_slice %arg5[%dma_wait3A_226] : memref<3136xi32, #tpu.memory_space<vmem>> -> memref<112xi32, #tpu.memory_space<vmem>>
    %dma_wait3A_228 = arith.constant 0 : i32
    %dma_wait3A_229 = arith.constant 0 : i32
    %dma_wait3A_230 = tpu.memref_slice %arg7[%dma_wait3A_228, %dma_wait3A_229] : memref<1025x128xf32, #tpu.memory_space<vmem_shared>> -> memref<1025x128xf32, #tpu.memory_space<vmem_shared>>
    %dma_wait3A_231 = tpu.memref_slice %arg8[%dma_wait3A_221] : memref<4x!tpu.dma_semaphore, #tpu.memory_space<semaphore_mem>> -> memref<1x!tpu.dma_semaphore, #tpu.memory_space<semaphore_mem>>
    %dma_wait3A_232 = tpu.memref_squeeze %dma_wait3A_231 : memref<1x!tpu.dma_semaphore, #tpu.memory_space<semaphore_mem>> -> memref<!tpu.dma_semaphore, #tpu.memory_space<semaphore_mem>>
    tpu.wait_indirect_dma semaphore(%dma_wait3A_232 : memref<!tpu.dma_semaphore, #tpu.memory_space<semaphore_mem>>) src(%dma_wait3A_230 : memref<1025x128xf32, #tpu.memory_space<vmem_shared>>) dst(%dma_wait3A_225 : memref<112x128xf32, #tpu.memory_space<vmem>>)
    %add3A_233 = arith.constant 336 : i32
    %add3A_234 = arith.addi %min3A_3, %add3A_233 : i32
    %multiple_of3A_235 = tpu.assume_multiple %add3A_234, 8 : i32
    %dma_start3A_236 = arith.constant 3 : i32
    %dma_start3A_237 = arith.constant 3 : i32
    %dma_start3A_238 = arith.constant 0 : i32
    %dma_start3A_239 = arith.constant 0 : i32
    %dma_start3A_240 = tpu.memref_slice %arg6[%dma_start3A_236, %dma_start3A_238, %dma_start3A_239] : memref<4x112x128xf32, #tpu.memory_space<vmem>> -> memref<1x112x128xf32, #tpu.memory_space<vmem>>
    %dma_start3A_241 = tpu.memref_squeeze %dma_start3A_240 : memref<1x112x128xf32, #tpu.memory_space<vmem>> -> memref<112x128xf32, #tpu.memory_space<vmem>>
    %dma_start3A_242 = arith.constant 0 : i32
    %dma_start3A_243 = tpu.memref_slice %arg4[%multiple_of3A_235, %dma_start3A_242] : memref<100000x128xf32, #tpu.memory_space<hbm>> -> memref<112x128xf32, #tpu.memory_space<hbm>>
    %dma_start3A_244 = tpu.memref_slice %arg9[%dma_start3A_237] : memref<4x!tpu.dma_semaphore, #tpu.memory_space<semaphore_mem>> -> memref<1x!tpu.dma_semaphore, #tpu.memory_space<semaphore_mem>>
    %dma_start3A_245 = tpu.memref_squeeze %dma_start3A_244 : memref<1x!tpu.dma_semaphore, #tpu.memory_space<semaphore_mem>> -> memref<!tpu.dma_semaphore, #tpu.memory_space<semaphore_mem>>
    %dma_start3A_246 = arith.constant 0 : i32
    %dma_start3A_247 = tpu.memref_slice %arg4[%multiple_of3A_235, %dma_start3A_246] : memref<100000x128xf32, #tpu.memory_space<hbm>> -> memref<112x128xf32, #tpu.memory_space<hbm>>
    %dma_start3A_248 = arith.constant 0 : i32
    %dma_start3A_249 = arith.constant 0 : i32
    %dma_start3A_250 = tpu.memref_slice %arg6[%dma_start3A_236, %dma_start3A_248, %dma_start3A_249] : memref<4x112x128xf32, #tpu.memory_space<vmem>> -> memref<1x112x128xf32, #tpu.memory_space<vmem>>
    %dma_start3A_251 = tpu.memref_squeeze %dma_start3A_250 : memref<1x112x128xf32, #tpu.memory_space<vmem>> -> memref<112x128xf32, #tpu.memory_space<vmem>>
    tpu.enqueue_dma source(%dma_start3A_251 : memref<112x128xf32, #tpu.memory_space<vmem>>) target(%dma_start3A_247 : memref<112x128xf32, #tpu.memory_space<hbm>>) target_semaphore(%dma_start3A_245 : memref<!tpu.dma_semaphore, #tpu.memory_space<semaphore_mem>>)
    %dma_wait3A_252 = arith.constant 2 : i32
    %dma_wait3A_253 = arith.constant 2 : i32
    %dma_wait3A_254 = arith.constant 0 : i32
    %dma_wait3A_255 = arith.constant 0 : i32
    %dma_wait3A_256 = tpu.memref_slice %arg6[%dma_wait3A_252, %dma_wait3A_254, %dma_wait3A_255] : memref<4x112x128xf32, #tpu.memory_space<vmem>> -> memref<1x112x128xf32, #tpu.memory_space<vmem>>
    %dma_wait3A_257 = tpu.memref_squeeze %dma_wait3A_256 : memref<1x112x128xf32, #tpu.memory_space<vmem>> -> memref<112x128xf32, #tpu.memory_space<vmem>>
    %dma_wait3A_258 = arith.constant 0 : i32
    %dma_wait3A_259 = tpu.memref_slice %arg4[%multiple_of3A_174, %dma_wait3A_258] : memref<100000x128xf32, #tpu.memory_space<hbm>> -> memref<112x128xf32, #tpu.memory_space<hbm>>
    %dma_wait3A_260 = tpu.memref_slice %arg9[%dma_wait3A_253] : memref<4x!tpu.dma_semaphore, #tpu.memory_space<semaphore_mem>> -> memref<1x!tpu.dma_semaphore, #tpu.memory_space<semaphore_mem>>
    %dma_wait3A_261 = tpu.memref_squeeze %dma_wait3A_260 : memref<1x!tpu.dma_semaphore, #tpu.memory_space<semaphore_mem>> -> memref<!tpu.dma_semaphore, #tpu.memory_space<semaphore_mem>>
    %dma_wait3A_262 = arith.constant 0 : i32
    %dma_wait3A_263 = tpu.memref_slice %arg4[%multiple_of3A_174, %dma_wait3A_262] : memref<100000x128xf32, #tpu.memory_space<hbm>> -> memref<112x128xf32, #tpu.memory_space<hbm>>
    %dma_wait3A_264 = arith.constant 0 : i32
    %dma_wait3A_265 = arith.constant 0 : i32
    %dma_wait3A_266 = tpu.memref_slice %arg6[%dma_wait3A_252, %dma_wait3A_264, %dma_wait3A_265] : memref<4x112x128xf32, #tpu.memory_space<vmem>> -> memref<1x112x128xf32, #tpu.memory_space<vmem>>
    %dma_wait3A_267 = tpu.memref_squeeze %dma_wait3A_266 : memref<1x112x128xf32, #tpu.memory_space<vmem>> -> memref<112x128xf32, #tpu.memory_space<vmem>>
    tpu.wait_dma2 semaphore(%dma_wait3A_261 : memref<!tpu.dma_semaphore, #tpu.memory_space<semaphore_mem>>) src(%dma_wait3A_267 : memref<112x128xf32, #tpu.memory_space<vmem>>) dst(%dma_wait3A_263 : memref<112x128xf32, #tpu.memory_space<hbm>>)
    %dma_start3A_268 = arith.constant 2 : i32
    %dma_start3A_269 = arith.constant 2 : i32
    %dma_start3A_270 = arith.constant 0 : i32
    %dma_start3A_271 = arith.constant 0 : i32
    %dma_start3A_272 = tpu.memref_slice %arg6[%dma_start3A_268, %dma_start3A_270, %dma_start3A_271] : memref<4x112x128xf32, #tpu.memory_space<vmem>> -> memref<1x112x128xf32, #tpu.memory_space<vmem>>
    %dma_start3A_273 = tpu.memref_squeeze %dma_start3A_272 : memref<1x112x128xf32, #tpu.memory_space<vmem>> -> memref<112x128xf32, #tpu.memory_space<vmem>>
    %dma_start3A_274 = arith.constant 672 : i32
    %dma_start3A_275 = tpu.memref_slice %arg5[%dma_start3A_274] : memref<3136xi32, #tpu.memory_space<vmem>> -> memref<112xi32, #tpu.memory_space<vmem>>
    %dma_start3A_276 = arith.constant 0 : i32
    %dma_start3A_277 = arith.constant 0 : i32
    %dma_start3A_278 = tpu.memref_slice %arg7[%dma_start3A_276, %dma_start3A_277] : memref<1025x128xf32, #tpu.memory_space<vmem_shared>> -> memref<1025x128xf32, #tpu.memory_space<vmem_shared>>
    %dma_start3A_279 = tpu.memref_slice %arg8[%dma_start3A_269] : memref<4x!tpu.dma_semaphore, #tpu.memory_space<semaphore_mem>> -> memref<1x!tpu.dma_semaphore, #tpu.memory_space<semaphore_mem>>
    %dma_start3A_280 = tpu.memref_squeeze %dma_start3A_279 : memref<1x!tpu.dma_semaphore, #tpu.memory_space<semaphore_mem>> -> memref<!tpu.dma_semaphore, #tpu.memory_space<semaphore_mem>>
    tpu.enqueue_indirect_dma source(%dma_start3A_278 : memref<1025x128xf32, #tpu.memory_space<vmem_shared>>) target(%dma_start3A_273 : memref<112x128xf32, #tpu.memory_space<vmem>>) offsets(%dma_start3A_275 : memref<112xi32, #tpu.memory_space<vmem>>) semaphore(%dma_start3A_280 : memref<!tpu.dma_semaphore, #tpu.memory_space<semaphore_mem>>)
    %dma_wait3A_281 = arith.constant 0 : i32
    %dma_wait3A_282 = arith.constant 0 : i32
    %dma_wait3A_283 = arith.constant 0 : i32
    %dma_wait3A_284 = arith.constant 0 : i32
    %dma_wait3A_285 = tpu.memref_slice %arg6[%dma_wait3A_281, %dma_wait3A_283, %dma_wait3A_284] : memref<4x112x128xf32, #tpu.memory_space<vmem>> -> memref<1x112x128xf32, #tpu.memory_space<vmem>>
    %dma_wait3A_286 = tpu.memref_squeeze %dma_wait3A_285 : memref<1x112x128xf32, #tpu.memory_space<vmem>> -> memref<112x128xf32, #tpu.memory_space<vmem>>
    %dma_wait3A_287 = arith.constant 448 : i32
    %dma_wait3A_288 = tpu.memref_slice %arg5[%dma_wait3A_287] : memref<3136xi32, #tpu.memory_space<vmem>> -> memref<112xi32, #tpu.memory_space<vmem>>
    %dma_wait3A_289 = arith.constant 0 : i32
    %dma_wait3A_290 = arith.constant 0 : i32
    %dma_wait3A_291 = tpu.memref_slice %arg7[%dma_wait3A_289, %dma_wait3A_290] : memref<1025x128xf32, #tpu.memory_space<vmem_shared>> -> memref<1025x128xf32, #tpu.memory_space<vmem_shared>>
    %dma_wait3A_292 = tpu.memref_slice %arg8[%dma_wait3A_282] : memref<4x!tpu.dma_semaphore, #tpu.memory_space<semaphore_mem>> -> memref<1x!tpu.dma_semaphore, #tpu.memory_space<semaphore_mem>>
    %dma_wait3A_293 = tpu.memref_squeeze %dma_wait3A_292 : memref<1x!tpu.dma_semaphore, #tpu.memory_space<semaphore_mem>> -> memref<!tpu.dma_semaphore, #tpu.memory_space<semaphore_mem>>
    tpu.wait_indirect_dma semaphore(%dma_wait3A_293 : memref<!tpu.dma_semaphore, #tpu.memory_space<semaphore_mem>>) src(%dma_wait3A_291 : memref<1025x128xf32, #tpu.memory_space<vmem_shared>>) dst(%dma_wait3A_286 : memref<112x128xf32, #tpu.memory_space<vmem>>)
    %add3A_294 = arith.constant 448 : i32
    %add3A_295 = arith.addi %min3A_3, %add3A_294 : i32
    %multiple_of3A_296 = tpu.assume_multiple %add3A_295, 8 : i32
    %dma_start3A_297 = arith.constant 0 : i32
    %dma_start3A_298 = arith.constant 0 : i32
    %dma_start3A_299 = arith.constant 0 : i32
    %dma_start3A_300 = arith.constant 0 : i32
    %dma_start3A_301 = tpu.memref_slice %arg6[%dma_start3A_297, %dma_start3A_299, %dma_start3A_300] : memref<4x112x128xf32, #tpu.memory_space<vmem>> -> memref<1x112x128xf32, #tpu.memory_space<vmem>>
    %dma_start3A_302 = tpu.memref_squeeze %dma_start3A_301 : memref<1x112x128xf32, #tpu.memory_space<vmem>> -> memref<112x128xf32, #tpu.memory_space<vmem>>
    %dma_start3A_303 = arith.constant 0 : i32
    %dma_start3A_304 = tpu.memref_slice %arg4[%multiple_of3A_296, %dma_start3A_303] : memref<100000x128xf32, #tpu.memory_space<hbm>> -> memref<112x128xf32, #tpu.memory_space<hbm>>
    %dma_start3A_305 = tpu.memref_slice %arg9[%dma_start3A_298] : memref<4x!tpu.dma_semaphore, #tpu.memory_space<semaphore_mem>> -> memref<1x!tpu.dma_semaphore, #tpu.memory_space<semaphore_mem>>
    %dma_start3A_306 = tpu.memref_squeeze %dma_start3A_305 : memref<1x!tpu.dma_semaphore, #tpu.memory_space<semaphore_mem>> -> memref<!tpu.dma_semaphore, #tpu.memory_space<semaphore_mem>>
    %dma_start3A_307 = arith.constant 0 : i32
    %dma_start3A_308 = tpu.memref_slice %arg4[%multiple_of3A_296, %dma_start3A_307] : memref<100000x128xf32, #tpu.memory_space<hbm>> -> memref<112x128xf32, #tpu.memory_space<hbm>>
    %dma_start3A_309 = arith.constant 0 : i32
    %dma_start3A_310 = arith.constant 0 : i32
    %dma_start3A_311 = tpu.memref_slice %arg6[%dma_start3A_297, %dma_start3A_309, %dma_start3A_310] : memref<4x112x128xf32, #tpu.memory_space<vmem>> -> memref<1x112x128xf32, #tpu.memory_space<vmem>>
    %dma_start3A_312 = tpu.memref_squeeze %dma_start3A_311 : memref<1x112x128xf32, #tpu.memory_space<vmem>> -> memref<112x128xf32, #tpu.memory_space<vmem>>
    tpu.enqueue_dma source(%dma_start3A_312 : memref<112x128xf32, #tpu.memory_space<vmem>>) target(%dma_start3A_308 : memref<112x128xf32, #tpu.memory_space<hbm>>) target_semaphore(%dma_start3A_306 : memref<!tpu.dma_semaphore, #tpu.memory_space<semaphore_mem>>)
    %dma_wait3A_313 = arith.constant 3 : i32
    %dma_wait3A_314 = arith.constant 3 : i32
    %dma_wait3A_315 = arith.constant 0 : i32
    %dma_wait3A_316 = arith.constant 0 : i32
    %dma_wait3A_317 = tpu.memref_slice %arg6[%dma_wait3A_313, %dma_wait3A_315, %dma_wait3A_316] : memref<4x112x128xf32, #tpu.memory_space<vmem>> -> memref<1x112x128xf32, #tpu.memory_space<vmem>>
    %dma_wait3A_318 = tpu.memref_squeeze %dma_wait3A_317 : memref<1x112x128xf32, #tpu.memory_space<vmem>> -> memref<112x128xf32, #tpu.memory_space<vmem>>
    %dma_wait3A_319 = arith.constant 0 : i32
    %dma_wait3A_320 = tpu.memref_slice %arg4[%multiple_of3A_235, %dma_wait3A_319] : memref<100000x128xf32, #tpu.memory_space<hbm>> -> memref<112x128xf32, #tpu.memory_space<hbm>>
    %dma_wait3A_321 = tpu.memref_slice %arg9[%dma_wait3A_314] : memref<4x!tpu.dma_semaphore, #tpu.memory_space<semaphore_mem>> -> memref<1x!tpu.dma_semaphore, #tpu.memory_space<semaphore_mem>>
    %dma_wait3A_322 = tpu.memref_squeeze %dma_wait3A_321 : memref<1x!tpu.dma_semaphore, #tpu.memory_space<semaphore_mem>> -> memref<!tpu.dma_semaphore, #tpu.memory_space<semaphore_mem>>
    %dma_wait3A_323 = arith.constant 0 : i32
    %dma_wait3A_324 = tpu.memref_slice %arg4[%multiple_of3A_235, %dma_wait3A_323] : memref<100000x128xf32, #tpu.memory_space<hbm>> -> memref<112x128xf32, #tpu.memory_space<hbm>>
    %dma_wait3A_325 = arith.constant 0 : i32
    %dma_wait3A_326 = arith.constant 0 : i32
    %dma_wait3A_327 = tpu.memref_slice %arg6[%dma_wait3A_313, %dma_wait3A_325, %dma_wait3A_326] : memref<4x112x128xf32, #tpu.memory_space<vmem>> -> memref<1x112x128xf32, #tpu.memory_space<vmem>>
    %dma_wait3A_328 = tpu.memref_squeeze %dma_wait3A_327 : memref<1x112x128xf32, #tpu.memory_space<vmem>> -> memref<112x128xf32, #tpu.memory_space<vmem>>
    tpu.wait_dma2 semaphore(%dma_wait3A_322 : memref<!tpu.dma_semaphore, #tpu.memory_space<semaphore_mem>>) src(%dma_wait3A_328 : memref<112x128xf32, #tpu.memory_space<vmem>>) dst(%dma_wait3A_324 : memref<112x128xf32, #tpu.memory_space<hbm>>)
    %dma_start3A_329 = arith.constant 3 : i32
    %dma_start3A_330 = arith.constant 3 : i32
    %dma_start3A_331 = arith.constant 0 : i32
    %dma_start3A_332 = arith.constant 0 : i32
    %dma_start3A_333 = tpu.memref_slice %arg6[%dma_start3A_329, %dma_start3A_331, %dma_start3A_332] : memref<4x112x128xf32, #tpu.memory_space<vmem>> -> memref<1x112x128xf32, #tpu.memory_space<vmem>>
    %dma_start3A_334 = tpu.memref_squeeze %dma_start3A_333 : memref<1x112x128xf32, #tpu.memory_space<vmem>> -> memref<112x128xf32, #tpu.memory_space<vmem>>
    %dma_start3A_335 = arith.constant 784 : i32
    %dma_start3A_336 = tpu.memref_slice %arg5[%dma_start3A_335] : memref<3136xi32, #tpu.memory_space<vmem>> -> memref<112xi32, #tpu.memory_space<vmem>>
    %dma_start3A_337 = arith.constant 0 : i32
    %dma_start3A_338 = arith.constant 0 : i32
    %dma_start3A_339 = tpu.memref_slice %arg7[%dma_start3A_337, %dma_start3A_338] : memref<1025x128xf32, #tpu.memory_space<vmem_shared>> -> memref<1025x128xf32, #tpu.memory_space<vmem_shared>>
    %dma_start3A_340 = tpu.memref_slice %arg8[%dma_start3A_330] : memref<4x!tpu.dma_semaphore, #tpu.memory_space<semaphore_mem>> -> memref<1x!tpu.dma_semaphore, #tpu.memory_space<semaphore_mem>>
    %dma_start3A_341 = tpu.memref_squeeze %dma_start3A_340 : memref<1x!tpu.dma_semaphore, #tpu.memory_space<semaphore_mem>> -> memref<!tpu.dma_semaphore, #tpu.memory_space<semaphore_mem>>
    tpu.enqueue_indirect_dma source(%dma_start3A_339 : memref<1025x128xf32, #tpu.memory_space<vmem_shared>>) target(%dma_start3A_334 : memref<112x128xf32, #tpu.memory_space<vmem>>) offsets(%dma_start3A_336 : memref<112xi32, #tpu.memory_space<vmem>>) semaphore(%dma_start3A_341 : memref<!tpu.dma_semaphore, #tpu.memory_space<semaphore_mem>>)
    %dma_wait3A_342 = arith.constant 1 : i32
    %dma_wait3A_343 = arith.constant 1 : i32
    %dma_wait3A_344 = arith.constant 0 : i32
    %dma_wait3A_345 = arith.constant 0 : i32
    %dma_wait3A_346 = tpu.memref_slice %arg6[%dma_wait3A_342, %dma_wait3A_344, %dma_wait3A_345] : memref<4x112x128xf32, #tpu.memory_space<vmem>> -> memref<1x112x128xf32, #tpu.memory_space<vmem>>
    %dma_wait3A_347 = tpu.memref_squeeze %dma_wait3A_346 : memref<1x112x128xf32, #tpu.memory_space<vmem>> -> memref<112x128xf32, #tpu.memory_space<vmem>>
    %dma_wait3A_348 = arith.constant 560 : i32
    %dma_wait3A_349 = tpu.memref_slice %arg5[%dma_wait3A_348] : memref<3136xi32, #tpu.memory_space<vmem>> -> memref<112xi32, #tpu.memory_space<vmem>>
    %dma_wait3A_350 = arith.constant 0 : i32
    %dma_wait3A_351 = arith.constant 0 : i32
    %dma_wait3A_352 = tpu.memref_slice %arg7[%dma_wait3A_350, %dma_wait3A_351] : memref<1025x128xf32, #tpu.memory_space<vmem_shared>> -> memref<1025x128xf32, #tpu.memory_space<vmem_shared>>
    %dma_wait3A_353 = tpu.memref_slice %arg8[%dma_wait3A_343] : memref<4x!tpu.dma_semaphore, #tpu.memory_space<semaphore_mem>> -> memref<1x!tpu.dma_semaphore, #tpu.memory_space<semaphore_mem>>
    %dma_wait3A_354 = tpu.memref_squeeze %dma_wait3A_353 : memref<1x!tpu.dma_semaphore, #tpu.memory_space<semaphore_mem>> -> memref<!tpu.dma_semaphore, #tpu.memory_space<semaphore_mem>>
    tpu.wait_indirect_dma semaphore(%dma_wait3A_354 : memref<!tpu.dma_semaphore, #tpu.memory_space<semaphore_mem>>) src(%dma_wait3A_352 : memref<1025x128xf32, #tpu.memory_space<vmem_shared>>) dst(%dma_wait3A_347 : memref<112x128xf32, #tpu.memory_space<vmem>>)
    %add3A_355 = arith.constant 560 : i32
    %add3A_356 = arith.addi %min3A_3, %add3A_355 : i32
    %multiple_of3A_357 = tpu.assume_multiple %add3A_356, 8 : i32
    %dma_start3A_358 = arith.constant 1 : i32
    %dma_start3A_359 = arith.constant 1 : i32
    %dma_start3A_360 = arith.constant 0 : i32
    %dma_start3A_361 = arith.constant 0 : i32
    %dma_start3A_362 = tpu.memref_slice %arg6[%dma_start3A_358, %dma_start3A_360, %dma_start3A_361] : memref<4x112x128xf32, #tpu.memory_space<vmem>> -> memref<1x112x128xf32, #tpu.memory_space<vmem>>
    %dma_start3A_363 = tpu.memref_squeeze %dma_start3A_362 : memref<1x112x128xf32, #tpu.memory_space<vmem>> -> memref<112x128xf32, #tpu.memory_space<vmem>>
    %dma_start3A_364 = arith.constant 0 : i32
    %dma_start3A_365 = tpu.memref_slice %arg4[%multiple_of3A_357, %dma_start3A_364] : memref<100000x128xf32, #tpu.memory_space<hbm>> -> memref<112x128xf32, #tpu.memory_space<hbm>>
    %dma_start3A_366 = tpu.memref_slice %arg9[%dma_start3A_359] : memref<4x!tpu.dma_semaphore, #tpu.memory_space<semaphore_mem>> -> memref<1x!tpu.dma_semaphore, #tpu.memory_space<semaphore_mem>>
    %dma_start3A_367 = tpu.memref_squeeze %dma_start3A_366 : memref<1x!tpu.dma_semaphore, #tpu.memory_space<semaphore_mem>> -> memref<!tpu.dma_semaphore, #tpu.memory_space<semaphore_mem>>
    %dma_start3A_368 = arith.constant 0 : i32
    %dma_start3A_369 = tpu.memref_slice %arg4[%multiple_of3A_357, %dma_start3A_368] : memref<100000x128xf32, #tpu.memory_space<hbm>> -> memref<112x128xf32, #tpu.memory_space<hbm>>
    %dma_start3A_370 = arith.constant 0 : i32
    %dma_start3A_371 = arith.constant 0 : i32
    %dma_start3A_372 = tpu.memref_slice %arg6[%dma_start3A_358, %dma_start3A_370, %dma_start3A_371] : memref<4x112x128xf32, #tpu.memory_space<vmem>> -> memref<1x112x128xf32, #tpu.memory_space<vmem>>
    %dma_start3A_373 = tpu.memref_squeeze %dma_start3A_372 : memref<1x112x128xf32, #tpu.memory_space<vmem>> -> memref<112x128xf32, #tpu.memory_space<vmem>>
    tpu.enqueue_dma source(%dma_start3A_373 : memref<112x128xf32, #tpu.memory_space<vmem>>) target(%dma_start3A_369 : memref<112x128xf32, #tpu.memory_space<hbm>>) target_semaphore(%dma_start3A_367 : memref<!tpu.dma_semaphore, #tpu.memory_space<semaphore_mem>>)
    %dma_wait3A_374 = arith.constant 0 : i32
    %dma_wait3A_375 = arith.constant 0 : i32
    %dma_wait3A_376 = arith.constant 0 : i32
    %dma_wait3A_377 = arith.constant 0 : i32
    %dma_wait3A_378 = tpu.memref_slice %arg6[%dma_wait3A_374, %dma_wait3A_376, %dma_wait3A_377] : memref<4x112x128xf32, #tpu.memory_space<vmem>> -> memref<1x112x128xf32, #tpu.memory_space<vmem>>
    %dma_wait3A_379 = tpu.memref_squeeze %dma_wait3A_378 : memref<1x112x128xf32, #tpu.memory_space<vmem>> -> memref<112x128xf32, #tpu.memory_space<vmem>>
    %dma_wait3A_380 = arith.constant 0 : i32
    %dma_wait3A_381 = tpu.memref_slice %arg4[%multiple_of3A_296, %dma_wait3A_380] : memref<100000x128xf32, #tpu.memory_space<hbm>> -> memref<112x128xf32, #tpu.memory_space<hbm>>
    %dma_wait3A_382 = tpu.memref_slice %arg9[%dma_wait3A_375] : memref<4x!tpu.dma_semaphore, #tpu.memory_space<semaphore_mem>> -> memref<1x!tpu.dma_semaphore, #tpu.memory_space<semaphore_mem>>
    %dma_wait3A_383 = tpu.memref_squeeze %dma_wait3A_382 : memref<1x!tpu.dma_semaphore, #tpu.memory_space<semaphore_mem>> -> memref<!tpu.dma_semaphore, #tpu.memory_space<semaphore_mem>>
    %dma_wait3A_384 = arith.constant 0 : i32
    %dma_wait3A_385 = tpu.memref_slice %arg4[%multiple_of3A_296, %dma_wait3A_384] : memref<100000x128xf32, #tpu.memory_space<hbm>> -> memref<112x128xf32, #tpu.memory_space<hbm>>
    %dma_wait3A_386 = arith.constant 0 : i32
    %dma_wait3A_387 = arith.constant 0 : i32
    %dma_wait3A_388 = tpu.memref_slice %arg6[%dma_wait3A_374, %dma_wait3A_386, %dma_wait3A_387] : memref<4x112x128xf32, #tpu.memory_space<vmem>> -> memref<1x112x128xf32, #tpu.memory_space<vmem>>
    %dma_wait3A_389 = tpu.memref_squeeze %dma_wait3A_388 : memref<1x112x128xf32, #tpu.memory_space<vmem>> -> memref<112x128xf32, #tpu.memory_space<vmem>>
    tpu.wait_dma2 semaphore(%dma_wait3A_383 : memref<!tpu.dma_semaphore, #tpu.memory_space<semaphore_mem>>) src(%dma_wait3A_389 : memref<112x128xf32, #tpu.memory_space<vmem>>) dst(%dma_wait3A_385 : memref<112x128xf32, #tpu.memory_space<hbm>>)
    %dma_start3A_390 = arith.constant 0 : i32
    %dma_start3A_391 = arith.constant 0 : i32
    %dma_start3A_392 = arith.constant 0 : i32
    %dma_start3A_393 = arith.constant 0 : i32
    %dma_start3A_394 = tpu.memref_slice %arg6[%dma_start3A_390, %dma_start3A_392, %dma_start3A_393] : memref<4x112x128xf32, #tpu.memory_space<vmem>> -> memref<1x112x128xf32, #tpu.memory_space<vmem>>
    %dma_start3A_395 = tpu.memref_squeeze %dma_start3A_394 : memref<1x112x128xf32, #tpu.memory_space<vmem>> -> memref<112x128xf32, #tpu.memory_space<vmem>>
    %dma_start3A_396 = arith.constant 896 : i32
    %dma_start3A_397 = tpu.memref_slice %arg5[%dma_start3A_396] : memref<3136xi32, #tpu.memory_space<vmem>> -> memref<112xi32, #tpu.memory_space<vmem>>
    %dma_start3A_398 = arith.constant 0 : i32
    %dma_start3A_399 = arith.constant 0 : i32
    %dma_start3A_400 = tpu.memref_slice %arg7[%dma_start3A_398, %dma_start3A_399] : memref<1025x128xf32, #tpu.memory_space<vmem_shared>> -> memref<1025x128xf32, #tpu.memory_space<vmem_shared>>
    %dma_start3A_401 = tpu.memref_slice %arg8[%dma_start3A_391] : memref<4x!tpu.dma_semaphore, #tpu.memory_space<semaphore_mem>> -> memref<1x!tpu.dma_semaphore, #tpu.memory_space<semaphore_mem>>
    %dma_start3A_402 = tpu.memref_squeeze %dma_start3A_401 : memref<1x!tpu.dma_semaphore, #tpu.memory_space<semaphore_mem>> -> memref<!tpu.dma_semaphore, #tpu.memory_space<semaphore_mem>>
    tpu.enqueue_indirect_dma source(%dma_start3A_400 : memref<1025x128xf32, #tpu.memory_space<vmem_shared>>) target(%dma_start3A_395 : memref<112x128xf32, #tpu.memory_space<vmem>>) offsets(%dma_start3A_397 : memref<112xi32, #tpu.memory_space<vmem>>) semaphore(%dma_start3A_402 : memref<!tpu.dma_semaphore, #tpu.memory_space<semaphore_mem>>)
    %dma_wait3A_403 = arith.constant 2 : i32
    %dma_wait3A_404 = arith.constant 2 : i32
    %dma_wait3A_405 = arith.constant 0 : i32
    %dma_wait3A_406 = arith.constant 0 : i32
    %dma_wait3A_407 = tpu.memref_slice %arg6[%dma_wait3A_403, %dma_wait3A_405, %dma_wait3A_406] : memref<4x112x128xf32, #tpu.memory_space<vmem>> -> memref<1x112x128xf32, #tpu.memory_space<vmem>>
    %dma_wait3A_408 = tpu.memref_squeeze %dma_wait3A_407 : memref<1x112x128xf32, #tpu.memory_space<vmem>> -> memref<112x128xf32, #tpu.memory_space<vmem>>
    %dma_wait3A_409 = arith.constant 672 : i32
    %dma_wait3A_410 = tpu.memref_slice %arg5[%dma_wait3A_409] : memref<3136xi32, #tpu.memory_space<vmem>> -> memref<112xi32, #tpu.memory_space<vmem>>
    %dma_wait3A_411 = arith.constant 0 : i32
    %dma_wait3A_412 = arith.constant 0 : i32
    %dma_wait3A_413 = tpu.memref_slice %arg7[%dma_wait3A_411, %dma_wait3A_412] : memref<1025x128xf32, #tpu.memory_space<vmem_shared>> -> memref<1025x128xf32, #tpu.memory_space<vmem_shared>>
    %dma_wait3A_414 = tpu.memref_slice %arg8[%dma_wait3A_404] : memref<4x!tpu.dma_semaphore, #tpu.memory_space<semaphore_mem>> -> memref<1x!tpu.dma_semaphore, #tpu.memory_space<semaphore_mem>>
    %dma_wait3A_415 = tpu.memref_squeeze %dma_wait3A_414 : memref<1x!tpu.dma_semaphore, #tpu.memory_space<semaphore_mem>> -> memref<!tpu.dma_semaphore, #tpu.memory_space<semaphore_mem>>
    tpu.wait_indirect_dma semaphore(%dma_wait3A_415 : memref<!tpu.dma_semaphore, #tpu.memory_space<semaphore_mem>>) src(%dma_wait3A_413 : memref<1025x128xf32, #tpu.memory_space<vmem_shared>>) dst(%dma_wait3A_408 : memref<112x128xf32, #tpu.memory_space<vmem>>)
    %add3A_416 = arith.constant 672 : i32
    %add3A_417 = arith.addi %min3A_3, %add3A_416 : i32
    %multiple_of3A_418 = tpu.assume_multiple %add3A_417, 8 : i32
    %dma_start3A_419 = arith.constant 2 : i32
    %dma_start3A_420 = arith.constant 2 : i32
    %dma_start3A_421 = arith.constant 0 : i32
    %dma_start3A_422 = arith.constant 0 : i32
    %dma_start3A_423 = tpu.memref_slice %arg6[%dma_start3A_419, %dma_start3A_421, %dma_start3A_422] : memref<4x112x128xf32, #tpu.memory_space<vmem>> -> memref<1x112x128xf32, #tpu.memory_space<vmem>>
    %dma_start3A_424 = tpu.memref_squeeze %dma_start3A_423 : memref<1x112x128xf32, #tpu.memory_space<vmem>> -> memref<112x128xf32, #tpu.memory_space<vmem>>
    %dma_start3A_425 = arith.constant 0 : i32
    %dma_start3A_426 = tpu.memref_slice %arg4[%multiple_of3A_418, %dma_start3A_425] : memref<100000x128xf32, #tpu.memory_space<hbm>> -> memref<112x128xf32, #tpu.memory_space<hbm>>
    %dma_start3A_427 = tpu.memref_slice %arg9[%dma_start3A_420] : memref<4x!tpu.dma_semaphore, #tpu.memory_space<semaphore_mem>> -> memref<1x!tpu.dma_semaphore, #tpu.memory_space<semaphore_mem>>
    %dma_start3A_428 = tpu.memref_squeeze %dma_start3A_427 : memref<1x!tpu.dma_semaphore, #tpu.memory_space<semaphore_mem>> -> memref<!tpu.dma_semaphore, #tpu.memory_space<semaphore_mem>>
    %dma_start3A_429 = arith.constant 0 : i32
    %dma_start3A_430 = tpu.memref_slice %arg4[%multiple_of3A_418, %dma_start3A_429] : memref<100000x128xf32, #tpu.memory_space<hbm>> -> memref<112x128xf32, #tpu.memory_space<hbm>>
    %dma_start3A_431 = arith.constant 0 : i32
    %dma_start3A_432 = arith.constant 0 : i32
    %dma_start3A_433 = tpu.memref_slice %arg6[%dma_start3A_419, %dma_start3A_431, %dma_start3A_432] : memref<4x112x128xf32, #tpu.memory_space<vmem>> -> memref<1x112x128xf32, #tpu.memory_space<vmem>>
    %dma_start3A_434 = tpu.memref_squeeze %dma_start3A_433 : memref<1x112x128xf32, #tpu.memory_space<vmem>> -> memref<112x128xf32, #tpu.memory_space<vmem>>
    tpu.enqueue_dma source(%dma_start3A_434 : memref<112x128xf32, #tpu.memory_space<vmem>>) target(%dma_start3A_430 : memref<112x128xf32, #tpu.memory_space<hbm>>) target_semaphore(%dma_start3A_428 : memref<!tpu.dma_semaphore, #tpu.memory_space<semaphore_mem>>)
    %dma_wait3A_435 = arith.constant 1 : i32
    %dma_wait3A_436 = arith.constant 1 : i32
    %dma_wait3A_437 = arith.constant 0 : i32
    %dma_wait3A_438 = arith.constant 0 : i32
    %dma_wait3A_439 = tpu.memref_slice %arg6[%dma_wait3A_435, %dma_wait3A_437, %dma_wait3A_438] : memref<4x112x128xf32, #tpu.memory_space<vmem>> -> memref<1x112x128xf32, #tpu.memory_space<vmem>>
    %dma_wait3A_440 = tpu.memref_squeeze %dma_wait3A_439 : memref<1x112x128xf32, #tpu.memory_space<vmem>> -> memref<112x128xf32, #tpu.memory_space<vmem>>
    %dma_wait3A_441 = arith.constant 0 : i32
    %dma_wait3A_442 = tpu.memref_slice %arg4[%multiple_of3A_357, %dma_wait3A_441] : memref<100000x128xf32, #tpu.memory_space<hbm>> -> memref<112x128xf32, #tpu.memory_space<hbm>>
    %dma_wait3A_443 = tpu.memref_slice %arg9[%dma_wait3A_436] : memref<4x!tpu.dma_semaphore, #tpu.memory_space<semaphore_mem>> -> memref<1x!tpu.dma_semaphore, #tpu.memory_space<semaphore_mem>>
    %dma_wait3A_444 = tpu.memref_squeeze %dma_wait3A_443 : memref<1x!tpu.dma_semaphore, #tpu.memory_space<semaphore_mem>> -> memref<!tpu.dma_semaphore, #tpu.memory_space<semaphore_mem>>
    %dma_wait3A_445 = arith.constant 0 : i32
    %dma_wait3A_446 = tpu.memref_slice %arg4[%multiple_of3A_357, %dma_wait3A_445] : memref<100000x128xf32, #tpu.memory_space<hbm>> -> memref<112x128xf32, #tpu.memory_space<hbm>>
    %dma_wait3A_447 = arith.constant 0 : i32
    %dma_wait3A_448 = arith.constant 0 : i32
    %dma_wait3A_449 = tpu.memref_slice %arg6[%dma_wait3A_435, %dma_wait3A_447, %dma_wait3A_448] : memref<4x112x128xf32, #tpu.memory_space<vmem>> -> memref<1x112x128xf32, #tpu.memory_space<vmem>>
    %dma_wait3A_450 = tpu.memref_squeeze %dma_wait3A_449 : memref<1x112x128xf32, #tpu.memory_space<vmem>> -> memref<112x128xf32, #tpu.memory_space<vmem>>
    tpu.wait_dma2 semaphore(%dma_wait3A_444 : memref<!tpu.dma_semaphore, #tpu.memory_space<semaphore_mem>>) src(%dma_wait3A_450 : memref<112x128xf32, #tpu.memory_space<vmem>>) dst(%dma_wait3A_446 : memref<112x128xf32, #tpu.memory_space<hbm>>)
    %dma_start3A_451 = arith.constant 1 : i32
    %dma_start3A_452 = arith.constant 1 : i32
    %dma_start3A_453 = arith.constant 0 : i32
    %dma_start3A_454 = arith.constant 0 : i32
    %dma_start3A_455 = tpu.memref_slice %arg6[%dma_start3A_451, %dma_start3A_453, %dma_start3A_454] : memref<4x112x128xf32, #tpu.memory_space<vmem>> -> memref<1x112x128xf32, #tpu.memory_space<vmem>>
    %dma_start3A_456 = tpu.memref_squeeze %dma_start3A_455 : memref<1x112x128xf32, #tpu.memory_space<vmem>> -> memref<112x128xf32, #tpu.memory_space<vmem>>
    %dma_start3A_457 = arith.constant 1008 : i32
    %dma_start3A_458 = tpu.memref_slice %arg5[%dma_start3A_457] : memref<3136xi32, #tpu.memory_space<vmem>> -> memref<112xi32, #tpu.memory_space<vmem>>
    %dma_start3A_459 = arith.constant 0 : i32
    %dma_start3A_460 = arith.constant 0 : i32
    %dma_start3A_461 = tpu.memref_slice %arg7[%dma_start3A_459, %dma_start3A_460] : memref<1025x128xf32, #tpu.memory_space<vmem_shared>> -> memref<1025x128xf32, #tpu.memory_space<vmem_shared>>
    %dma_start3A_462 = tpu.memref_slice %arg8[%dma_start3A_452] : memref<4x!tpu.dma_semaphore, #tpu.memory_space<semaphore_mem>> -> memref<1x!tpu.dma_semaphore, #tpu.memory_space<semaphore_mem>>
    %dma_start3A_463 = tpu.memref_squeeze %dma_start3A_462 : memref<1x!tpu.dma_semaphore, #tpu.memory_space<semaphore_mem>> -> memref<!tpu.dma_semaphore, #tpu.memory_space<semaphore_mem>>
    tpu.enqueue_indirect_dma source(%dma_start3A_461 : memref<1025x128xf32, #tpu.memory_space<vmem_shared>>) target(%dma_start3A_456 : memref<112x128xf32, #tpu.memory_space<vmem>>) offsets(%dma_start3A_458 : memref<112xi32, #tpu.memory_space<vmem>>) semaphore(%dma_start3A_463 : memref<!tpu.dma_semaphore, #tpu.memory_space<semaphore_mem>>)
    %dma_wait3A_464 = arith.constant 3 : i32
    %dma_wait3A_465 = arith.constant 3 : i32
    %dma_wait3A_466 = arith.constant 0 : i32
    %dma_wait3A_467 = arith.constant 0 : i32
    %dma_wait3A_468 = tpu.memref_slice %arg6[%dma_wait3A_464, %dma_wait3A_466, %dma_wait3A_467] : memref<4x112x128xf32, #tpu.memory_space<vmem>> -> memref<1x112x128xf32, #tpu.memory_space<vmem>>
    %dma_wait3A_469 = tpu.memref_squeeze %dma_wait3A_468 : memref<1x112x128xf32, #tpu.memory_space<vmem>> -> memref<112x128xf32, #tpu.memory_space<vmem>>
    %dma_wait3A_470 = arith.constant 784 : i32
    %dma_wait3A_471 = tpu.memref_slice %arg5[%dma_wait3A_470] : memref<3136xi32, #tpu.memory_space<vmem>> -> memref<112xi32, #tpu.memory_space<vmem>>
    %dma_wait3A_472 = arith.constant 0 : i32
    %dma_wait3A_473 = arith.constant 0 : i32
    %dma_wait3A_474 = tpu.memref_slice %arg7[%dma_wait3A_472, %dma_wait3A_473] : memref<1025x128xf32, #tpu.memory_space<vmem_shared>> -> memref<1025x128xf32, #tpu.memory_space<vmem_shared>>
    %dma_wait3A_475 = tpu.memref_slice %arg8[%dma_wait3A_465] : memref<4x!tpu.dma_semaphore, #tpu.memory_space<semaphore_mem>> -> memref<1x!tpu.dma_semaphore, #tpu.memory_space<semaphore_mem>>
    %dma_wait3A_476 = tpu.memref_squeeze %dma_wait3A_475 : memref<1x!tpu.dma_semaphore, #tpu.memory_space<semaphore_mem>> -> memref<!tpu.dma_semaphore, #tpu.memory_space<semaphore_mem>>
    tpu.wait_indirect_dma semaphore(%dma_wait3A_476 : memref<!tpu.dma_semaphore, #tpu.memory_space<semaphore_mem>>) src(%dma_wait3A_474 : memref<1025x128xf32, #tpu.memory_space<vmem_shared>>) dst(%dma_wait3A_469 : memref<112x128xf32, #tpu.memory_space<vmem>>)
    %add3A_477 = arith.constant 784 : i32
    %add3A_478 = arith.addi %min3A_3, %add3A_477 : i32
    %multiple_of3A_479 = tpu.assume_multiple %add3A_478, 8 : i32
    %dma_start3A_480 = arith.constant 3 : i32
    %dma_start3A_481 = arith.constant 3 : i32
    %dma_start3A_482 = arith.constant 0 : i32
    %dma_start3A_483 = arith.constant 0 : i32
    %dma_start3A_484 = tpu.memref_slice %arg6[%dma_start3A_480, %dma_start3A_482, %dma_start3A_483] : memref<4x112x128xf32, #tpu.memory_space<vmem>> -> memref<1x112x128xf32, #tpu.memory_space<vmem>>
    %dma_start3A_485 = tpu.memref_squeeze %dma_start3A_484 : memref<1x112x128xf32, #tpu.memory_space<vmem>> -> memref<112x128xf32, #tpu.memory_space<vmem>>
    %dma_start3A_486 = arith.constant 0 : i32
    %dma_start3A_487 = tpu.memref_slice %arg4[%multiple_of3A_479, %dma_start3A_486] : memref<100000x128xf32, #tpu.memory_space<hbm>> -> memref<112x128xf32, #tpu.memory_space<hbm>>
    %dma_start3A_488 = tpu.memref_slice %arg9[%dma_start3A_481] : memref<4x!tpu.dma_semaphore, #tpu.memory_space<semaphore_mem>> -> memref<1x!tpu.dma_semaphore, #tpu.memory_space<semaphore_mem>>
    %dma_start3A_489 = tpu.memref_squeeze %dma_start3A_488 : memref<1x!tpu.dma_semaphore, #tpu.memory_space<semaphore_mem>> -> memref<!tpu.dma_semaphore, #tpu.memory_space<semaphore_mem>>
    %dma_start3A_490 = arith.constant 0 : i32
    %dma_start3A_491 = tpu.memref_slice %arg4[%multiple_of3A_479, %dma_start3A_490] : memref<100000x128xf32, #tpu.memory_space<hbm>> -> memref<112x128xf32, #tpu.memory_space<hbm>>
    %dma_start3A_492 = arith.constant 0 : i32
    %dma_start3A_493 = arith.constant 0 : i32
    %dma_start3A_494 = tpu.memref_slice %arg6[%dma_start3A_480, %dma_start3A_492, %dma_start3A_493] : memref<4x112x128xf32, #tpu.memory_space<vmem>> -> memref<1x112x128xf32, #tpu.memory_space<vmem>>
    %dma_start3A_495 = tpu.memref_squeeze %dma_start3A_494 : memref<1x112x128xf32, #tpu.memory_space<vmem>> -> memref<112x128xf32, #tpu.memory_space<vmem>>
    tpu.enqueue_dma source(%dma_start3A_495 : memref<112x128xf32, #tpu.memory_space<vmem>>) target(%dma_start3A_491 : memref<112x128xf32, #tpu.memory_space<hbm>>) target_semaphore(%dma_start3A_489 : memref<!tpu.dma_semaphore, #tpu.memory_space<semaphore_mem>>)
    %dma_wait3A_496 = arith.constant 2 : i32
    %dma_wait3A_497 = arith.constant 2 : i32
    %dma_wait3A_498 = arith.constant 0 : i32
    %dma_wait3A_499 = arith.constant 0 : i32
    %dma_wait3A_500 = tpu.memref_slice %arg6[%dma_wait3A_496, %dma_wait3A_498, %dma_wait3A_499] : memref<4x112x128xf32, #tpu.memory_space<vmem>> -> memref<1x112x128xf32, #tpu.memory_space<vmem>>
    %dma_wait3A_501 = tpu.memref_squeeze %dma_wait3A_500 : memref<1x112x128xf32, #tpu.memory_space<vmem>> -> memref<112x128xf32, #tpu.memory_space<vmem>>
    %dma_wait3A_502 = arith.constant 0 : i32
    %dma_wait3A_503 = tpu.memref_slice %arg4[%multiple_of3A_418, %dma_wait3A_502] : memref<100000x128xf32, #tpu.memory_space<hbm>> -> memref<112x128xf32, #tpu.memory_space<hbm>>
    %dma_wait3A_504 = tpu.memref_slice %arg9[%dma_wait3A_497] : memref<4x!tpu.dma_semaphore, #tpu.memory_space<semaphore_mem>> -> memref<1x!tpu.dma_semaphore, #tpu.memory_space<semaphore_mem>>
    %dma_wait3A_505 = tpu.memref_squeeze %dma_wait3A_504 : memref<1x!tpu.dma_semaphore, #tpu.memory_space<semaphore_mem>> -> memref<!tpu.dma_semaphore, #tpu.memory_space<semaphore_mem>>
    %dma_wait3A_506 = arith.constant 0 : i32
    %dma_wait3A_507 = tpu.memref_slice %arg4[%multiple_of3A_418, %dma_wait3A_506] : memref<100000x128xf32, #tpu.memory_space<hbm>> -> memref<112x128xf32, #tpu.memory_space<hbm>>
    %dma_wait3A_508 = arith.constant 0 : i32
    %dma_wait3A_509 = arith.constant 0 : i32
    %dma_wait3A_510 = tpu.memref_slice %arg6[%dma_wait3A_496, %dma_wait3A_508, %dma_wait3A_509] : memref<4x112x128xf32, #tpu.memory_space<vmem>> -> memref<1x112x128xf32, #tpu.memory_space<vmem>>
    %dma_wait3A_511 = tpu.memref_squeeze %dma_wait3A_510 : memref<1x112x128xf32, #tpu.memory_space<vmem>> -> memref<112x128xf32, #tpu.memory_space<vmem>>
    tpu.wait_dma2 semaphore(%dma_wait3A_505 : memref<!tpu.dma_semaphore, #tpu.memory_space<semaphore_mem>>) src(%dma_wait3A_511 : memref<112x128xf32, #tpu.memory_space<vmem>>) dst(%dma_wait3A_507 : memref<112x128xf32, #tpu.memory_space<hbm>>)
    %dma_start3A_512 = arith.constant 2 : i32
    %dma_start3A_513 = arith.constant 2 : i32
    %dma_start3A_514 = arith.constant 0 : i32
    %dma_start3A_515 = arith.constant 0 : i32
    %dma_start3A_516 = tpu.memref_slice %arg6[%dma_start3A_512, %dma_start3A_514, %dma_start3A_515] : memref<4x112x128xf32, #tpu.memory_space<vmem>> -> memref<1x112x128xf32, #tpu.memory_space<vmem>>
    %dma_start3A_517 = tpu.memref_squeeze %dma_start3A_516 : memref<1x112x128xf32, #tpu.memory_space<vmem>> -> memref<112x128xf32, #tpu.memory_space<vmem>>
    %dma_start3A_518 = arith.constant 1120 : i32
    %dma_start3A_519 = tpu.memref_slice %arg5[%dma_start3A_518] : memref<3136xi32, #tpu.memory_space<vmem>> -> memref<112xi32, #tpu.memory_space<vmem>>
    %dma_start3A_520 = arith.constant 0 : i32
    %dma_start3A_521 = arith.constant 0 : i32
    %dma_start3A_522 = tpu.memref_slice %arg7[%dma_start3A_520, %dma_start3A_521] : memref<1025x128xf32, #tpu.memory_space<vmem_shared>> -> memref<1025x128xf32, #tpu.memory_space<vmem_shared>>
    %dma_start3A_523 = tpu.memref_slice %arg8[%dma_start3A_513] : memref<4x!tpu.dma_semaphore, #tpu.memory_space<semaphore_mem>> -> memref<1x!tpu.dma_semaphore, #tpu.memory_space<semaphore_mem>>
    %dma_start3A_524 = tpu.memref_squeeze %dma_start3A_523 : memref<1x!tpu.dma_semaphore, #tpu.memory_space<semaphore_mem>> -> memref<!tpu.dma_semaphore, #tpu.memory_space<semaphore_mem>>
    tpu.enqueue_indirect_dma source(%dma_start3A_522 : memref<1025x128xf32, #tpu.memory_space<vmem_shared>>) target(%dma_start3A_517 : memref<112x128xf32, #tpu.memory_space<vmem>>) offsets(%dma_start3A_519 : memref<112xi32, #tpu.memory_space<vmem>>) semaphore(%dma_start3A_524 : memref<!tpu.dma_semaphore, #tpu.memory_space<semaphore_mem>>)
    %dma_wait3A_525 = arith.constant 0 : i32
    %dma_wait3A_526 = arith.constant 0 : i32
    %dma_wait3A_527 = arith.constant 0 : i32
    %dma_wait3A_528 = arith.constant 0 : i32
    %dma_wait3A_529 = tpu.memref_slice %arg6[%dma_wait3A_525, %dma_wait3A_527, %dma_wait3A_528] : memref<4x112x128xf32, #tpu.memory_space<vmem>> -> memref<1x112x128xf32, #tpu.memory_space<vmem>>
    %dma_wait3A_530 = tpu.memref_squeeze %dma_wait3A_529 : memref<1x112x128xf32, #tpu.memory_space<vmem>> -> memref<112x128xf32, #tpu.memory_space<vmem>>
    %dma_wait3A_531 = arith.constant 896 : i32
    %dma_wait3A_532 = tpu.memref_slice %arg5[%dma_wait3A_531] : memref<3136xi32, #tpu.memory_space<vmem>> -> memref<112xi32, #tpu.memory_space<vmem>>
    %dma_wait3A_533 = arith.constant 0 : i32
    %dma_wait3A_534 = arith.constant 0 : i32
    %dma_wait3A_535 = tpu.memref_slice %arg7[%dma_wait3A_533, %dma_wait3A_534] : memref<1025x128xf32, #tpu.memory_space<vmem_shared>> -> memref<1025x128xf32, #tpu.memory_space<vmem_shared>>
    %dma_wait3A_536 = tpu.memref_slice %arg8[%dma_wait3A_526] : memref<4x!tpu.dma_semaphore, #tpu.memory_space<semaphore_mem>> -> memref<1x!tpu.dma_semaphore, #tpu.memory_space<semaphore_mem>>
    %dma_wait3A_537 = tpu.memref_squeeze %dma_wait3A_536 : memref<1x!tpu.dma_semaphore, #tpu.memory_space<semaphore_mem>> -> memref<!tpu.dma_semaphore, #tpu.memory_space<semaphore_mem>>
    tpu.wait_indirect_dma semaphore(%dma_wait3A_537 : memref<!tpu.dma_semaphore, #tpu.memory_space<semaphore_mem>>) src(%dma_wait3A_535 : memref<1025x128xf32, #tpu.memory_space<vmem_shared>>) dst(%dma_wait3A_530 : memref<112x128xf32, #tpu.memory_space<vmem>>)
    %add3A_538 = arith.constant 896 : i32
    %add3A_539 = arith.addi %min3A_3, %add3A_538 : i32
    %multiple_of3A_540 = tpu.assume_multiple %add3A_539, 8 : i32
    %dma_start3A_541 = arith.constant 0 : i32
    %dma_start3A_542 = arith.constant 0 : i32
    %dma_start3A_543 = arith.constant 0 : i32
    %dma_start3A_544 = arith.constant 0 : i32
    %dma_start3A_545 = tpu.memref_slice %arg6[%dma_start3A_541, %dma_start3A_543, %dma_start3A_544] : memref<4x112x128xf32, #tpu.memory_space<vmem>> -> memref<1x112x128xf32, #tpu.memory_space<vmem>>
    %dma_start3A_546 = tpu.memref_squeeze %dma_start3A_545 : memref<1x112x128xf32, #tpu.memory_space<vmem>> -> memref<112x128xf32, #tpu.memory_space<vmem>>
    %dma_start3A_547 = arith.constant 0 : i32
    %dma_start3A_548 = tpu.memref_slice %arg4[%multiple_of3A_540, %dma_start3A_547] : memref<100000x128xf32, #tpu.memory_space<hbm>> -> memref<112x128xf32, #tpu.memory_space<hbm>>
    %dma_start3A_549 = tpu.memref_slice %arg9[%dma_start3A_542] : memref<4x!tpu.dma_semaphore, #tpu.memory_space<semaphore_mem>> -> memref<1x!tpu.dma_semaphore, #tpu.memory_space<semaphore_mem>>
    %dma_start3A_550 = tpu.memref_squeeze %dma_start3A_549 : memref<1x!tpu.dma_semaphore, #tpu.memory_space<semaphore_mem>> -> memref<!tpu.dma_semaphore, #tpu.memory_space<semaphore_mem>>
    %dma_start3A_551 = arith.constant 0 : i32
    %dma_start3A_552 = tpu.memref_slice %arg4[%multiple_of3A_540, %dma_start3A_551] : memref<100000x128xf32, #tpu.memory_space<hbm>> -> memref<112x128xf32, #tpu.memory_space<hbm>>
    %dma_start3A_553 = arith.constant 0 : i32
    %dma_start3A_554 = arith.constant 0 : i32
    %dma_start3A_555 = tpu.memref_slice %arg6[%dma_start3A_541, %dma_start3A_553, %dma_start3A_554] : memref<4x112x128xf32, #tpu.memory_space<vmem>> -> memref<1x112x128xf32, #tpu.memory_space<vmem>>
    %dma_start3A_556 = tpu.memref_squeeze %dma_start3A_555 : memref<1x112x128xf32, #tpu.memory_space<vmem>> -> memref<112x128xf32, #tpu.memory_space<vmem>>
    tpu.enqueue_dma source(%dma_start3A_556 : memref<112x128xf32, #tpu.memory_space<vmem>>) target(%dma_start3A_552 : memref<112x128xf32, #tpu.memory_space<hbm>>) target_semaphore(%dma_start3A_550 : memref<!tpu.dma_semaphore, #tpu.memory_space<semaphore_mem>>)
    %dma_wait3A_557 = arith.constant 3 : i32
    %dma_wait3A_558 = arith.constant 3 : i32
    %dma_wait3A_559 = arith.constant 0 : i32
    %dma_wait3A_560 = arith.constant 0 : i32
    %dma_wait3A_561 = tpu.memref_slice %arg6[%dma_wait3A_557, %dma_wait3A_559, %dma_wait3A_560] : memref<4x112x128xf32, #tpu.memory_space<vmem>> -> memref<1x112x128xf32, #tpu.memory_space<vmem>>
    %dma_wait3A_562 = tpu.memref_squeeze %dma_wait3A_561 : memref<1x112x128xf32, #tpu.memory_space<vmem>> -> memref<112x128xf32, #tpu.memory_space<vmem>>
    %dma_wait3A_563 = arith.constant 0 : i32
    %dma_wait3A_564 = tpu.memref_slice %arg4[%multiple_of3A_479, %dma_wait3A_563] : memref<100000x128xf32, #tpu.memory_space<hbm>> -> memref<112x128xf32, #tpu.memory_space<hbm>>
    %dma_wait3A_565 = tpu.memref_slice %arg9[%dma_wait3A_558] : memref<4x!tpu.dma_semaphore, #tpu.memory_space<semaphore_mem>> -> memref<1x!tpu.dma_semaphore, #tpu.memory_space<semaphore_mem>>
    %dma_wait3A_566 = tpu.memref_squeeze %dma_wait3A_565 : memref<1x!tpu.dma_semaphore, #tpu.memory_space<semaphore_mem>> -> memref<!tpu.dma_semaphore, #tpu.memory_space<semaphore_mem>>
    %dma_wait3A_567 = arith.constant 0 : i32
    %dma_wait3A_568 = tpu.memref_slice %arg4[%multiple_of3A_479, %dma_wait3A_567] : memref<100000x128xf32, #tpu.memory_space<hbm>> -> memref<112x128xf32, #tpu.memory_space<hbm>>
    %dma_wait3A_569 = arith.constant 0 : i32
    %dma_wait3A_570 = arith.constant 0 : i32
    %dma_wait3A_571 = tpu.memref_slice %arg6[%dma_wait3A_557, %dma_wait3A_569, %dma_wait3A_570] : memref<4x112x128xf32, #tpu.memory_space<vmem>> -> memref<1x112x128xf32, #tpu.memory_space<vmem>>
    %dma_wait3A_572 = tpu.memref_squeeze %dma_wait3A_571 : memref<1x112x128xf32, #tpu.memory_space<vmem>> -> memref<112x128xf32, #tpu.memory_space<vmem>>
    tpu.wait_dma2 semaphore(%dma_wait3A_566 : memref<!tpu.dma_semaphore, #tpu.memory_space<semaphore_mem>>) src(%dma_wait3A_572 : memref<112x128xf32, #tpu.memory_space<vmem>>) dst(%dma_wait3A_568 : memref<112x128xf32, #tpu.memory_space<hbm>>)
    %dma_start3A_573 = arith.constant 3 : i32
    %dma_start3A_574 = arith.constant 3 : i32
    %dma_start3A_575 = arith.constant 0 : i32
    %dma_start3A_576 = arith.constant 0 : i32
    %dma_start3A_577 = tpu.memref_slice %arg6[%dma_start3A_573, %dma_start3A_575, %dma_start3A_576] : memref<4x112x128xf32, #tpu.memory_space<vmem>> -> memref<1x112x128xf32, #tpu.memory_space<vmem>>
    %dma_start3A_578 = tpu.memref_squeeze %dma_start3A_577 : memref<1x112x128xf32, #tpu.memory_space<vmem>> -> memref<112x128xf32, #tpu.memory_space<vmem>>
    %dma_start3A_579 = arith.constant 1232 : i32
    %dma_start3A_580 = tpu.memref_slice %arg5[%dma_start3A_579] : memref<3136xi32, #tpu.memory_space<vmem>> -> memref<112xi32, #tpu.memory_space<vmem>>
    %dma_start3A_581 = arith.constant 0 : i32
    %dma_start3A_582 = arith.constant 0 : i32
    %dma_start3A_583 = tpu.memref_slice %arg7[%dma_start3A_581, %dma_start3A_582] : memref<1025x128xf32, #tpu.memory_space<vmem_shared>> -> memref<1025x128xf32, #tpu.memory_space<vmem_shared>>
    %dma_start3A_584 = tpu.memref_slice %arg8[%dma_start3A_574] : memref<4x!tpu.dma_semaphore, #tpu.memory_space<semaphore_mem>> -> memref<1x!tpu.dma_semaphore, #tpu.memory_space<semaphore_mem>>
    %dma_start3A_585 = tpu.memref_squeeze %dma_start3A_584 : memref<1x!tpu.dma_semaphore, #tpu.memory_space<semaphore_mem>> -> memref<!tpu.dma_semaphore, #tpu.memory_space<semaphore_mem>>
    tpu.enqueue_indirect_dma source(%dma_start3A_583 : memref<1025x128xf32, #tpu.memory_space<vmem_shared>>) target(%dma_start3A_578 : memref<112x128xf32, #tpu.memory_space<vmem>>) offsets(%dma_start3A_580 : memref<112xi32, #tpu.memory_space<vmem>>) semaphore(%dma_start3A_585 : memref<!tpu.dma_semaphore, #tpu.memory_space<semaphore_mem>>)
    %dma_wait3A_586 = arith.constant 1 : i32
    %dma_wait3A_587 = arith.constant 1 : i32
    %dma_wait3A_588 = arith.constant 0 : i32
    %dma_wait3A_589 = arith.constant 0 : i32
    %dma_wait3A_590 = tpu.memref_slice %arg6[%dma_wait3A_586, %dma_wait3A_588, %dma_wait3A_589] : memref<4x112x128xf32, #tpu.memory_space<vmem>> -> memref<1x112x128xf32, #tpu.memory_space<vmem>>
    %dma_wait3A_591 = tpu.memref_squeeze %dma_wait3A_590 : memref<1x112x128xf32, #tpu.memory_space<vmem>> -> memref<112x128xf32, #tpu.memory_space<vmem>>
    %dma_wait3A_592 = arith.constant 1008 : i32
    %dma_wait3A_593 = tpu.memref_slice %arg5[%dma_wait3A_592] : memref<3136xi32, #tpu.memory_space<vmem>> -> memref<112xi32, #tpu.memory_space<vmem>>
    %dma_wait3A_594 = arith.constant 0 : i32
    %dma_wait3A_595 = arith.constant 0 : i32
    %dma_wait3A_596 = tpu.memref_slice %arg7[%dma_wait3A_594, %dma_wait3A_595] : memref<1025x128xf32, #tpu.memory_space<vmem_shared>> -> memref<1025x128xf32, #tpu.memory_space<vmem_shared>>
    %dma_wait3A_597 = tpu.memref_slice %arg8[%dma_wait3A_587] : memref<4x!tpu.dma_semaphore, #tpu.memory_space<semaphore_mem>> -> memref<1x!tpu.dma_semaphore, #tpu.memory_space<semaphore_mem>>
    %dma_wait3A_598 = tpu.memref_squeeze %dma_wait3A_597 : memref<1x!tpu.dma_semaphore, #tpu.memory_space<semaphore_mem>> -> memref<!tpu.dma_semaphore, #tpu.memory_space<semaphore_mem>>
    tpu.wait_indirect_dma semaphore(%dma_wait3A_598 : memref<!tpu.dma_semaphore, #tpu.memory_space<semaphore_mem>>) src(%dma_wait3A_596 : memref<1025x128xf32, #tpu.memory_space<vmem_shared>>) dst(%dma_wait3A_591 : memref<112x128xf32, #tpu.memory_space<vmem>>)
    %add3A_599 = arith.constant 1008 : i32
    %add3A_600 = arith.addi %min3A_3, %add3A_599 : i32
    %multiple_of3A_601 = tpu.assume_multiple %add3A_600, 8 : i32
    %dma_start3A_602 = arith.constant 1 : i32
    %dma_start3A_603 = arith.constant 1 : i32
    %dma_start3A_604 = arith.constant 0 : i32
    %dma_start3A_605 = arith.constant 0 : i32
    %dma_start3A_606 = tpu.memref_slice %arg6[%dma_start3A_602, %dma_start3A_604, %dma_start3A_605] : memref<4x112x128xf32, #tpu.memory_space<vmem>> -> memref<1x112x128xf32, #tpu.memory_space<vmem>>
    %dma_start3A_607 = tpu.memref_squeeze %dma_start3A_606 : memref<1x112x128xf32, #tpu.memory_space<vmem>> -> memref<112x128xf32, #tpu.memory_space<vmem>>
    %dma_start3A_608 = arith.constant 0 : i32
    %dma_start3A_609 = tpu.memref_slice %arg4[%multiple_of3A_601, %dma_start3A_608] : memref<100000x128xf32, #tpu.memory_space<hbm>> -> memref<112x128xf32, #tpu.memory_space<hbm>>
    %dma_start3A_610 = tpu.memref_slice %arg9[%dma_start3A_603] : memref<4x!tpu.dma_semaphore, #tpu.memory_space<semaphore_mem>> -> memref<1x!tpu.dma_semaphore, #tpu.memory_space<semaphore_mem>>
    %dma_start3A_611 = tpu.memref_squeeze %dma_start3A_610 : memref<1x!tpu.dma_semaphore, #tpu.memory_space<semaphore_mem>> -> memref<!tpu.dma_semaphore, #tpu.memory_space<semaphore_mem>>
    %dma_start3A_612 = arith.constant 0 : i32
    %dma_start3A_613 = tpu.memref_slice %arg4[%multiple_of3A_601, %dma_start3A_612] : memref<100000x128xf32, #tpu.memory_space<hbm>> -> memref<112x128xf32, #tpu.memory_space<hbm>>
    %dma_start3A_614 = arith.constant 0 : i32
    %dma_start3A_615 = arith.constant 0 : i32
    %dma_start3A_616 = tpu.memref_slice %arg6[%dma_start3A_602, %dma_start3A_614, %dma_start3A_615] : memref<4x112x128xf32, #tpu.memory_space<vmem>> -> memref<1x112x128xf32, #tpu.memory_space<vmem>>
    %dma_start3A_617 = tpu.memref_squeeze %dma_start3A_616 : memref<1x112x128xf32, #tpu.memory_space<vmem>> -> memref<112x128xf32, #tpu.memory_space<vmem>>
    tpu.enqueue_dma source(%dma_start3A_617 : memref<112x128xf32, #tpu.memory_space<vmem>>) target(%dma_start3A_613 : memref<112x128xf32, #tpu.memory_space<hbm>>) target_semaphore(%dma_start3A_611 : memref<!tpu.dma_semaphore, #tpu.memory_space<semaphore_mem>>)
    %dma_wait3A_618 = arith.constant 0 : i32
    %dma_wait3A_619 = arith.constant 0 : i32
    %dma_wait3A_620 = arith.constant 0 : i32
    %dma_wait3A_621 = arith.constant 0 : i32
    %dma_wait3A_622 = tpu.memref_slice %arg6[%dma_wait3A_618, %dma_wait3A_620, %dma_wait3A_621] : memref<4x112x128xf32, #tpu.memory_space<vmem>> -> memref<1x112x128xf32, #tpu.memory_space<vmem>>
    %dma_wait3A_623 = tpu.memref_squeeze %dma_wait3A_622 : memref<1x112x128xf32, #tpu.memory_space<vmem>> -> memref<112x128xf32, #tpu.memory_space<vmem>>
    %dma_wait3A_624 = arith.constant 0 : i32
    %dma_wait3A_625 = tpu.memref_slice %arg4[%multiple_of3A_540, %dma_wait3A_624] : memref<100000x128xf32, #tpu.memory_space<hbm>> -> memref<112x128xf32, #tpu.memory_space<hbm>>
    %dma_wait3A_626 = tpu.memref_slice %arg9[%dma_wait3A_619] : memref<4x!tpu.dma_semaphore, #tpu.memory_space<semaphore_mem>> -> memref<1x!tpu.dma_semaphore, #tpu.memory_space<semaphore_mem>>
    %dma_wait3A_627 = tpu.memref_squeeze %dma_wait3A_626 : memref<1x!tpu.dma_semaphore, #tpu.memory_space<semaphore_mem>> -> memref<!tpu.dma_semaphore, #tpu.memory_space<semaphore_mem>>
    %dma_wait3A_628 = arith.constant 0 : i32
    %dma_wait3A_629 = tpu.memref_slice %arg4[%multiple_of3A_540, %dma_wait3A_628] : memref<100000x128xf32, #tpu.memory_space<hbm>> -> memref<112x128xf32, #tpu.memory_space<hbm>>
    %dma_wait3A_630 = arith.constant 0 : i32
    %dma_wait3A_631 = arith.constant 0 : i32
    %dma_wait3A_632 = tpu.memref_slice %arg6[%dma_wait3A_618, %dma_wait3A_630, %dma_wait3A_631] : memref<4x112x128xf32, #tpu.memory_space<vmem>> -> memref<1x112x128xf32, #tpu.memory_space<vmem>>
    %dma_wait3A_633 = tpu.memref_squeeze %dma_wait3A_632 : memref<1x112x128xf32, #tpu.memory_space<vmem>> -> memref<112x128xf32, #tpu.memory_space<vmem>>
    tpu.wait_dma2 semaphore(%dma_wait3A_627 : memref<!tpu.dma_semaphore, #tpu.memory_space<semaphore_mem>>) src(%dma_wait3A_633 : memref<112x128xf32, #tpu.memory_space<vmem>>) dst(%dma_wait3A_629 : memref<112x128xf32, #tpu.memory_space<hbm>>)
    %dma_start3A_634 = arith.constant 0 : i32
    %dma_start3A_635 = arith.constant 0 : i32
    %dma_start3A_636 = arith.constant 0 : i32
    %dma_start3A_637 = arith.constant 0 : i32
    %dma_start3A_638 = tpu.memref_slice %arg6[%dma_start3A_634, %dma_start3A_636, %dma_start3A_637] : memref<4x112x128xf32, #tpu.memory_space<vmem>> -> memref<1x112x128xf32, #tpu.memory_space<vmem>>
    %dma_start3A_639 = tpu.memref_squeeze %dma_start3A_638 : memref<1x112x128xf32, #tpu.memory_space<vmem>> -> memref<112x128xf32, #tpu.memory_space<vmem>>
    %dma_start3A_640 = arith.constant 1344 : i32
    %dma_start3A_641 = tpu.memref_slice %arg5[%dma_start3A_640] : memref<3136xi32, #tpu.memory_space<vmem>> -> memref<112xi32, #tpu.memory_space<vmem>>
    %dma_start3A_642 = arith.constant 0 : i32
    %dma_start3A_643 = arith.constant 0 : i32
    %dma_start3A_644 = tpu.memref_slice %arg7[%dma_start3A_642, %dma_start3A_643] : memref<1025x128xf32, #tpu.memory_space<vmem_shared>> -> memref<1025x128xf32, #tpu.memory_space<vmem_shared>>
    %dma_start3A_645 = tpu.memref_slice %arg8[%dma_start3A_635] : memref<4x!tpu.dma_semaphore, #tpu.memory_space<semaphore_mem>> -> memref<1x!tpu.dma_semaphore, #tpu.memory_space<semaphore_mem>>
    %dma_start3A_646 = tpu.memref_squeeze %dma_start3A_645 : memref<1x!tpu.dma_semaphore, #tpu.memory_space<semaphore_mem>> -> memref<!tpu.dma_semaphore, #tpu.memory_space<semaphore_mem>>
    tpu.enqueue_indirect_dma source(%dma_start3A_644 : memref<1025x128xf32, #tpu.memory_space<vmem_shared>>) target(%dma_start3A_639 : memref<112x128xf32, #tpu.memory_space<vmem>>) offsets(%dma_start3A_641 : memref<112xi32, #tpu.memory_space<vmem>>) semaphore(%dma_start3A_646 : memref<!tpu.dma_semaphore, #tpu.memory_space<semaphore_mem>>)
    %dma_wait3A_647 = arith.constant 2 : i32
    %dma_wait3A_648 = arith.constant 2 : i32
    %dma_wait3A_649 = arith.constant 0 : i32
    %dma_wait3A_650 = arith.constant 0 : i32
    %dma_wait3A_651 = tpu.memref_slice %arg6[%dma_wait3A_647, %dma_wait3A_649, %dma_wait3A_650] : memref<4x112x128xf32, #tpu.memory_space<vmem>> -> memref<1x112x128xf32, #tpu.memory_space<vmem>>
    %dma_wait3A_652 = tpu.memref_squeeze %dma_wait3A_651 : memref<1x112x128xf32, #tpu.memory_space<vmem>> -> memref<112x128xf32, #tpu.memory_space<vmem>>
    %dma_wait3A_653 = arith.constant 1120 : i32
    %dma_wait3A_654 = tpu.memref_slice %arg5[%dma_wait3A_653] : memref<3136xi32, #tpu.memory_space<vmem>> -> memref<112xi32, #tpu.memory_space<vmem>>
    %dma_wait3A_655 = arith.constant 0 : i32
    %dma_wait3A_656 = arith.constant 0 : i32
    %dma_wait3A_657 = tpu.memref_slice %arg7[%dma_wait3A_655, %dma_wait3A_656] : memref<1025x128xf32, #tpu.memory_space<vmem_shared>> -> memref<1025x128xf32, #tpu.memory_space<vmem_shared>>
    %dma_wait3A_658 = tpu.memref_slice %arg8[%dma_wait3A_648] : memref<4x!tpu.dma_semaphore, #tpu.memory_space<semaphore_mem>> -> memref<1x!tpu.dma_semaphore, #tpu.memory_space<semaphore_mem>>
    %dma_wait3A_659 = tpu.memref_squeeze %dma_wait3A_658 : memref<1x!tpu.dma_semaphore, #tpu.memory_space<semaphore_mem>> -> memref<!tpu.dma_semaphore, #tpu.memory_space<semaphore_mem>>
    tpu.wait_indirect_dma semaphore(%dma_wait3A_659 : memref<!tpu.dma_semaphore, #tpu.memory_space<semaphore_mem>>) src(%dma_wait3A_657 : memref<1025x128xf32, #tpu.memory_space<vmem_shared>>) dst(%dma_wait3A_652 : memref<112x128xf32, #tpu.memory_space<vmem>>)
    %add3A_660 = arith.constant 1120 : i32
    %add3A_661 = arith.addi %min3A_3, %add3A_660 : i32
    %multiple_of3A_662 = tpu.assume_multiple %add3A_661, 8 : i32
    %dma_start3A_663 = arith.constant 2 : i32
    %dma_start3A_664 = arith.constant 2 : i32
    %dma_start3A_665 = arith.constant 0 : i32
    %dma_start3A_666 = arith.constant 0 : i32
    %dma_start3A_667 = tpu.memref_slice %arg6[%dma_start3A_663, %dma_start3A_665, %dma_start3A_666] : memref<4x112x128xf32, #tpu.memory_space<vmem>> -> memref<1x112x128xf32, #tpu.memory_space<vmem>>
    %dma_start3A_668 = tpu.memref_squeeze %dma_start3A_667 : memref<1x112x128xf32, #tpu.memory_space<vmem>> -> memref<112x128xf32, #tpu.memory_space<vmem>>
    %dma_start3A_669 = arith.constant 0 : i32
    %dma_start3A_670 = tpu.memref_slice %arg4[%multiple_of3A_662, %dma_start3A_669] : memref<100000x128xf32, #tpu.memory_space<hbm>> -> memref<112x128xf32, #tpu.memory_space<hbm>>
    %dma_start3A_671 = tpu.memref_slice %arg9[%dma_start3A_664] : memref<4x!tpu.dma_semaphore, #tpu.memory_space<semaphore_mem>> -> memref<1x!tpu.dma_semaphore, #tpu.memory_space<semaphore_mem>>
    %dma_start3A_672 = tpu.memref_squeeze %dma_start3A_671 : memref<1x!tpu.dma_semaphore, #tpu.memory_space<semaphore_mem>> -> memref<!tpu.dma_semaphore, #tpu.memory_space<semaphore_mem>>
    %dma_start3A_673 = arith.constant 0 : i32
    %dma_start3A_674 = tpu.memref_slice %arg4[%multiple_of3A_662, %dma_start3A_673] : memref<100000x128xf32, #tpu.memory_space<hbm>> -> memref<112x128xf32, #tpu.memory_space<hbm>>
    %dma_start3A_675 = arith.constant 0 : i32
    %dma_start3A_676 = arith.constant 0 : i32
    %dma_start3A_677 = tpu.memref_slice %arg6[%dma_start3A_663, %dma_start3A_675, %dma_start3A_676] : memref<4x112x128xf32, #tpu.memory_space<vmem>> -> memref<1x112x128xf32, #tpu.memory_space<vmem>>
    %dma_start3A_678 = tpu.memref_squeeze %dma_start3A_677 : memref<1x112x128xf32, #tpu.memory_space<vmem>> -> memref<112x128xf32, #tpu.memory_space<vmem>>
    tpu.enqueue_dma source(%dma_start3A_678 : memref<112x128xf32, #tpu.memory_space<vmem>>) target(%dma_start3A_674 : memref<112x128xf32, #tpu.memory_space<hbm>>) target_semaphore(%dma_start3A_672 : memref<!tpu.dma_semaphore, #tpu.memory_space<semaphore_mem>>)
    %dma_wait3A_679 = arith.constant 1 : i32
    %dma_wait3A_680 = arith.constant 1 : i32
    %dma_wait3A_681 = arith.constant 0 : i32
    %dma_wait3A_682 = arith.constant 0 : i32
    %dma_wait3A_683 = tpu.memref_slice %arg6[%dma_wait3A_679, %dma_wait3A_681, %dma_wait3A_682] : memref<4x112x128xf32, #tpu.memory_space<vmem>> -> memref<1x112x128xf32, #tpu.memory_space<vmem>>
    %dma_wait3A_684 = tpu.memref_squeeze %dma_wait3A_683 : memref<1x112x128xf32, #tpu.memory_space<vmem>> -> memref<112x128xf32, #tpu.memory_space<vmem>>
    %dma_wait3A_685 = arith.constant 0 : i32
    %dma_wait3A_686 = tpu.memref_slice %arg4[%multiple_of3A_601, %dma_wait3A_685] : memref<100000x128xf32, #tpu.memory_space<hbm>> -> memref<112x128xf32, #tpu.memory_space<hbm>>
    %dma_wait3A_687 = tpu.memref_slice %arg9[%dma_wait3A_680] : memref<4x!tpu.dma_semaphore, #tpu.memory_space<semaphore_mem>> -> memref<1x!tpu.dma_semaphore, #tpu.memory_space<semaphore_mem>>
    %dma_wait3A_688 = tpu.memref_squeeze %dma_wait3A_687 : memref<1x!tpu.dma_semaphore, #tpu.memory_space<semaphore_mem>> -> memref<!tpu.dma_semaphore, #tpu.memory_space<semaphore_mem>>
    %dma_wait3A_689 = arith.constant 0 : i32
    %dma_wait3A_690 = tpu.memref_slice %arg4[%multiple_of3A_601, %dma_wait3A_689] : memref<100000x128xf32, #tpu.memory_space<hbm>> -> memref<112x128xf32, #tpu.memory_space<hbm>>
    %dma_wait3A_691 = arith.constant 0 : i32
    %dma_wait3A_692 = arith.constant 0 : i32
    %dma_wait3A_693 = tpu.memref_slice %arg6[%dma_wait3A_679, %dma_wait3A_691, %dma_wait3A_692] : memref<4x112x128xf32, #tpu.memory_space<vmem>> -> memref<1x112x128xf32, #tpu.memory_space<vmem>>
    %dma_wait3A_694 = tpu.memref_squeeze %dma_wait3A_693 : memref<1x112x128xf32, #tpu.memory_space<vmem>> -> memref<112x128xf32, #tpu.memory_space<vmem>>
    tpu.wait_dma2 semaphore(%dma_wait3A_688 : memref<!tpu.dma_semaphore, #tpu.memory_space<semaphore_mem>>) src(%dma_wait3A_694 : memref<112x128xf32, #tpu.memory_space<vmem>>) dst(%dma_wait3A_690 : memref<112x128xf32, #tpu.memory_space<hbm>>)
    %dma_start3A_695 = arith.constant 1 : i32
    %dma_start3A_696 = arith.constant 1 : i32
    %dma_start3A_697 = arith.constant 0 : i32
    %dma_start3A_698 = arith.constant 0 : i32
    %dma_start3A_699 = tpu.memref_slice %arg6[%dma_start3A_695, %dma_start3A_697, %dma_start3A_698] : memref<4x112x128xf32, #tpu.memory_space<vmem>> -> memref<1x112x128xf32, #tpu.memory_space<vmem>>
    %dma_start3A_700 = tpu.memref_squeeze %dma_start3A_699 : memref<1x112x128xf32, #tpu.memory_space<vmem>> -> memref<112x128xf32, #tpu.memory_space<vmem>>
    %dma_start3A_701 = arith.constant 1456 : i32
    %dma_start3A_702 = tpu.memref_slice %arg5[%dma_start3A_701] : memref<3136xi32, #tpu.memory_space<vmem>> -> memref<112xi32, #tpu.memory_space<vmem>>
    %dma_start3A_703 = arith.constant 0 : i32
    %dma_start3A_704 = arith.constant 0 : i32
    %dma_start3A_705 = tpu.memref_slice %arg7[%dma_start3A_703, %dma_start3A_704] : memref<1025x128xf32, #tpu.memory_space<vmem_shared>> -> memref<1025x128xf32, #tpu.memory_space<vmem_shared>>
    %dma_start3A_706 = tpu.memref_slice %arg8[%dma_start3A_696] : memref<4x!tpu.dma_semaphore, #tpu.memory_space<semaphore_mem>> -> memref<1x!tpu.dma_semaphore, #tpu.memory_space<semaphore_mem>>
    %dma_start3A_707 = tpu.memref_squeeze %dma_start3A_706 : memref<1x!tpu.dma_semaphore, #tpu.memory_space<semaphore_mem>> -> memref<!tpu.dma_semaphore, #tpu.memory_space<semaphore_mem>>
    tpu.enqueue_indirect_dma source(%dma_start3A_705 : memref<1025x128xf32, #tpu.memory_space<vmem_shared>>) target(%dma_start3A_700 : memref<112x128xf32, #tpu.memory_space<vmem>>) offsets(%dma_start3A_702 : memref<112xi32, #tpu.memory_space<vmem>>) semaphore(%dma_start3A_707 : memref<!tpu.dma_semaphore, #tpu.memory_space<semaphore_mem>>)
    %dma_wait3A_708 = arith.constant 3 : i32
    %dma_wait3A_709 = arith.constant 3 : i32
    %dma_wait3A_710 = arith.constant 0 : i32
    %dma_wait3A_711 = arith.constant 0 : i32
    %dma_wait3A_712 = tpu.memref_slice %arg6[%dma_wait3A_708, %dma_wait3A_710, %dma_wait3A_711] : memref<4x112x128xf32, #tpu.memory_space<vmem>> -> memref<1x112x128xf32, #tpu.memory_space<vmem>>
    %dma_wait3A_713 = tpu.memref_squeeze %dma_wait3A_712 : memref<1x112x128xf32, #tpu.memory_space<vmem>> -> memref<112x128xf32, #tpu.memory_space<vmem>>
    %dma_wait3A_714 = arith.constant 1232 : i32
    %dma_wait3A_715 = tpu.memref_slice %arg5[%dma_wait3A_714] : memref<3136xi32, #tpu.memory_space<vmem>> -> memref<112xi32, #tpu.memory_space<vmem>>
    %dma_wait3A_716 = arith.constant 0 : i32
    %dma_wait3A_717 = arith.constant 0 : i32
    %dma_wait3A_718 = tpu.memref_slice %arg7[%dma_wait3A_716, %dma_wait3A_717] : memref<1025x128xf32, #tpu.memory_space<vmem_shared>> -> memref<1025x128xf32, #tpu.memory_space<vmem_shared>>
    %dma_wait3A_719 = tpu.memref_slice %arg8[%dma_wait3A_709] : memref<4x!tpu.dma_semaphore, #tpu.memory_space<semaphore_mem>> -> memref<1x!tpu.dma_semaphore, #tpu.memory_space<semaphore_mem>>
    %dma_wait3A_720 = tpu.memref_squeeze %dma_wait3A_719 : memref<1x!tpu.dma_semaphore, #tpu.memory_space<semaphore_mem>> -> memref<!tpu.dma_semaphore, #tpu.memory_space<semaphore_mem>>
    tpu.wait_indirect_dma semaphore(%dma_wait3A_720 : memref<!tpu.dma_semaphore, #tpu.memory_space<semaphore_mem>>) src(%dma_wait3A_718 : memref<1025x128xf32, #tpu.memory_space<vmem_shared>>) dst(%dma_wait3A_713 : memref<112x128xf32, #tpu.memory_space<vmem>>)
    %add3A_721 = arith.constant 1232 : i32
    %add3A_722 = arith.addi %min3A_3, %add3A_721 : i32
    %multiple_of3A_723 = tpu.assume_multiple %add3A_722, 8 : i32
    %dma_start3A_724 = arith.constant 3 : i32
    %dma_start3A_725 = arith.constant 3 : i32
    %dma_start3A_726 = arith.constant 0 : i32
    %dma_start3A_727 = arith.constant 0 : i32
    %dma_start3A_728 = tpu.memref_slice %arg6[%dma_start3A_724, %dma_start3A_726, %dma_start3A_727] : memref<4x112x128xf32, #tpu.memory_space<vmem>> -> memref<1x112x128xf32, #tpu.memory_space<vmem>>
    %dma_start3A_729 = tpu.memref_squeeze %dma_start3A_728 : memref<1x112x128xf32, #tpu.memory_space<vmem>> -> memref<112x128xf32, #tpu.memory_space<vmem>>
    %dma_start3A_730 = arith.constant 0 : i32
    %dma_start3A_731 = tpu.memref_slice %arg4[%multiple_of3A_723, %dma_start3A_730] : memref<100000x128xf32, #tpu.memory_space<hbm>> -> memref<112x128xf32, #tpu.memory_space<hbm>>
    %dma_start3A_732 = tpu.memref_slice %arg9[%dma_start3A_725] : memref<4x!tpu.dma_semaphore, #tpu.memory_space<semaphore_mem>> -> memref<1x!tpu.dma_semaphore, #tpu.memory_space<semaphore_mem>>
    %dma_start3A_733 = tpu.memref_squeeze %dma_start3A_732 : memref<1x!tpu.dma_semaphore, #tpu.memory_space<semaphore_mem>> -> memref<!tpu.dma_semaphore, #tpu.memory_space<semaphore_mem>>
    %dma_start3A_734 = arith.constant 0 : i32
    %dma_start3A_735 = tpu.memref_slice %arg4[%multiple_of3A_723, %dma_start3A_734] : memref<100000x128xf32, #tpu.memory_space<hbm>> -> memref<112x128xf32, #tpu.memory_space<hbm>>
    %dma_start3A_736 = arith.constant 0 : i32
    %dma_start3A_737 = arith.constant 0 : i32
    %dma_start3A_738 = tpu.memref_slice %arg6[%dma_start3A_724, %dma_start3A_736, %dma_start3A_737] : memref<4x112x128xf32, #tpu.memory_space<vmem>> -> memref<1x112x128xf32, #tpu.memory_space<vmem>>
    %dma_start3A_739 = tpu.memref_squeeze %dma_start3A_738 : memref<1x112x128xf32, #tpu.memory_space<vmem>> -> memref<112x128xf32, #tpu.memory_space<vmem>>
    tpu.enqueue_dma source(%dma_start3A_739 : memref<112x128xf32, #tpu.memory_space<vmem>>) target(%dma_start3A_735 : memref<112x128xf32, #tpu.memory_space<hbm>>) target_semaphore(%dma_start3A_733 : memref<!tpu.dma_semaphore, #tpu.memory_space<semaphore_mem>>)
    %dma_wait3A_740 = arith.constant 2 : i32
    %dma_wait3A_741 = arith.constant 2 : i32
    %dma_wait3A_742 = arith.constant 0 : i32
    %dma_wait3A_743 = arith.constant 0 : i32
    %dma_wait3A_744 = tpu.memref_slice %arg6[%dma_wait3A_740, %dma_wait3A_742, %dma_wait3A_743] : memref<4x112x128xf32, #tpu.memory_space<vmem>> -> memref<1x112x128xf32, #tpu.memory_space<vmem>>
    %dma_wait3A_745 = tpu.memref_squeeze %dma_wait3A_744 : memref<1x112x128xf32, #tpu.memory_space<vmem>> -> memref<112x128xf32, #tpu.memory_space<vmem>>
    %dma_wait3A_746 = arith.constant 0 : i32
    %dma_wait3A_747 = tpu.memref_slice %arg4[%multiple_of3A_662, %dma_wait3A_746] : memref<100000x128xf32, #tpu.memory_space<hbm>> -> memref<112x128xf32, #tpu.memory_space<hbm>>
    %dma_wait3A_748 = tpu.memref_slice %arg9[%dma_wait3A_741] : memref<4x!tpu.dma_semaphore, #tpu.memory_space<semaphore_mem>> -> memref<1x!tpu.dma_semaphore, #tpu.memory_space<semaphore_mem>>
    %dma_wait3A_749 = tpu.memref_squeeze %dma_wait3A_748 : memref<1x!tpu.dma_semaphore, #tpu.memory_space<semaphore_mem>> -> memref<!tpu.dma_semaphore, #tpu.memory_space<semaphore_mem>>
    %dma_wait3A_750 = arith.constant 0 : i32
    %dma_wait3A_751 = tpu.memref_slice %arg4[%multiple_of3A_662, %dma_wait3A_750] : memref<100000x128xf32, #tpu.memory_space<hbm>> -> memref<112x128xf32, #tpu.memory_space<hbm>>
    %dma_wait3A_752 = arith.constant 0 : i32
    %dma_wait3A_753 = arith.constant 0 : i32
    %dma_wait3A_754 = tpu.memref_slice %arg6[%dma_wait3A_740, %dma_wait3A_752, %dma_wait3A_753] : memref<4x112x128xf32, #tpu.memory_space<vmem>> -> memref<1x112x128xf32, #tpu.memory_space<vmem>>
    %dma_wait3A_755 = tpu.memref_squeeze %dma_wait3A_754 : memref<1x112x128xf32, #tpu.memory_space<vmem>> -> memref<112x128xf32, #tpu.memory_space<vmem>>
    tpu.wait_dma2 semaphore(%dma_wait3A_749 : memref<!tpu.dma_semaphore, #tpu.memory_space<semaphore_mem>>) src(%dma_wait3A_755 : memref<112x128xf32, #tpu.memory_space<vmem>>) dst(%dma_wait3A_751 : memref<112x128xf32, #tpu.memory_space<hbm>>)
    %dma_start3A_756 = arith.constant 2 : i32
    %dma_start3A_757 = arith.constant 2 : i32
    %dma_start3A_758 = arith.constant 0 : i32
    %dma_start3A_759 = arith.constant 0 : i32
    %dma_start3A_760 = tpu.memref_slice %arg6[%dma_start3A_756, %dma_start3A_758, %dma_start3A_759] : memref<4x112x128xf32, #tpu.memory_space<vmem>> -> memref<1x112x128xf32, #tpu.memory_space<vmem>>
    %dma_start3A_761 = tpu.memref_squeeze %dma_start3A_760 : memref<1x112x128xf32, #tpu.memory_space<vmem>> -> memref<112x128xf32, #tpu.memory_space<vmem>>
    %dma_start3A_762 = arith.constant 1568 : i32
    %dma_start3A_763 = tpu.memref_slice %arg5[%dma_start3A_762] : memref<3136xi32, #tpu.memory_space<vmem>> -> memref<112xi32, #tpu.memory_space<vmem>>
    %dma_start3A_764 = arith.constant 0 : i32
    %dma_start3A_765 = arith.constant 0 : i32
    %dma_start3A_766 = tpu.memref_slice %arg7[%dma_start3A_764, %dma_start3A_765] : memref<1025x128xf32, #tpu.memory_space<vmem_shared>> -> memref<1025x128xf32, #tpu.memory_space<vmem_shared>>
    %dma_start3A_767 = tpu.memref_slice %arg8[%dma_start3A_757] : memref<4x!tpu.dma_semaphore, #tpu.memory_space<semaphore_mem>> -> memref<1x!tpu.dma_semaphore, #tpu.memory_space<semaphore_mem>>
    %dma_start3A_768 = tpu.memref_squeeze %dma_start3A_767 : memref<1x!tpu.dma_semaphore, #tpu.memory_space<semaphore_mem>> -> memref<!tpu.dma_semaphore, #tpu.memory_space<semaphore_mem>>
    tpu.enqueue_indirect_dma source(%dma_start3A_766 : memref<1025x128xf32, #tpu.memory_space<vmem_shared>>) target(%dma_start3A_761 : memref<112x128xf32, #tpu.memory_space<vmem>>) offsets(%dma_start3A_763 : memref<112xi32, #tpu.memory_space<vmem>>) semaphore(%dma_start3A_768 : memref<!tpu.dma_semaphore, #tpu.memory_space<semaphore_mem>>)
    %dma_wait3A_769 = arith.constant 0 : i32
    %dma_wait3A_770 = arith.constant 0 : i32
    %dma_wait3A_771 = arith.constant 0 : i32
    %dma_wait3A_772 = arith.constant 0 : i32
    %dma_wait3A_773 = tpu.memref_slice %arg6[%dma_wait3A_769, %dma_wait3A_771, %dma_wait3A_772] : memref<4x112x128xf32, #tpu.memory_space<vmem>> -> memref<1x112x128xf32, #tpu.memory_space<vmem>>
    %dma_wait3A_774 = tpu.memref_squeeze %dma_wait3A_773 : memref<1x112x128xf32, #tpu.memory_space<vmem>> -> memref<112x128xf32, #tpu.memory_space<vmem>>
    %dma_wait3A_775 = arith.constant 1344 : i32
    %dma_wait3A_776 = tpu.memref_slice %arg5[%dma_wait3A_775] : memref<3136xi32, #tpu.memory_space<vmem>> -> memref<112xi32, #tpu.memory_space<vmem>>
    %dma_wait3A_777 = arith.constant 0 : i32
    %dma_wait3A_778 = arith.constant 0 : i32
    %dma_wait3A_779 = tpu.memref_slice %arg7[%dma_wait3A_777, %dma_wait3A_778] : memref<1025x128xf32, #tpu.memory_space<vmem_shared>> -> memref<1025x128xf32, #tpu.memory_space<vmem_shared>>
    %dma_wait3A_780 = tpu.memref_slice %arg8[%dma_wait3A_770] : memref<4x!tpu.dma_semaphore, #tpu.memory_space<semaphore_mem>> -> memref<1x!tpu.dma_semaphore, #tpu.memory_space<semaphore_mem>>
    %dma_wait3A_781 = tpu.memref_squeeze %dma_wait3A_780 : memref<1x!tpu.dma_semaphore, #tpu.memory_space<semaphore_mem>> -> memref<!tpu.dma_semaphore, #tpu.memory_space<semaphore_mem>>
    tpu.wait_indirect_dma semaphore(%dma_wait3A_781 : memref<!tpu.dma_semaphore, #tpu.memory_space<semaphore_mem>>) src(%dma_wait3A_779 : memref<1025x128xf32, #tpu.memory_space<vmem_shared>>) dst(%dma_wait3A_774 : memref<112x128xf32, #tpu.memory_space<vmem>>)
    %add3A_782 = arith.constant 1344 : i32
    %add3A_783 = arith.addi %min3A_3, %add3A_782 : i32
    %multiple_of3A_784 = tpu.assume_multiple %add3A_783, 8 : i32
    %dma_start3A_785 = arith.constant 0 : i32
    %dma_start3A_786 = arith.constant 0 : i32
    %dma_start3A_787 = arith.constant 0 : i32
    %dma_start3A_788 = arith.constant 0 : i32
    %dma_start3A_789 = tpu.memref_slice %arg6[%dma_start3A_785, %dma_start3A_787, %dma_start3A_788] : memref<4x112x128xf32, #tpu.memory_space<vmem>> -> memref<1x112x128xf32, #tpu.memory_space<vmem>>
    %dma_start3A_790 = tpu.memref_squeeze %dma_start3A_789 : memref<1x112x128xf32, #tpu.memory_space<vmem>> -> memref<112x128xf32, #tpu.memory_space<vmem>>
    %dma_start3A_791 = arith.constant 0 : i32
    %dma_start3A_792 = tpu.memref_slice %arg4[%multiple_of3A_784, %dma_start3A_791] : memref<100000x128xf32, #tpu.memory_space<hbm>> -> memref<112x128xf32, #tpu.memory_space<hbm>>
    %dma_start3A_793 = tpu.memref_slice %arg9[%dma_start3A_786] : memref<4x!tpu.dma_semaphore, #tpu.memory_space<semaphore_mem>> -> memref<1x!tpu.dma_semaphore, #tpu.memory_space<semaphore_mem>>
    %dma_start3A_794 = tpu.memref_squeeze %dma_start3A_793 : memref<1x!tpu.dma_semaphore, #tpu.memory_space<semaphore_mem>> -> memref<!tpu.dma_semaphore, #tpu.memory_space<semaphore_mem>>
    %dma_start3A_795 = arith.constant 0 : i32
    %dma_start3A_796 = tpu.memref_slice %arg4[%multiple_of3A_784, %dma_start3A_795] : memref<100000x128xf32, #tpu.memory_space<hbm>> -> memref<112x128xf32, #tpu.memory_space<hbm>>
    %dma_start3A_797 = arith.constant 0 : i32
    %dma_start3A_798 = arith.constant 0 : i32
    %dma_start3A_799 = tpu.memref_slice %arg6[%dma_start3A_785, %dma_start3A_797, %dma_start3A_798] : memref<4x112x128xf32, #tpu.memory_space<vmem>> -> memref<1x112x128xf32, #tpu.memory_space<vmem>>
    %dma_start3A_800 = tpu.memref_squeeze %dma_start3A_799 : memref<1x112x128xf32, #tpu.memory_space<vmem>> -> memref<112x128xf32, #tpu.memory_space<vmem>>
    tpu.enqueue_dma source(%dma_start3A_800 : memref<112x128xf32, #tpu.memory_space<vmem>>) target(%dma_start3A_796 : memref<112x128xf32, #tpu.memory_space<hbm>>) target_semaphore(%dma_start3A_794 : memref<!tpu.dma_semaphore, #tpu.memory_space<semaphore_mem>>)
    %dma_wait3A_801 = arith.constant 3 : i32
    %dma_wait3A_802 = arith.constant 3 : i32
    %dma_wait3A_803 = arith.constant 0 : i32
    %dma_wait3A_804 = arith.constant 0 : i32
    %dma_wait3A_805 = tpu.memref_slice %arg6[%dma_wait3A_801, %dma_wait3A_803, %dma_wait3A_804] : memref<4x112x128xf32, #tpu.memory_space<vmem>> -> memref<1x112x128xf32, #tpu.memory_space<vmem>>
    %dma_wait3A_806 = tpu.memref_squeeze %dma_wait3A_805 : memref<1x112x128xf32, #tpu.memory_space<vmem>> -> memref<112x128xf32, #tpu.memory_space<vmem>>
    %dma_wait3A_807 = arith.constant 0 : i32
    %dma_wait3A_808 = tpu.memref_slice %arg4[%multiple_of3A_723, %dma_wait3A_807] : memref<100000x128xf32, #tpu.memory_space<hbm>> -> memref<112x128xf32, #tpu.memory_space<hbm>>
    %dma_wait3A_809 = tpu.memref_slice %arg9[%dma_wait3A_802] : memref<4x!tpu.dma_semaphore, #tpu.memory_space<semaphore_mem>> -> memref<1x!tpu.dma_semaphore, #tpu.memory_space<semaphore_mem>>
    %dma_wait3A_810 = tpu.memref_squeeze %dma_wait3A_809 : memref<1x!tpu.dma_semaphore, #tpu.memory_space<semaphore_mem>> -> memref<!tpu.dma_semaphore, #tpu.memory_space<semaphore_mem>>
    %dma_wait3A_811 = arith.constant 0 : i32
    %dma_wait3A_812 = tpu.memref_slice %arg4[%multiple_of3A_723, %dma_wait3A_811] : memref<100000x128xf32, #tpu.memory_space<hbm>> -> memref<112x128xf32, #tpu.memory_space<hbm>>
    %dma_wait3A_813 = arith.constant 0 : i32
    %dma_wait3A_814 = arith.constant 0 : i32
    %dma_wait3A_815 = tpu.memref_slice %arg6[%dma_wait3A_801, %dma_wait3A_813, %dma_wait3A_814] : memref<4x112x128xf32, #tpu.memory_space<vmem>> -> memref<1x112x128xf32, #tpu.memory_space<vmem>>
    %dma_wait3A_816 = tpu.memref_squeeze %dma_wait3A_815 : memref<1x112x128xf32, #tpu.memory_space<vmem>> -> memref<112x128xf32, #tpu.memory_space<vmem>>
    tpu.wait_dma2 semaphore(%dma_wait3A_810 : memref<!tpu.dma_semaphore, #tpu.memory_space<semaphore_mem>>) src(%dma_wait3A_816 : memref<112x128xf32, #tpu.memory_space<vmem>>) dst(%dma_wait3A_812 : memref<112x128xf32, #tpu.memory_space<hbm>>)
    %dma_start3A_817 = arith.constant 3 : i32
    %dma_start3A_818 = arith.constant 3 : i32
    %dma_start3A_819 = arith.constant 0 : i32
    %dma_start3A_820 = arith.constant 0 : i32
    %dma_start3A_821 = tpu.memref_slice %arg6[%dma_start3A_817, %dma_start3A_819, %dma_start3A_820] : memref<4x112x128xf32, #tpu.memory_space<vmem>> -> memref<1x112x128xf32, #tpu.memory_space<vmem>>
    %dma_start3A_822 = tpu.memref_squeeze %dma_start3A_821 : memref<1x112x128xf32, #tpu.memory_space<vmem>> -> memref<112x128xf32, #tpu.memory_space<vmem>>
    %dma_start3A_823 = arith.constant 1680 : i32
    %dma_start3A_824 = tpu.memref_slice %arg5[%dma_start3A_823] : memref<3136xi32, #tpu.memory_space<vmem>> -> memref<112xi32, #tpu.memory_space<vmem>>
    %dma_start3A_825 = arith.constant 0 : i32
    %dma_start3A_826 = arith.constant 0 : i32
    %dma_start3A_827 = tpu.memref_slice %arg7[%dma_start3A_825, %dma_start3A_826] : memref<1025x128xf32, #tpu.memory_space<vmem_shared>> -> memref<1025x128xf32, #tpu.memory_space<vmem_shared>>
    %dma_start3A_828 = tpu.memref_slice %arg8[%dma_start3A_818] : memref<4x!tpu.dma_semaphore, #tpu.memory_space<semaphore_mem>> -> memref<1x!tpu.dma_semaphore, #tpu.memory_space<semaphore_mem>>
    %dma_start3A_829 = tpu.memref_squeeze %dma_start3A_828 : memref<1x!tpu.dma_semaphore, #tpu.memory_space<semaphore_mem>> -> memref<!tpu.dma_semaphore, #tpu.memory_space<semaphore_mem>>
    tpu.enqueue_indirect_dma source(%dma_start3A_827 : memref<1025x128xf32, #tpu.memory_space<vmem_shared>>) target(%dma_start3A_822 : memref<112x128xf32, #tpu.memory_space<vmem>>) offsets(%dma_start3A_824 : memref<112xi32, #tpu.memory_space<vmem>>) semaphore(%dma_start3A_829 : memref<!tpu.dma_semaphore, #tpu.memory_space<semaphore_mem>>)
    %dma_wait3A_830 = arith.constant 1 : i32
    %dma_wait3A_831 = arith.constant 1 : i32
    %dma_wait3A_832 = arith.constant 0 : i32
    %dma_wait3A_833 = arith.constant 0 : i32
    %dma_wait3A_834 = tpu.memref_slice %arg6[%dma_wait3A_830, %dma_wait3A_832, %dma_wait3A_833] : memref<4x112x128xf32, #tpu.memory_space<vmem>> -> memref<1x112x128xf32, #tpu.memory_space<vmem>>
    %dma_wait3A_835 = tpu.memref_squeeze %dma_wait3A_834 : memref<1x112x128xf32, #tpu.memory_space<vmem>> -> memref<112x128xf32, #tpu.memory_space<vmem>>
    %dma_wait3A_836 = arith.constant 1456 : i32
    %dma_wait3A_837 = tpu.memref_slice %arg5[%dma_wait3A_836] : memref<3136xi32, #tpu.memory_space<vmem>> -> memref<112xi32, #tpu.memory_space<vmem>>
    %dma_wait3A_838 = arith.constant 0 : i32
    %dma_wait3A_839 = arith.constant 0 : i32
    %dma_wait3A_840 = tpu.memref_slice %arg7[%dma_wait3A_838, %dma_wait3A_839] : memref<1025x128xf32, #tpu.memory_space<vmem_shared>> -> memref<1025x128xf32, #tpu.memory_space<vmem_shared>>
    %dma_wait3A_841 = tpu.memref_slice %arg8[%dma_wait3A_831] : memref<4x!tpu.dma_semaphore, #tpu.memory_space<semaphore_mem>> -> memref<1x!tpu.dma_semaphore, #tpu.memory_space<semaphore_mem>>
    %dma_wait3A_842 = tpu.memref_squeeze %dma_wait3A_841 : memref<1x!tpu.dma_semaphore, #tpu.memory_space<semaphore_mem>> -> memref<!tpu.dma_semaphore, #tpu.memory_space<semaphore_mem>>
    tpu.wait_indirect_dma semaphore(%dma_wait3A_842 : memref<!tpu.dma_semaphore, #tpu.memory_space<semaphore_mem>>) src(%dma_wait3A_840 : memref<1025x128xf32, #tpu.memory_space<vmem_shared>>) dst(%dma_wait3A_835 : memref<112x128xf32, #tpu.memory_space<vmem>>)
    %add3A_843 = arith.constant 1456 : i32
    %add3A_844 = arith.addi %min3A_3, %add3A_843 : i32
    %multiple_of3A_845 = tpu.assume_multiple %add3A_844, 8 : i32
    %dma_start3A_846 = arith.constant 1 : i32
    %dma_start3A_847 = arith.constant 1 : i32
    %dma_start3A_848 = arith.constant 0 : i32
    %dma_start3A_849 = arith.constant 0 : i32
    %dma_start3A_850 = tpu.memref_slice %arg6[%dma_start3A_846, %dma_start3A_848, %dma_start3A_849] : memref<4x112x128xf32, #tpu.memory_space<vmem>> -> memref<1x112x128xf32, #tpu.memory_space<vmem>>
    %dma_start3A_851 = tpu.memref_squeeze %dma_start3A_850 : memref<1x112x128xf32, #tpu.memory_space<vmem>> -> memref<112x128xf32, #tpu.memory_space<vmem>>
    %dma_start3A_852 = arith.constant 0 : i32
    %dma_start3A_853 = tpu.memref_slice %arg4[%multiple_of3A_845, %dma_start3A_852] : memref<100000x128xf32, #tpu.memory_space<hbm>> -> memref<112x128xf32, #tpu.memory_space<hbm>>
    %dma_start3A_854 = tpu.memref_slice %arg9[%dma_start3A_847] : memref<4x!tpu.dma_semaphore, #tpu.memory_space<semaphore_mem>> -> memref<1x!tpu.dma_semaphore, #tpu.memory_space<semaphore_mem>>
    %dma_start3A_855 = tpu.memref_squeeze %dma_start3A_854 : memref<1x!tpu.dma_semaphore, #tpu.memory_space<semaphore_mem>> -> memref<!tpu.dma_semaphore, #tpu.memory_space<semaphore_mem>>
    %dma_start3A_856 = arith.constant 0 : i32
    %dma_start3A_857 = tpu.memref_slice %arg4[%multiple_of3A_845, %dma_start3A_856] : memref<100000x128xf32, #tpu.memory_space<hbm>> -> memref<112x128xf32, #tpu.memory_space<hbm>>
    %dma_start3A_858 = arith.constant 0 : i32
    %dma_start3A_859 = arith.constant 0 : i32
    %dma_start3A_860 = tpu.memref_slice %arg6[%dma_start3A_846, %dma_start3A_858, %dma_start3A_859] : memref<4x112x128xf32, #tpu.memory_space<vmem>> -> memref<1x112x128xf32, #tpu.memory_space<vmem>>
    %dma_start3A_861 = tpu.memref_squeeze %dma_start3A_860 : memref<1x112x128xf32, #tpu.memory_space<vmem>> -> memref<112x128xf32, #tpu.memory_space<vmem>>
    tpu.enqueue_dma source(%dma_start3A_861 : memref<112x128xf32, #tpu.memory_space<vmem>>) target(%dma_start3A_857 : memref<112x128xf32, #tpu.memory_space<hbm>>) target_semaphore(%dma_start3A_855 : memref<!tpu.dma_semaphore, #tpu.memory_space<semaphore_mem>>)
    %dma_wait3A_862 = arith.constant 0 : i32
    %dma_wait3A_863 = arith.constant 0 : i32
    %dma_wait3A_864 = arith.constant 0 : i32
    %dma_wait3A_865 = arith.constant 0 : i32
    %dma_wait3A_866 = tpu.memref_slice %arg6[%dma_wait3A_862, %dma_wait3A_864, %dma_wait3A_865] : memref<4x112x128xf32, #tpu.memory_space<vmem>> -> memref<1x112x128xf32, #tpu.memory_space<vmem>>
    %dma_wait3A_867 = tpu.memref_squeeze %dma_wait3A_866 : memref<1x112x128xf32, #tpu.memory_space<vmem>> -> memref<112x128xf32, #tpu.memory_space<vmem>>
    %dma_wait3A_868 = arith.constant 0 : i32
    %dma_wait3A_869 = tpu.memref_slice %arg4[%multiple_of3A_784, %dma_wait3A_868] : memref<100000x128xf32, #tpu.memory_space<hbm>> -> memref<112x128xf32, #tpu.memory_space<hbm>>
    %dma_wait3A_870 = tpu.memref_slice %arg9[%dma_wait3A_863] : memref<4x!tpu.dma_semaphore, #tpu.memory_space<semaphore_mem>> -> memref<1x!tpu.dma_semaphore, #tpu.memory_space<semaphore_mem>>
    %dma_wait3A_871 = tpu.memref_squeeze %dma_wait3A_870 : memref<1x!tpu.dma_semaphore, #tpu.memory_space<semaphore_mem>> -> memref<!tpu.dma_semaphore, #tpu.memory_space<semaphore_mem>>
    %dma_wait3A_872 = arith.constant 0 : i32
    %dma_wait3A_873 = tpu.memref_slice %arg4[%multiple_of3A_784, %dma_wait3A_872] : memref<100000x128xf32, #tpu.memory_space<hbm>> -> memref<112x128xf32, #tpu.memory_space<hbm>>
    %dma_wait3A_874 = arith.constant 0 : i32
    %dma_wait3A_875 = arith.constant 0 : i32
    %dma_wait3A_876 = tpu.memref_slice %arg6[%dma_wait3A_862, %dma_wait3A_874, %dma_wait3A_875] : memref<4x112x128xf32, #tpu.memory_space<vmem>> -> memref<1x112x128xf32, #tpu.memory_space<vmem>>
    %dma_wait3A_877 = tpu.memref_squeeze %dma_wait3A_876 : memref<1x112x128xf32, #tpu.memory_space<vmem>> -> memref<112x128xf32, #tpu.memory_space<vmem>>
    tpu.wait_dma2 semaphore(%dma_wait3A_871 : memref<!tpu.dma_semaphore, #tpu.memory_space<semaphore_mem>>) src(%dma_wait3A_877 : memref<112x128xf32, #tpu.memory_space<vmem>>) dst(%dma_wait3A_873 : memref<112x128xf32, #tpu.memory_space<hbm>>)
    %dma_start3A_878 = arith.constant 0 : i32
    %dma_start3A_879 = arith.constant 0 : i32
    %dma_start3A_880 = arith.constant 0 : i32
    %dma_start3A_881 = arith.constant 0 : i32
    %dma_start3A_882 = tpu.memref_slice %arg6[%dma_start3A_878, %dma_start3A_880, %dma_start3A_881] : memref<4x112x128xf32, #tpu.memory_space<vmem>> -> memref<1x112x128xf32, #tpu.memory_space<vmem>>
    %dma_start3A_883 = tpu.memref_squeeze %dma_start3A_882 : memref<1x112x128xf32, #tpu.memory_space<vmem>> -> memref<112x128xf32, #tpu.memory_space<vmem>>
    %dma_start3A_884 = arith.constant 1792 : i32
    %dma_start3A_885 = tpu.memref_slice %arg5[%dma_start3A_884] : memref<3136xi32, #tpu.memory_space<vmem>> -> memref<112xi32, #tpu.memory_space<vmem>>
    %dma_start3A_886 = arith.constant 0 : i32
    %dma_start3A_887 = arith.constant 0 : i32
    %dma_start3A_888 = tpu.memref_slice %arg7[%dma_start3A_886, %dma_start3A_887] : memref<1025x128xf32, #tpu.memory_space<vmem_shared>> -> memref<1025x128xf32, #tpu.memory_space<vmem_shared>>
    %dma_start3A_889 = tpu.memref_slice %arg8[%dma_start3A_879] : memref<4x!tpu.dma_semaphore, #tpu.memory_space<semaphore_mem>> -> memref<1x!tpu.dma_semaphore, #tpu.memory_space<semaphore_mem>>
    %dma_start3A_890 = tpu.memref_squeeze %dma_start3A_889 : memref<1x!tpu.dma_semaphore, #tpu.memory_space<semaphore_mem>> -> memref<!tpu.dma_semaphore, #tpu.memory_space<semaphore_mem>>
    tpu.enqueue_indirect_dma source(%dma_start3A_888 : memref<1025x128xf32, #tpu.memory_space<vmem_shared>>) target(%dma_start3A_883 : memref<112x128xf32, #tpu.memory_space<vmem>>) offsets(%dma_start3A_885 : memref<112xi32, #tpu.memory_space<vmem>>) semaphore(%dma_start3A_890 : memref<!tpu.dma_semaphore, #tpu.memory_space<semaphore_mem>>)
    %dma_wait3A_891 = arith.constant 2 : i32
    %dma_wait3A_892 = arith.constant 2 : i32
    %dma_wait3A_893 = arith.constant 0 : i32
    %dma_wait3A_894 = arith.constant 0 : i32
    %dma_wait3A_895 = tpu.memref_slice %arg6[%dma_wait3A_891, %dma_wait3A_893, %dma_wait3A_894] : memref<4x112x128xf32, #tpu.memory_space<vmem>> -> memref<1x112x128xf32, #tpu.memory_space<vmem>>
    %dma_wait3A_896 = tpu.memref_squeeze %dma_wait3A_895 : memref<1x112x128xf32, #tpu.memory_space<vmem>> -> memref<112x128xf32, #tpu.memory_space<vmem>>
    %dma_wait3A_897 = arith.constant 1568 : i32
    %dma_wait3A_898 = tpu.memref_slice %arg5[%dma_wait3A_897] : memref<3136xi32, #tpu.memory_space<vmem>> -> memref<112xi32, #tpu.memory_space<vmem>>
    %dma_wait3A_899 = arith.constant 0 : i32
    %dma_wait3A_900 = arith.constant 0 : i32
    %dma_wait3A_901 = tpu.memref_slice %arg7[%dma_wait3A_899, %dma_wait3A_900] : memref<1025x128xf32, #tpu.memory_space<vmem_shared>> -> memref<1025x128xf32, #tpu.memory_space<vmem_shared>>
    %dma_wait3A_902 = tpu.memref_slice %arg8[%dma_wait3A_892] : memref<4x!tpu.dma_semaphore, #tpu.memory_space<semaphore_mem>> -> memref<1x!tpu.dma_semaphore, #tpu.memory_space<semaphore_mem>>
    %dma_wait3A_903 = tpu.memref_squeeze %dma_wait3A_902 : memref<1x!tpu.dma_semaphore, #tpu.memory_space<semaphore_mem>> -> memref<!tpu.dma_semaphore, #tpu.memory_space<semaphore_mem>>
    tpu.wait_indirect_dma semaphore(%dma_wait3A_903 : memref<!tpu.dma_semaphore, #tpu.memory_space<semaphore_mem>>) src(%dma_wait3A_901 : memref<1025x128xf32, #tpu.memory_space<vmem_shared>>) dst(%dma_wait3A_896 : memref<112x128xf32, #tpu.memory_space<vmem>>)
    %add3A_904 = arith.constant 1568 : i32
    %add3A_905 = arith.addi %min3A_3, %add3A_904 : i32
    %multiple_of3A_906 = tpu.assume_multiple %add3A_905, 8 : i32
    %dma_start3A_907 = arith.constant 2 : i32
    %dma_start3A_908 = arith.constant 2 : i32
    %dma_start3A_909 = arith.constant 0 : i32
    %dma_start3A_910 = arith.constant 0 : i32
    %dma_start3A_911 = tpu.memref_slice %arg6[%dma_start3A_907, %dma_start3A_909, %dma_start3A_910] : memref<4x112x128xf32, #tpu.memory_space<vmem>> -> memref<1x112x128xf32, #tpu.memory_space<vmem>>
    %dma_start3A_912 = tpu.memref_squeeze %dma_start3A_911 : memref<1x112x128xf32, #tpu.memory_space<vmem>> -> memref<112x128xf32, #tpu.memory_space<vmem>>
    %dma_start3A_913 = arith.constant 0 : i32
    %dma_start3A_914 = tpu.memref_slice %arg4[%multiple_of3A_906, %dma_start3A_913] : memref<100000x128xf32, #tpu.memory_space<hbm>> -> memref<112x128xf32, #tpu.memory_space<hbm>>
    %dma_start3A_915 = tpu.memref_slice %arg9[%dma_start3A_908] : memref<4x!tpu.dma_semaphore, #tpu.memory_space<semaphore_mem>> -> memref<1x!tpu.dma_semaphore, #tpu.memory_space<semaphore_mem>>
    %dma_start3A_916 = tpu.memref_squeeze %dma_start3A_915 : memref<1x!tpu.dma_semaphore, #tpu.memory_space<semaphore_mem>> -> memref<!tpu.dma_semaphore, #tpu.memory_space<semaphore_mem>>
    %dma_start3A_917 = arith.constant 0 : i32
    %dma_start3A_918 = tpu.memref_slice %arg4[%multiple_of3A_906, %dma_start3A_917] : memref<100000x128xf32, #tpu.memory_space<hbm>> -> memref<112x128xf32, #tpu.memory_space<hbm>>
    %dma_start3A_919 = arith.constant 0 : i32
    %dma_start3A_920 = arith.constant 0 : i32
    %dma_start3A_921 = tpu.memref_slice %arg6[%dma_start3A_907, %dma_start3A_919, %dma_start3A_920] : memref<4x112x128xf32, #tpu.memory_space<vmem>> -> memref<1x112x128xf32, #tpu.memory_space<vmem>>
    %dma_start3A_922 = tpu.memref_squeeze %dma_start3A_921 : memref<1x112x128xf32, #tpu.memory_space<vmem>> -> memref<112x128xf32, #tpu.memory_space<vmem>>
    tpu.enqueue_dma source(%dma_start3A_922 : memref<112x128xf32, #tpu.memory_space<vmem>>) target(%dma_start3A_918 : memref<112x128xf32, #tpu.memory_space<hbm>>) target_semaphore(%dma_start3A_916 : memref<!tpu.dma_semaphore, #tpu.memory_space<semaphore_mem>>)
    %dma_wait3A_923 = arith.constant 1 : i32
    %dma_wait3A_924 = arith.constant 1 : i32
    %dma_wait3A_925 = arith.constant 0 : i32
    %dma_wait3A_926 = arith.constant 0 : i32
    %dma_wait3A_927 = tpu.memref_slice %arg6[%dma_wait3A_923, %dma_wait3A_925, %dma_wait3A_926] : memref<4x112x128xf32, #tpu.memory_space<vmem>> -> memref<1x112x128xf32, #tpu.memory_space<vmem>>
    %dma_wait3A_928 = tpu.memref_squeeze %dma_wait3A_927 : memref<1x112x128xf32, #tpu.memory_space<vmem>> -> memref<112x128xf32, #tpu.memory_space<vmem>>
    %dma_wait3A_929 = arith.constant 0 : i32
    %dma_wait3A_930 = tpu.memref_slice %arg4[%multiple_of3A_845, %dma_wait3A_929] : memref<100000x128xf32, #tpu.memory_space<hbm>> -> memref<112x128xf32, #tpu.memory_space<hbm>>
    %dma_wait3A_931 = tpu.memref_slice %arg9[%dma_wait3A_924] : memref<4x!tpu.dma_semaphore, #tpu.memory_space<semaphore_mem>> -> memref<1x!tpu.dma_semaphore, #tpu.memory_space<semaphore_mem>>
    %dma_wait3A_932 = tpu.memref_squeeze %dma_wait3A_931 : memref<1x!tpu.dma_semaphore, #tpu.memory_space<semaphore_mem>> -> memref<!tpu.dma_semaphore, #tpu.memory_space<semaphore_mem>>
    %dma_wait3A_933 = arith.constant 0 : i32
    %dma_wait3A_934 = tpu.memref_slice %arg4[%multiple_of3A_845, %dma_wait3A_933] : memref<100000x128xf32, #tpu.memory_space<hbm>> -> memref<112x128xf32, #tpu.memory_space<hbm>>
    %dma_wait3A_935 = arith.constant 0 : i32
    %dma_wait3A_936 = arith.constant 0 : i32
    %dma_wait3A_937 = tpu.memref_slice %arg6[%dma_wait3A_923, %dma_wait3A_935, %dma_wait3A_936] : memref<4x112x128xf32, #tpu.memory_space<vmem>> -> memref<1x112x128xf32, #tpu.memory_space<vmem>>
    %dma_wait3A_938 = tpu.memref_squeeze %dma_wait3A_937 : memref<1x112x128xf32, #tpu.memory_space<vmem>> -> memref<112x128xf32, #tpu.memory_space<vmem>>
    tpu.wait_dma2 semaphore(%dma_wait3A_932 : memref<!tpu.dma_semaphore, #tpu.memory_space<semaphore_mem>>) src(%dma_wait3A_938 : memref<112x128xf32, #tpu.memory_space<vmem>>) dst(%dma_wait3A_934 : memref<112x128xf32, #tpu.memory_space<hbm>>)
    %dma_start3A_939 = arith.constant 1 : i32
    %dma_start3A_940 = arith.constant 1 : i32
    %dma_start3A_941 = arith.constant 0 : i32
    %dma_start3A_942 = arith.constant 0 : i32
    %dma_start3A_943 = tpu.memref_slice %arg6[%dma_start3A_939, %dma_start3A_941, %dma_start3A_942] : memref<4x112x128xf32, #tpu.memory_space<vmem>> -> memref<1x112x128xf32, #tpu.memory_space<vmem>>
    %dma_start3A_944 = tpu.memref_squeeze %dma_start3A_943 : memref<1x112x128xf32, #tpu.memory_space<vmem>> -> memref<112x128xf32, #tpu.memory_space<vmem>>
    %dma_start3A_945 = arith.constant 1904 : i32
    %dma_start3A_946 = tpu.memref_slice %arg5[%dma_start3A_945] : memref<3136xi32, #tpu.memory_space<vmem>> -> memref<112xi32, #tpu.memory_space<vmem>>
    %dma_start3A_947 = arith.constant 0 : i32
    %dma_start3A_948 = arith.constant 0 : i32
    %dma_start3A_949 = tpu.memref_slice %arg7[%dma_start3A_947, %dma_start3A_948] : memref<1025x128xf32, #tpu.memory_space<vmem_shared>> -> memref<1025x128xf32, #tpu.memory_space<vmem_shared>>
    %dma_start3A_950 = tpu.memref_slice %arg8[%dma_start3A_940] : memref<4x!tpu.dma_semaphore, #tpu.memory_space<semaphore_mem>> -> memref<1x!tpu.dma_semaphore, #tpu.memory_space<semaphore_mem>>
    %dma_start3A_951 = tpu.memref_squeeze %dma_start3A_950 : memref<1x!tpu.dma_semaphore, #tpu.memory_space<semaphore_mem>> -> memref<!tpu.dma_semaphore, #tpu.memory_space<semaphore_mem>>
    tpu.enqueue_indirect_dma source(%dma_start3A_949 : memref<1025x128xf32, #tpu.memory_space<vmem_shared>>) target(%dma_start3A_944 : memref<112x128xf32, #tpu.memory_space<vmem>>) offsets(%dma_start3A_946 : memref<112xi32, #tpu.memory_space<vmem>>) semaphore(%dma_start3A_951 : memref<!tpu.dma_semaphore, #tpu.memory_space<semaphore_mem>>)
    %dma_wait3A_952 = arith.constant 3 : i32
    %dma_wait3A_953 = arith.constant 3 : i32
    %dma_wait3A_954 = arith.constant 0 : i32
    %dma_wait3A_955 = arith.constant 0 : i32
    %dma_wait3A_956 = tpu.memref_slice %arg6[%dma_wait3A_952, %dma_wait3A_954, %dma_wait3A_955] : memref<4x112x128xf32, #tpu.memory_space<vmem>> -> memref<1x112x128xf32, #tpu.memory_space<vmem>>
    %dma_wait3A_957 = tpu.memref_squeeze %dma_wait3A_956 : memref<1x112x128xf32, #tpu.memory_space<vmem>> -> memref<112x128xf32, #tpu.memory_space<vmem>>
    %dma_wait3A_958 = arith.constant 1680 : i32
    %dma_wait3A_959 = tpu.memref_slice %arg5[%dma_wait3A_958] : memref<3136xi32, #tpu.memory_space<vmem>> -> memref<112xi32, #tpu.memory_space<vmem>>
    %dma_wait3A_960 = arith.constant 0 : i32
    %dma_wait3A_961 = arith.constant 0 : i32
    %dma_wait3A_962 = tpu.memref_slice %arg7[%dma_wait3A_960, %dma_wait3A_961] : memref<1025x128xf32, #tpu.memory_space<vmem_shared>> -> memref<1025x128xf32, #tpu.memory_space<vmem_shared>>
    %dma_wait3A_963 = tpu.memref_slice %arg8[%dma_wait3A_953] : memref<4x!tpu.dma_semaphore, #tpu.memory_space<semaphore_mem>> -> memref<1x!tpu.dma_semaphore, #tpu.memory_space<semaphore_mem>>
    %dma_wait3A_964 = tpu.memref_squeeze %dma_wait3A_963 : memref<1x!tpu.dma_semaphore, #tpu.memory_space<semaphore_mem>> -> memref<!tpu.dma_semaphore, #tpu.memory_space<semaphore_mem>>
    tpu.wait_indirect_dma semaphore(%dma_wait3A_964 : memref<!tpu.dma_semaphore, #tpu.memory_space<semaphore_mem>>) src(%dma_wait3A_962 : memref<1025x128xf32, #tpu.memory_space<vmem_shared>>) dst(%dma_wait3A_957 : memref<112x128xf32, #tpu.memory_space<vmem>>)
    %add3A_965 = arith.constant 1680 : i32
    %add3A_966 = arith.addi %min3A_3, %add3A_965 : i32
    %multiple_of3A_967 = tpu.assume_multiple %add3A_966, 8 : i32
    %dma_start3A_968 = arith.constant 3 : i32
    %dma_start3A_969 = arith.constant 3 : i32
    %dma_start3A_970 = arith.constant 0 : i32
    %dma_start3A_971 = arith.constant 0 : i32
    %dma_start3A_972 = tpu.memref_slice %arg6[%dma_start3A_968, %dma_start3A_970, %dma_start3A_971] : memref<4x112x128xf32, #tpu.memory_space<vmem>> -> memref<1x112x128xf32, #tpu.memory_space<vmem>>
    %dma_start3A_973 = tpu.memref_squeeze %dma_start3A_972 : memref<1x112x128xf32, #tpu.memory_space<vmem>> -> memref<112x128xf32, #tpu.memory_space<vmem>>
    %dma_start3A_974 = arith.constant 0 : i32
    %dma_start3A_975 = tpu.memref_slice %arg4[%multiple_of3A_967, %dma_start3A_974] : memref<100000x128xf32, #tpu.memory_space<hbm>> -> memref<112x128xf32, #tpu.memory_space<hbm>>
    %dma_start3A_976 = tpu.memref_slice %arg9[%dma_start3A_969] : memref<4x!tpu.dma_semaphore, #tpu.memory_space<semaphore_mem>> -> memref<1x!tpu.dma_semaphore, #tpu.memory_space<semaphore_mem>>
    %dma_start3A_977 = tpu.memref_squeeze %dma_start3A_976 : memref<1x!tpu.dma_semaphore, #tpu.memory_space<semaphore_mem>> -> memref<!tpu.dma_semaphore, #tpu.memory_space<semaphore_mem>>
    %dma_start3A_978 = arith.constant 0 : i32
    %dma_start3A_979 = tpu.memref_slice %arg4[%multiple_of3A_967, %dma_start3A_978] : memref<100000x128xf32, #tpu.memory_space<hbm>> -> memref<112x128xf32, #tpu.memory_space<hbm>>
    %dma_start3A_980 = arith.constant 0 : i32
    %dma_start3A_981 = arith.constant 0 : i32
    %dma_start3A_982 = tpu.memref_slice %arg6[%dma_start3A_968, %dma_start3A_980, %dma_start3A_981] : memref<4x112x128xf32, #tpu.memory_space<vmem>> -> memref<1x112x128xf32, #tpu.memory_space<vmem>>
    %dma_start3A_983 = tpu.memref_squeeze %dma_start3A_982 : memref<1x112x128xf32, #tpu.memory_space<vmem>> -> memref<112x128xf32, #tpu.memory_space<vmem>>
    tpu.enqueue_dma source(%dma_start3A_983 : memref<112x128xf32, #tpu.memory_space<vmem>>) target(%dma_start3A_979 : memref<112x128xf32, #tpu.memory_space<hbm>>) target_semaphore(%dma_start3A_977 : memref<!tpu.dma_semaphore, #tpu.memory_space<semaphore_mem>>)
    %dma_wait3A_984 = arith.constant 2 : i32
    %dma_wait3A_985 = arith.constant 2 : i32
    %dma_wait3A_986 = arith.constant 0 : i32
    %dma_wait3A_987 = arith.constant 0 : i32
    %dma_wait3A_988 = tpu.memref_slice %arg6[%dma_wait3A_984, %dma_wait3A_986, %dma_wait3A_987] : memref<4x112x128xf32, #tpu.memory_space<vmem>> -> memref<1x112x128xf32, #tpu.memory_space<vmem>>
    %dma_wait3A_989 = tpu.memref_squeeze %dma_wait3A_988 : memref<1x112x128xf32, #tpu.memory_space<vmem>> -> memref<112x128xf32, #tpu.memory_space<vmem>>
    %dma_wait3A_990 = arith.constant 0 : i32
    %dma_wait3A_991 = tpu.memref_slice %arg4[%multiple_of3A_906, %dma_wait3A_990] : memref<100000x128xf32, #tpu.memory_space<hbm>> -> memref<112x128xf32, #tpu.memory_space<hbm>>
    %dma_wait3A_992 = tpu.memref_slice %arg9[%dma_wait3A_985] : memref<4x!tpu.dma_semaphore, #tpu.memory_space<semaphore_mem>> -> memref<1x!tpu.dma_semaphore, #tpu.memory_space<semaphore_mem>>
    %dma_wait3A_993 = tpu.memref_squeeze %dma_wait3A_992 : memref<1x!tpu.dma_semaphore, #tpu.memory_space<semaphore_mem>> -> memref<!tpu.dma_semaphore, #tpu.memory_space<semaphore_mem>>
    %dma_wait3A_994 = arith.constant 0 : i32
    %dma_wait3A_995 = tpu.memref_slice %arg4[%multiple_of3A_906, %dma_wait3A_994] : memref<100000x128xf32, #tpu.memory_space<hbm>> -> memref<112x128xf32, #tpu.memory_space<hbm>>
    %dma_wait3A_996 = arith.constant 0 : i32
    %dma_wait3A_997 = arith.constant 0 : i32
    %dma_wait3A_998 = tpu.memref_slice %arg6[%dma_wait3A_984, %dma_wait3A_996, %dma_wait3A_997] : memref<4x112x128xf32, #tpu.memory_space<vmem>> -> memref<1x112x128xf32, #tpu.memory_space<vmem>>
    %dma_wait3A_999 = tpu.memref_squeeze %dma_wait3A_998 : memref<1x112x128xf32, #tpu.memory_space<vmem>> -> memref<112x128xf32, #tpu.memory_space<vmem>>
    tpu.wait_dma2 semaphore(%dma_wait3A_993 : memref<!tpu.dma_semaphore, #tpu.memory_space<semaphore_mem>>) src(%dma_wait3A_999 : memref<112x128xf32, #tpu.memory_space<vmem>>) dst(%dma_wait3A_995 : memref<112x128xf32, #tpu.memory_space<hbm>>)
    %dma_start3A_1000 = arith.constant 2 : i32
    %dma_start3A_1001 = arith.constant 2 : i32
    %dma_start3A_1002 = arith.constant 0 : i32
    %dma_start3A_1003 = arith.constant 0 : i32
    %dma_start3A_1004 = tpu.memref_slice %arg6[%dma_start3A_1000, %dma_start3A_1002, %dma_start3A_1003] : memref<4x112x128xf32, #tpu.memory_space<vmem>> -> memref<1x112x128xf32, #tpu.memory_space<vmem>>
    %dma_start3A_1005 = tpu.memref_squeeze %dma_start3A_1004 : memref<1x112x128xf32, #tpu.memory_space<vmem>> -> memref<112x128xf32, #tpu.memory_space<vmem>>
    %dma_start3A_1006 = arith.constant 2016 : i32
    %dma_start3A_1007 = tpu.memref_slice %arg5[%dma_start3A_1006] : memref<3136xi32, #tpu.memory_space<vmem>> -> memref<112xi32, #tpu.memory_space<vmem>>
    %dma_start3A_1008 = arith.constant 0 : i32
    %dma_start3A_1009 = arith.constant 0 : i32
    %dma_start3A_1010 = tpu.memref_slice %arg7[%dma_start3A_1008, %dma_start3A_1009] : memref<1025x128xf32, #tpu.memory_space<vmem_shared>> -> memref<1025x128xf32, #tpu.memory_space<vmem_shared>>
    %dma_start3A_1011 = tpu.memref_slice %arg8[%dma_start3A_1001] : memref<4x!tpu.dma_semaphore, #tpu.memory_space<semaphore_mem>> -> memref<1x!tpu.dma_semaphore, #tpu.memory_space<semaphore_mem>>
    %dma_start3A_1012 = tpu.memref_squeeze %dma_start3A_1011 : memref<1x!tpu.dma_semaphore, #tpu.memory_space<semaphore_mem>> -> memref<!tpu.dma_semaphore, #tpu.memory_space<semaphore_mem>>
    tpu.enqueue_indirect_dma source(%dma_start3A_1010 : memref<1025x128xf32, #tpu.memory_space<vmem_shared>>) target(%dma_start3A_1005 : memref<112x128xf32, #tpu.memory_space<vmem>>) offsets(%dma_start3A_1007 : memref<112xi32, #tpu.memory_space<vmem>>) semaphore(%dma_start3A_1012 : memref<!tpu.dma_semaphore, #tpu.memory_space<semaphore_mem>>)
    %dma_wait3A_1013 = arith.constant 0 : i32
    %dma_wait3A_1014 = arith.constant 0 : i32
    %dma_wait3A_1015 = arith.constant 0 : i32
    %dma_wait3A_1016 = arith.constant 0 : i32
    %dma_wait3A_1017 = tpu.memref_slice %arg6[%dma_wait3A_1013, %dma_wait3A_1015, %dma_wait3A_1016] : memref<4x112x128xf32, #tpu.memory_space<vmem>> -> memref<1x112x128xf32, #tpu.memory_space<vmem>>
    %dma_wait3A_1018 = tpu.memref_squeeze %dma_wait3A_1017 : memref<1x112x128xf32, #tpu.memory_space<vmem>> -> memref<112x128xf32, #tpu.memory_space<vmem>>
    %dma_wait3A_1019 = arith.constant 1792 : i32
    %dma_wait3A_1020 = tpu.memref_slice %arg5[%dma_wait3A_1019] : memref<3136xi32, #tpu.memory_space<vmem>> -> memref<112xi32, #tpu.memory_space<vmem>>
    %dma_wait3A_1021 = arith.constant 0 : i32
    %dma_wait3A_1022 = arith.constant 0 : i32
    %dma_wait3A_1023 = tpu.memref_slice %arg7[%dma_wait3A_1021, %dma_wait3A_1022] : memref<1025x128xf32, #tpu.memory_space<vmem_shared>> -> memref<1025x128xf32, #tpu.memory_space<vmem_shared>>
    %dma_wait3A_1024 = tpu.memref_slice %arg8[%dma_wait3A_1014] : memref<4x!tpu.dma_semaphore, #tpu.memory_space<semaphore_mem>> -> memref<1x!tpu.dma_semaphore, #tpu.memory_space<semaphore_mem>>
    %dma_wait3A_1025 = tpu.memref_squeeze %dma_wait3A_1024 : memref<1x!tpu.dma_semaphore, #tpu.memory_space<semaphore_mem>> -> memref<!tpu.dma_semaphore, #tpu.memory_space<semaphore_mem>>
    tpu.wait_indirect_dma semaphore(%dma_wait3A_1025 : memref<!tpu.dma_semaphore, #tpu.memory_space<semaphore_mem>>) src(%dma_wait3A_1023 : memref<1025x128xf32, #tpu.memory_space<vmem_shared>>) dst(%dma_wait3A_1018 : memref<112x128xf32, #tpu.memory_space<vmem>>)
    %add3A_1026 = arith.constant 1792 : i32
    %add3A_1027 = arith.addi %min3A_3, %add3A_1026 : i32
    %multiple_of3A_1028 = tpu.assume_multiple %add3A_1027, 8 : i32
    %dma_start3A_1029 = arith.constant 0 : i32
    %dma_start3A_1030 = arith.constant 0 : i32
    %dma_start3A_1031 = arith.constant 0 : i32
    %dma_start3A_1032 = arith.constant 0 : i32
    %dma_start3A_1033 = tpu.memref_slice %arg6[%dma_start3A_1029, %dma_start3A_1031, %dma_start3A_1032] : memref<4x112x128xf32, #tpu.memory_space<vmem>> -> memref<1x112x128xf32, #tpu.memory_space<vmem>>
    %dma_start3A_1034 = tpu.memref_squeeze %dma_start3A_1033 : memref<1x112x128xf32, #tpu.memory_space<vmem>> -> memref<112x128xf32, #tpu.memory_space<vmem>>
    %dma_start3A_1035 = arith.constant 0 : i32
    %dma_start3A_1036 = tpu.memref_slice %arg4[%multiple_of3A_1028, %dma_start3A_1035] : memref<100000x128xf32, #tpu.memory_space<hbm>> -> memref<112x128xf32, #tpu.memory_space<hbm>>
    %dma_start3A_1037 = tpu.memref_slice %arg9[%dma_start3A_1030] : memref<4x!tpu.dma_semaphore, #tpu.memory_space<semaphore_mem>> -> memref<1x!tpu.dma_semaphore, #tpu.memory_space<semaphore_mem>>
    %dma_start3A_1038 = tpu.memref_squeeze %dma_start3A_1037 : memref<1x!tpu.dma_semaphore, #tpu.memory_space<semaphore_mem>> -> memref<!tpu.dma_semaphore, #tpu.memory_space<semaphore_mem>>
    %dma_start3A_1039 = arith.constant 0 : i32
    %dma_start3A_1040 = tpu.memref_slice %arg4[%multiple_of3A_1028, %dma_start3A_1039] : memref<100000x128xf32, #tpu.memory_space<hbm>> -> memref<112x128xf32, #tpu.memory_space<hbm>>
    %dma_start3A_1041 = arith.constant 0 : i32
    %dma_start3A_1042 = arith.constant 0 : i32
    %dma_start3A_1043 = tpu.memref_slice %arg6[%dma_start3A_1029, %dma_start3A_1041, %dma_start3A_1042] : memref<4x112x128xf32, #tpu.memory_space<vmem>> -> memref<1x112x128xf32, #tpu.memory_space<vmem>>
    %dma_start3A_1044 = tpu.memref_squeeze %dma_start3A_1043 : memref<1x112x128xf32, #tpu.memory_space<vmem>> -> memref<112x128xf32, #tpu.memory_space<vmem>>
    tpu.enqueue_dma source(%dma_start3A_1044 : memref<112x128xf32, #tpu.memory_space<vmem>>) target(%dma_start3A_1040 : memref<112x128xf32, #tpu.memory_space<hbm>>) target_semaphore(%dma_start3A_1038 : memref<!tpu.dma_semaphore, #tpu.memory_space<semaphore_mem>>)
    %dma_wait3A_1045 = arith.constant 3 : i32
    %dma_wait3A_1046 = arith.constant 3 : i32
    %dma_wait3A_1047 = arith.constant 0 : i32
    %dma_wait3A_1048 = arith.constant 0 : i32
    %dma_wait3A_1049 = tpu.memref_slice %arg6[%dma_wait3A_1045, %dma_wait3A_1047, %dma_wait3A_1048] : memref<4x112x128xf32, #tpu.memory_space<vmem>> -> memref<1x112x128xf32, #tpu.memory_space<vmem>>
    %dma_wait3A_1050 = tpu.memref_squeeze %dma_wait3A_1049 : memref<1x112x128xf32, #tpu.memory_space<vmem>> -> memref<112x128xf32, #tpu.memory_space<vmem>>
    %dma_wait3A_1051 = arith.constant 0 : i32
    %dma_wait3A_1052 = tpu.memref_slice %arg4[%multiple_of3A_967, %dma_wait3A_1051] : memref<100000x128xf32, #tpu.memory_space<hbm>> -> memref<112x128xf32, #tpu.memory_space<hbm>>
    %dma_wait3A_1053 = tpu.memref_slice %arg9[%dma_wait3A_1046] : memref<4x!tpu.dma_semaphore, #tpu.memory_space<semaphore_mem>> -> memref<1x!tpu.dma_semaphore, #tpu.memory_space<semaphore_mem>>
    %dma_wait3A_1054 = tpu.memref_squeeze %dma_wait3A_1053 : memref<1x!tpu.dma_semaphore, #tpu.memory_space<semaphore_mem>> -> memref<!tpu.dma_semaphore, #tpu.memory_space<semaphore_mem>>
    %dma_wait3A_1055 = arith.constant 0 : i32
    %dma_wait3A_1056 = tpu.memref_slice %arg4[%multiple_of3A_967, %dma_wait3A_1055] : memref<100000x128xf32, #tpu.memory_space<hbm>> -> memref<112x128xf32, #tpu.memory_space<hbm>>
    %dma_wait3A_1057 = arith.constant 0 : i32
    %dma_wait3A_1058 = arith.constant 0 : i32
    %dma_wait3A_1059 = tpu.memref_slice %arg6[%dma_wait3A_1045, %dma_wait3A_1057, %dma_wait3A_1058] : memref<4x112x128xf32, #tpu.memory_space<vmem>> -> memref<1x112x128xf32, #tpu.memory_space<vmem>>
    %dma_wait3A_1060 = tpu.memref_squeeze %dma_wait3A_1059 : memref<1x112x128xf32, #tpu.memory_space<vmem>> -> memref<112x128xf32, #tpu.memory_space<vmem>>
    tpu.wait_dma2 semaphore(%dma_wait3A_1054 : memref<!tpu.dma_semaphore, #tpu.memory_space<semaphore_mem>>) src(%dma_wait3A_1060 : memref<112x128xf32, #tpu.memory_space<vmem>>) dst(%dma_wait3A_1056 : memref<112x128xf32, #tpu.memory_space<hbm>>)
    %dma_start3A_1061 = arith.constant 3 : i32
    %dma_start3A_1062 = arith.constant 3 : i32
    %dma_start3A_1063 = arith.constant 0 : i32
    %dma_start3A_1064 = arith.constant 0 : i32
    %dma_start3A_1065 = tpu.memref_slice %arg6[%dma_start3A_1061, %dma_start3A_1063, %dma_start3A_1064] : memref<4x112x128xf32, #tpu.memory_space<vmem>> -> memref<1x112x128xf32, #tpu.memory_space<vmem>>
    %dma_start3A_1066 = tpu.memref_squeeze %dma_start3A_1065 : memref<1x112x128xf32, #tpu.memory_space<vmem>> -> memref<112x128xf32, #tpu.memory_space<vmem>>
    %dma_start3A_1067 = arith.constant 2128 : i32
    %dma_start3A_1068 = tpu.memref_slice %arg5[%dma_start3A_1067] : memref<3136xi32, #tpu.memory_space<vmem>> -> memref<112xi32, #tpu.memory_space<vmem>>
    %dma_start3A_1069 = arith.constant 0 : i32
    %dma_start3A_1070 = arith.constant 0 : i32
    %dma_start3A_1071 = tpu.memref_slice %arg7[%dma_start3A_1069, %dma_start3A_1070] : memref<1025x128xf32, #tpu.memory_space<vmem_shared>> -> memref<1025x128xf32, #tpu.memory_space<vmem_shared>>
    %dma_start3A_1072 = tpu.memref_slice %arg8[%dma_start3A_1062] : memref<4x!tpu.dma_semaphore, #tpu.memory_space<semaphore_mem>> -> memref<1x!tpu.dma_semaphore, #tpu.memory_space<semaphore_mem>>
    %dma_start3A_1073 = tpu.memref_squeeze %dma_start3A_1072 : memref<1x!tpu.dma_semaphore, #tpu.memory_space<semaphore_mem>> -> memref<!tpu.dma_semaphore, #tpu.memory_space<semaphore_mem>>
    tpu.enqueue_indirect_dma source(%dma_start3A_1071 : memref<1025x128xf32, #tpu.memory_space<vmem_shared>>) target(%dma_start3A_1066 : memref<112x128xf32, #tpu.memory_space<vmem>>) offsets(%dma_start3A_1068 : memref<112xi32, #tpu.memory_space<vmem>>) semaphore(%dma_start3A_1073 : memref<!tpu.dma_semaphore, #tpu.memory_space<semaphore_mem>>)
    %dma_wait3A_1074 = arith.constant 1 : i32
    %dma_wait3A_1075 = arith.constant 1 : i32
    %dma_wait3A_1076 = arith.constant 0 : i32
    %dma_wait3A_1077 = arith.constant 0 : i32
    %dma_wait3A_1078 = tpu.memref_slice %arg6[%dma_wait3A_1074, %dma_wait3A_1076, %dma_wait3A_1077] : memref<4x112x128xf32, #tpu.memory_space<vmem>> -> memref<1x112x128xf32, #tpu.memory_space<vmem>>
    %dma_wait3A_1079 = tpu.memref_squeeze %dma_wait3A_1078 : memref<1x112x128xf32, #tpu.memory_space<vmem>> -> memref<112x128xf32, #tpu.memory_space<vmem>>
    %dma_wait3A_1080 = arith.constant 1904 : i32
    %dma_wait3A_1081 = tpu.memref_slice %arg5[%dma_wait3A_1080] : memref<3136xi32, #tpu.memory_space<vmem>> -> memref<112xi32, #tpu.memory_space<vmem>>
    %dma_wait3A_1082 = arith.constant 0 : i32
    %dma_wait3A_1083 = arith.constant 0 : i32
    %dma_wait3A_1084 = tpu.memref_slice %arg7[%dma_wait3A_1082, %dma_wait3A_1083] : memref<1025x128xf32, #tpu.memory_space<vmem_shared>> -> memref<1025x128xf32, #tpu.memory_space<vmem_shared>>
    %dma_wait3A_1085 = tpu.memref_slice %arg8[%dma_wait3A_1075] : memref<4x!tpu.dma_semaphore, #tpu.memory_space<semaphore_mem>> -> memref<1x!tpu.dma_semaphore, #tpu.memory_space<semaphore_mem>>
    %dma_wait3A_1086 = tpu.memref_squeeze %dma_wait3A_1085 : memref<1x!tpu.dma_semaphore, #tpu.memory_space<semaphore_mem>> -> memref<!tpu.dma_semaphore, #tpu.memory_space<semaphore_mem>>
    tpu.wait_indirect_dma semaphore(%dma_wait3A_1086 : memref<!tpu.dma_semaphore, #tpu.memory_space<semaphore_mem>>) src(%dma_wait3A_1084 : memref<1025x128xf32, #tpu.memory_space<vmem_shared>>) dst(%dma_wait3A_1079 : memref<112x128xf32, #tpu.memory_space<vmem>>)
    %add3A_1087 = arith.constant 1904 : i32
    %add3A_1088 = arith.addi %min3A_3, %add3A_1087 : i32
    %multiple_of3A_1089 = tpu.assume_multiple %add3A_1088, 8 : i32
    %dma_start3A_1090 = arith.constant 1 : i32
    %dma_start3A_1091 = arith.constant 1 : i32
    %dma_start3A_1092 = arith.constant 0 : i32
    %dma_start3A_1093 = arith.constant 0 : i32
    %dma_start3A_1094 = tpu.memref_slice %arg6[%dma_start3A_1090, %dma_start3A_1092, %dma_start3A_1093] : memref<4x112x128xf32, #tpu.memory_space<vmem>> -> memref<1x112x128xf32, #tpu.memory_space<vmem>>
    %dma_start3A_1095 = tpu.memref_squeeze %dma_start3A_1094 : memref<1x112x128xf32, #tpu.memory_space<vmem>> -> memref<112x128xf32, #tpu.memory_space<vmem>>
    %dma_start3A_1096 = arith.constant 0 : i32
    %dma_start3A_1097 = tpu.memref_slice %arg4[%multiple_of3A_1089, %dma_start3A_1096] : memref<100000x128xf32, #tpu.memory_space<hbm>> -> memref<112x128xf32, #tpu.memory_space<hbm>>
    %dma_start3A_1098 = tpu.memref_slice %arg9[%dma_start3A_1091] : memref<4x!tpu.dma_semaphore, #tpu.memory_space<semaphore_mem>> -> memref<1x!tpu.dma_semaphore, #tpu.memory_space<semaphore_mem>>
    %dma_start3A_1099 = tpu.memref_squeeze %dma_start3A_1098 : memref<1x!tpu.dma_semaphore, #tpu.memory_space<semaphore_mem>> -> memref<!tpu.dma_semaphore, #tpu.memory_space<semaphore_mem>>
    %dma_start3A_1100 = arith.constant 0 : i32
    %dma_start3A_1101 = tpu.memref_slice %arg4[%multiple_of3A_1089, %dma_start3A_1100] : memref<100000x128xf32, #tpu.memory_space<hbm>> -> memref<112x128xf32, #tpu.memory_space<hbm>>
    %dma_start3A_1102 = arith.constant 0 : i32
    %dma_start3A_1103 = arith.constant 0 : i32
    %dma_start3A_1104 = tpu.memref_slice %arg6[%dma_start3A_1090, %dma_start3A_1102, %dma_start3A_1103] : memref<4x112x128xf32, #tpu.memory_space<vmem>> -> memref<1x112x128xf32, #tpu.memory_space<vmem>>
    %dma_start3A_1105 = tpu.memref_squeeze %dma_start3A_1104 : memref<1x112x128xf32, #tpu.memory_space<vmem>> -> memref<112x128xf32, #tpu.memory_space<vmem>>
    tpu.enqueue_dma source(%dma_start3A_1105 : memref<112x128xf32, #tpu.memory_space<vmem>>) target(%dma_start3A_1101 : memref<112x128xf32, #tpu.memory_space<hbm>>) target_semaphore(%dma_start3A_1099 : memref<!tpu.dma_semaphore, #tpu.memory_space<semaphore_mem>>)
    %dma_wait3A_1106 = arith.constant 0 : i32
    %dma_wait3A_1107 = arith.constant 0 : i32
    %dma_wait3A_1108 = arith.constant 0 : i32
    %dma_wait3A_1109 = arith.constant 0 : i32
    %dma_wait3A_1110 = tpu.memref_slice %arg6[%dma_wait3A_1106, %dma_wait3A_1108, %dma_wait3A_1109] : memref<4x112x128xf32, #tpu.memory_space<vmem>> -> memref<1x112x128xf32, #tpu.memory_space<vmem>>
    %dma_wait3A_1111 = tpu.memref_squeeze %dma_wait3A_1110 : memref<1x112x128xf32, #tpu.memory_space<vmem>> -> memref<112x128xf32, #tpu.memory_space<vmem>>
    %dma_wait3A_1112 = arith.constant 0 : i32
    %dma_wait3A_1113 = tpu.memref_slice %arg4[%multiple_of3A_1028, %dma_wait3A_1112] : memref<100000x128xf32, #tpu.memory_space<hbm>> -> memref<112x128xf32, #tpu.memory_space<hbm>>
    %dma_wait3A_1114 = tpu.memref_slice %arg9[%dma_wait3A_1107] : memref<4x!tpu.dma_semaphore, #tpu.memory_space<semaphore_mem>> -> memref<1x!tpu.dma_semaphore, #tpu.memory_space<semaphore_mem>>
    %dma_wait3A_1115 = tpu.memref_squeeze %dma_wait3A_1114 : memref<1x!tpu.dma_semaphore, #tpu.memory_space<semaphore_mem>> -> memref<!tpu.dma_semaphore, #tpu.memory_space<semaphore_mem>>
    %dma_wait3A_1116 = arith.constant 0 : i32
    %dma_wait3A_1117 = tpu.memref_slice %arg4[%multiple_of3A_1028, %dma_wait3A_1116] : memref<100000x128xf32, #tpu.memory_space<hbm>> -> memref<112x128xf32, #tpu.memory_space<hbm>>
    %dma_wait3A_1118 = arith.constant 0 : i32
    %dma_wait3A_1119 = arith.constant 0 : i32
    %dma_wait3A_1120 = tpu.memref_slice %arg6[%dma_wait3A_1106, %dma_wait3A_1118, %dma_wait3A_1119] : memref<4x112x128xf32, #tpu.memory_space<vmem>> -> memref<1x112x128xf32, #tpu.memory_space<vmem>>
    %dma_wait3A_1121 = tpu.memref_squeeze %dma_wait3A_1120 : memref<1x112x128xf32, #tpu.memory_space<vmem>> -> memref<112x128xf32, #tpu.memory_space<vmem>>
    tpu.wait_dma2 semaphore(%dma_wait3A_1115 : memref<!tpu.dma_semaphore, #tpu.memory_space<semaphore_mem>>) src(%dma_wait3A_1121 : memref<112x128xf32, #tpu.memory_space<vmem>>) dst(%dma_wait3A_1117 : memref<112x128xf32, #tpu.memory_space<hbm>>)
    %dma_start3A_1122 = arith.constant 0 : i32
    %dma_start3A_1123 = arith.constant 0 : i32
    %dma_start3A_1124 = arith.constant 0 : i32
    %dma_start3A_1125 = arith.constant 0 : i32
    %dma_start3A_1126 = tpu.memref_slice %arg6[%dma_start3A_1122, %dma_start3A_1124, %dma_start3A_1125] : memref<4x112x128xf32, #tpu.memory_space<vmem>> -> memref<1x112x128xf32, #tpu.memory_space<vmem>>
    %dma_start3A_1127 = tpu.memref_squeeze %dma_start3A_1126 : memref<1x112x128xf32, #tpu.memory_space<vmem>> -> memref<112x128xf32, #tpu.memory_space<vmem>>
    %dma_start3A_1128 = arith.constant 2240 : i32
    %dma_start3A_1129 = tpu.memref_slice %arg5[%dma_start3A_1128] : memref<3136xi32, #tpu.memory_space<vmem>> -> memref<112xi32, #tpu.memory_space<vmem>>
    %dma_start3A_1130 = arith.constant 0 : i32
    %dma_start3A_1131 = arith.constant 0 : i32
    %dma_start3A_1132 = tpu.memref_slice %arg7[%dma_start3A_1130, %dma_start3A_1131] : memref<1025x128xf32, #tpu.memory_space<vmem_shared>> -> memref<1025x128xf32, #tpu.memory_space<vmem_shared>>
    %dma_start3A_1133 = tpu.memref_slice %arg8[%dma_start3A_1123] : memref<4x!tpu.dma_semaphore, #tpu.memory_space<semaphore_mem>> -> memref<1x!tpu.dma_semaphore, #tpu.memory_space<semaphore_mem>>
    %dma_start3A_1134 = tpu.memref_squeeze %dma_start3A_1133 : memref<1x!tpu.dma_semaphore, #tpu.memory_space<semaphore_mem>> -> memref<!tpu.dma_semaphore, #tpu.memory_space<semaphore_mem>>
    tpu.enqueue_indirect_dma source(%dma_start3A_1132 : memref<1025x128xf32, #tpu.memory_space<vmem_shared>>) target(%dma_start3A_1127 : memref<112x128xf32, #tpu.memory_space<vmem>>) offsets(%dma_start3A_1129 : memref<112xi32, #tpu.memory_space<vmem>>) semaphore(%dma_start3A_1134 : memref<!tpu.dma_semaphore, #tpu.memory_space<semaphore_mem>>)
    %dma_wait3A_1135 = arith.constant 2 : i32
    %dma_wait3A_1136 = arith.constant 2 : i32
    %dma_wait3A_1137 = arith.constant 0 : i32
    %dma_wait3A_1138 = arith.constant 0 : i32
    %dma_wait3A_1139 = tpu.memref_slice %arg6[%dma_wait3A_1135, %dma_wait3A_1137, %dma_wait3A_1138] : memref<4x112x128xf32, #tpu.memory_space<vmem>> -> memref<1x112x128xf32, #tpu.memory_space<vmem>>
    %dma_wait3A_1140 = tpu.memref_squeeze %dma_wait3A_1139 : memref<1x112x128xf32, #tpu.memory_space<vmem>> -> memref<112x128xf32, #tpu.memory_space<vmem>>
    %dma_wait3A_1141 = arith.constant 2016 : i32
    %dma_wait3A_1142 = tpu.memref_slice %arg5[%dma_wait3A_1141] : memref<3136xi32, #tpu.memory_space<vmem>> -> memref<112xi32, #tpu.memory_space<vmem>>
    %dma_wait3A_1143 = arith.constant 0 : i32
    %dma_wait3A_1144 = arith.constant 0 : i32
    %dma_wait3A_1145 = tpu.memref_slice %arg7[%dma_wait3A_1143, %dma_wait3A_1144] : memref<1025x128xf32, #tpu.memory_space<vmem_shared>> -> memref<1025x128xf32, #tpu.memory_space<vmem_shared>>
    %dma_wait3A_1146 = tpu.memref_slice %arg8[%dma_wait3A_1136] : memref<4x!tpu.dma_semaphore, #tpu.memory_space<semaphore_mem>> -> memref<1x!tpu.dma_semaphore, #tpu.memory_space<semaphore_mem>>
    %dma_wait3A_1147 = tpu.memref_squeeze %dma_wait3A_1146 : memref<1x!tpu.dma_semaphore, #tpu.memory_space<semaphore_mem>> -> memref<!tpu.dma_semaphore, #tpu.memory_space<semaphore_mem>>
    tpu.wait_indirect_dma semaphore(%dma_wait3A_1147 : memref<!tpu.dma_semaphore, #tpu.memory_space<semaphore_mem>>) src(%dma_wait3A_1145 : memref<1025x128xf32, #tpu.memory_space<vmem_shared>>) dst(%dma_wait3A_1140 : memref<112x128xf32, #tpu.memory_space<vmem>>)
    %add3A_1148 = arith.constant 2016 : i32
    %add3A_1149 = arith.addi %min3A_3, %add3A_1148 : i32
    %multiple_of3A_1150 = tpu.assume_multiple %add3A_1149, 8 : i32
    %dma_start3A_1151 = arith.constant 2 : i32
    %dma_start3A_1152 = arith.constant 2 : i32
    %dma_start3A_1153 = arith.constant 0 : i32
    %dma_start3A_1154 = arith.constant 0 : i32
    %dma_start3A_1155 = tpu.memref_slice %arg6[%dma_start3A_1151, %dma_start3A_1153, %dma_start3A_1154] : memref<4x112x128xf32, #tpu.memory_space<vmem>> -> memref<1x112x128xf32, #tpu.memory_space<vmem>>
    %dma_start3A_1156 = tpu.memref_squeeze %dma_start3A_1155 : memref<1x112x128xf32, #tpu.memory_space<vmem>> -> memref<112x128xf32, #tpu.memory_space<vmem>>
    %dma_start3A_1157 = arith.constant 0 : i32
    %dma_start3A_1158 = tpu.memref_slice %arg4[%multiple_of3A_1150, %dma_start3A_1157] : memref<100000x128xf32, #tpu.memory_space<hbm>> -> memref<112x128xf32, #tpu.memory_space<hbm>>
    %dma_start3A_1159 = tpu.memref_slice %arg9[%dma_start3A_1152] : memref<4x!tpu.dma_semaphore, #tpu.memory_space<semaphore_mem>> -> memref<1x!tpu.dma_semaphore, #tpu.memory_space<semaphore_mem>>
    %dma_start3A_1160 = tpu.memref_squeeze %dma_start3A_1159 : memref<1x!tpu.dma_semaphore, #tpu.memory_space<semaphore_mem>> -> memref<!tpu.dma_semaphore, #tpu.memory_space<semaphore_mem>>
    %dma_start3A_1161 = arith.constant 0 : i32
    %dma_start3A_1162 = tpu.memref_slice %arg4[%multiple_of3A_1150, %dma_start3A_1161] : memref<100000x128xf32, #tpu.memory_space<hbm>> -> memref<112x128xf32, #tpu.memory_space<hbm>>
    %dma_start3A_1163 = arith.constant 0 : i32
    %dma_start3A_1164 = arith.constant 0 : i32
    %dma_start3A_1165 = tpu.memref_slice %arg6[%dma_start3A_1151, %dma_start3A_1163, %dma_start3A_1164] : memref<4x112x128xf32, #tpu.memory_space<vmem>> -> memref<1x112x128xf32, #tpu.memory_space<vmem>>
    %dma_start3A_1166 = tpu.memref_squeeze %dma_start3A_1165 : memref<1x112x128xf32, #tpu.memory_space<vmem>> -> memref<112x128xf32, #tpu.memory_space<vmem>>
    tpu.enqueue_dma source(%dma_start3A_1166 : memref<112x128xf32, #tpu.memory_space<vmem>>) target(%dma_start3A_1162 : memref<112x128xf32, #tpu.memory_space<hbm>>) target_semaphore(%dma_start3A_1160 : memref<!tpu.dma_semaphore, #tpu.memory_space<semaphore_mem>>)
    %dma_wait3A_1167 = arith.constant 1 : i32
    %dma_wait3A_1168 = arith.constant 1 : i32
    %dma_wait3A_1169 = arith.constant 0 : i32
    %dma_wait3A_1170 = arith.constant 0 : i32
    %dma_wait3A_1171 = tpu.memref_slice %arg6[%dma_wait3A_1167, %dma_wait3A_1169, %dma_wait3A_1170] : memref<4x112x128xf32, #tpu.memory_space<vmem>> -> memref<1x112x128xf32, #tpu.memory_space<vmem>>
    %dma_wait3A_1172 = tpu.memref_squeeze %dma_wait3A_1171 : memref<1x112x128xf32, #tpu.memory_space<vmem>> -> memref<112x128xf32, #tpu.memory_space<vmem>>
    %dma_wait3A_1173 = arith.constant 0 : i32
    %dma_wait3A_1174 = tpu.memref_slice %arg4[%multiple_of3A_1089, %dma_wait3A_1173] : memref<100000x128xf32, #tpu.memory_space<hbm>> -> memref<112x128xf32, #tpu.memory_space<hbm>>
    %dma_wait3A_1175 = tpu.memref_slice %arg9[%dma_wait3A_1168] : memref<4x!tpu.dma_semaphore, #tpu.memory_space<semaphore_mem>> -> memref<1x!tpu.dma_semaphore, #tpu.memory_space<semaphore_mem>>
    %dma_wait3A_1176 = tpu.memref_squeeze %dma_wait3A_1175 : memref<1x!tpu.dma_semaphore, #tpu.memory_space<semaphore_mem>> -> memref<!tpu.dma_semaphore, #tpu.memory_space<semaphore_mem>>
    %dma_wait3A_1177 = arith.constant 0 : i32
    %dma_wait3A_1178 = tpu.memref_slice %arg4[%multiple_of3A_1089, %dma_wait3A_1177] : memref<100000x128xf32, #tpu.memory_space<hbm>> -> memref<112x128xf32, #tpu.memory_space<hbm>>
    %dma_wait3A_1179 = arith.constant 0 : i32
    %dma_wait3A_1180 = arith.constant 0 : i32
    %dma_wait3A_1181 = tpu.memref_slice %arg6[%dma_wait3A_1167, %dma_wait3A_1179, %dma_wait3A_1180] : memref<4x112x128xf32, #tpu.memory_space<vmem>> -> memref<1x112x128xf32, #tpu.memory_space<vmem>>
    %dma_wait3A_1182 = tpu.memref_squeeze %dma_wait3A_1181 : memref<1x112x128xf32, #tpu.memory_space<vmem>> -> memref<112x128xf32, #tpu.memory_space<vmem>>
    tpu.wait_dma2 semaphore(%dma_wait3A_1176 : memref<!tpu.dma_semaphore, #tpu.memory_space<semaphore_mem>>) src(%dma_wait3A_1182 : memref<112x128xf32, #tpu.memory_space<vmem>>) dst(%dma_wait3A_1178 : memref<112x128xf32, #tpu.memory_space<hbm>>)
    %dma_start3A_1183 = arith.constant 1 : i32
    %dma_start3A_1184 = arith.constant 1 : i32
    %dma_start3A_1185 = arith.constant 0 : i32
    %dma_start3A_1186 = arith.constant 0 : i32
    %dma_start3A_1187 = tpu.memref_slice %arg6[%dma_start3A_1183, %dma_start3A_1185, %dma_start3A_1186] : memref<4x112x128xf32, #tpu.memory_space<vmem>> -> memref<1x112x128xf32, #tpu.memory_space<vmem>>
    %dma_start3A_1188 = tpu.memref_squeeze %dma_start3A_1187 : memref<1x112x128xf32, #tpu.memory_space<vmem>> -> memref<112x128xf32, #tpu.memory_space<vmem>>
    %dma_start3A_1189 = arith.constant 2352 : i32
    %dma_start3A_1190 = tpu.memref_slice %arg5[%dma_start3A_1189] : memref<3136xi32, #tpu.memory_space<vmem>> -> memref<112xi32, #tpu.memory_space<vmem>>
    %dma_start3A_1191 = arith.constant 0 : i32
    %dma_start3A_1192 = arith.constant 0 : i32
    %dma_start3A_1193 = tpu.memref_slice %arg7[%dma_start3A_1191, %dma_start3A_1192] : memref<1025x128xf32, #tpu.memory_space<vmem_shared>> -> memref<1025x128xf32, #tpu.memory_space<vmem_shared>>
    %dma_start3A_1194 = tpu.memref_slice %arg8[%dma_start3A_1184] : memref<4x!tpu.dma_semaphore, #tpu.memory_space<semaphore_mem>> -> memref<1x!tpu.dma_semaphore, #tpu.memory_space<semaphore_mem>>
    %dma_start3A_1195 = tpu.memref_squeeze %dma_start3A_1194 : memref<1x!tpu.dma_semaphore, #tpu.memory_space<semaphore_mem>> -> memref<!tpu.dma_semaphore, #tpu.memory_space<semaphore_mem>>
    tpu.enqueue_indirect_dma source(%dma_start3A_1193 : memref<1025x128xf32, #tpu.memory_space<vmem_shared>>) target(%dma_start3A_1188 : memref<112x128xf32, #tpu.memory_space<vmem>>) offsets(%dma_start3A_1190 : memref<112xi32, #tpu.memory_space<vmem>>) semaphore(%dma_start3A_1195 : memref<!tpu.dma_semaphore, #tpu.memory_space<semaphore_mem>>)
    %dma_wait3A_1196 = arith.constant 3 : i32
    %dma_wait3A_1197 = arith.constant 3 : i32
    %dma_wait3A_1198 = arith.constant 0 : i32
    %dma_wait3A_1199 = arith.constant 0 : i32
    %dma_wait3A_1200 = tpu.memref_slice %arg6[%dma_wait3A_1196, %dma_wait3A_1198, %dma_wait3A_1199] : memref<4x112x128xf32, #tpu.memory_space<vmem>> -> memref<1x112x128xf32, #tpu.memory_space<vmem>>
    %dma_wait3A_1201 = tpu.memref_squeeze %dma_wait3A_1200 : memref<1x112x128xf32, #tpu.memory_space<vmem>> -> memref<112x128xf32, #tpu.memory_space<vmem>>
    %dma_wait3A_1202 = arith.constant 2128 : i32
    %dma_wait3A_1203 = tpu.memref_slice %arg5[%dma_wait3A_1202] : memref<3136xi32, #tpu.memory_space<vmem>> -> memref<112xi32, #tpu.memory_space<vmem>>
    %dma_wait3A_1204 = arith.constant 0 : i32
    %dma_wait3A_1205 = arith.constant 0 : i32
    %dma_wait3A_1206 = tpu.memref_slice %arg7[%dma_wait3A_1204, %dma_wait3A_1205] : memref<1025x128xf32, #tpu.memory_space<vmem_shared>> -> memref<1025x128xf32, #tpu.memory_space<vmem_shared>>
    %dma_wait3A_1207 = tpu.memref_slice %arg8[%dma_wait3A_1197] : memref<4x!tpu.dma_semaphore, #tpu.memory_space<semaphore_mem>> -> memref<1x!tpu.dma_semaphore, #tpu.memory_space<semaphore_mem>>
    %dma_wait3A_1208 = tpu.memref_squeeze %dma_wait3A_1207 : memref<1x!tpu.dma_semaphore, #tpu.memory_space<semaphore_mem>> -> memref<!tpu.dma_semaphore, #tpu.memory_space<semaphore_mem>>
    tpu.wait_indirect_dma semaphore(%dma_wait3A_1208 : memref<!tpu.dma_semaphore, #tpu.memory_space<semaphore_mem>>) src(%dma_wait3A_1206 : memref<1025x128xf32, #tpu.memory_space<vmem_shared>>) dst(%dma_wait3A_1201 : memref<112x128xf32, #tpu.memory_space<vmem>>)
    %add3A_1209 = arith.constant 2128 : i32
    %add3A_1210 = arith.addi %min3A_3, %add3A_1209 : i32
    %multiple_of3A_1211 = tpu.assume_multiple %add3A_1210, 8 : i32
    %dma_start3A_1212 = arith.constant 3 : i32
    %dma_start3A_1213 = arith.constant 3 : i32
    %dma_start3A_1214 = arith.constant 0 : i32
    %dma_start3A_1215 = arith.constant 0 : i32
    %dma_start3A_1216 = tpu.memref_slice %arg6[%dma_start3A_1212, %dma_start3A_1214, %dma_start3A_1215] : memref<4x112x128xf32, #tpu.memory_space<vmem>> -> memref<1x112x128xf32, #tpu.memory_space<vmem>>
    %dma_start3A_1217 = tpu.memref_squeeze %dma_start3A_1216 : memref<1x112x128xf32, #tpu.memory_space<vmem>> -> memref<112x128xf32, #tpu.memory_space<vmem>>
    %dma_start3A_1218 = arith.constant 0 : i32
    %dma_start3A_1219 = tpu.memref_slice %arg4[%multiple_of3A_1211, %dma_start3A_1218] : memref<100000x128xf32, #tpu.memory_space<hbm>> -> memref<112x128xf32, #tpu.memory_space<hbm>>
    %dma_start3A_1220 = tpu.memref_slice %arg9[%dma_start3A_1213] : memref<4x!tpu.dma_semaphore, #tpu.memory_space<semaphore_mem>> -> memref<1x!tpu.dma_semaphore, #tpu.memory_space<semaphore_mem>>
    %dma_start3A_1221 = tpu.memref_squeeze %dma_start3A_1220 : memref<1x!tpu.dma_semaphore, #tpu.memory_space<semaphore_mem>> -> memref<!tpu.dma_semaphore, #tpu.memory_space<semaphore_mem>>
    %dma_start3A_1222 = arith.constant 0 : i32
    %dma_start3A_1223 = tpu.memref_slice %arg4[%multiple_of3A_1211, %dma_start3A_1222] : memref<100000x128xf32, #tpu.memory_space<hbm>> -> memref<112x128xf32, #tpu.memory_space<hbm>>
    %dma_start3A_1224 = arith.constant 0 : i32
    %dma_start3A_1225 = arith.constant 0 : i32
    %dma_start3A_1226 = tpu.memref_slice %arg6[%dma_start3A_1212, %dma_start3A_1224, %dma_start3A_1225] : memref<4x112x128xf32, #tpu.memory_space<vmem>> -> memref<1x112x128xf32, #tpu.memory_space<vmem>>
    %dma_start3A_1227 = tpu.memref_squeeze %dma_start3A_1226 : memref<1x112x128xf32, #tpu.memory_space<vmem>> -> memref<112x128xf32, #tpu.memory_space<vmem>>
    tpu.enqueue_dma source(%dma_start3A_1227 : memref<112x128xf32, #tpu.memory_space<vmem>>) target(%dma_start3A_1223 : memref<112x128xf32, #tpu.memory_space<hbm>>) target_semaphore(%dma_start3A_1221 : memref<!tpu.dma_semaphore, #tpu.memory_space<semaphore_mem>>)
    %dma_wait3A_1228 = arith.constant 2 : i32
    %dma_wait3A_1229 = arith.constant 2 : i32
    %dma_wait3A_1230 = arith.constant 0 : i32
    %dma_wait3A_1231 = arith.constant 0 : i32
    %dma_wait3A_1232 = tpu.memref_slice %arg6[%dma_wait3A_1228, %dma_wait3A_1230, %dma_wait3A_1231] : memref<4x112x128xf32, #tpu.memory_space<vmem>> -> memref<1x112x128xf32, #tpu.memory_space<vmem>>
    %dma_wait3A_1233 = tpu.memref_squeeze %dma_wait3A_1232 : memref<1x112x128xf32, #tpu.memory_space<vmem>> -> memref<112x128xf32, #tpu.memory_space<vmem>>
    %dma_wait3A_1234 = arith.constant 0 : i32
    %dma_wait3A_1235 = tpu.memref_slice %arg4[%multiple_of3A_1150, %dma_wait3A_1234] : memref<100000x128xf32, #tpu.memory_space<hbm>> -> memref<112x128xf32, #tpu.memory_space<hbm>>
    %dma_wait3A_1236 = tpu.memref_slice %arg9[%dma_wait3A_1229] : memref<4x!tpu.dma_semaphore, #tpu.memory_space<semaphore_mem>> -> memref<1x!tpu.dma_semaphore, #tpu.memory_space<semaphore_mem>>
    %dma_wait3A_1237 = tpu.memref_squeeze %dma_wait3A_1236 : memref<1x!tpu.dma_semaphore, #tpu.memory_space<semaphore_mem>> -> memref<!tpu.dma_semaphore, #tpu.memory_space<semaphore_mem>>
    %dma_wait3A_1238 = arith.constant 0 : i32
    %dma_wait3A_1239 = tpu.memref_slice %arg4[%multiple_of3A_1150, %dma_wait3A_1238] : memref<100000x128xf32, #tpu.memory_space<hbm>> -> memref<112x128xf32, #tpu.memory_space<hbm>>
    %dma_wait3A_1240 = arith.constant 0 : i32
    %dma_wait3A_1241 = arith.constant 0 : i32
    %dma_wait3A_1242 = tpu.memref_slice %arg6[%dma_wait3A_1228, %dma_wait3A_1240, %dma_wait3A_1241] : memref<4x112x128xf32, #tpu.memory_space<vmem>> -> memref<1x112x128xf32, #tpu.memory_space<vmem>>
    %dma_wait3A_1243 = tpu.memref_squeeze %dma_wait3A_1242 : memref<1x112x128xf32, #tpu.memory_space<vmem>> -> memref<112x128xf32, #tpu.memory_space<vmem>>
    tpu.wait_dma2 semaphore(%dma_wait3A_1237 : memref<!tpu.dma_semaphore, #tpu.memory_space<semaphore_mem>>) src(%dma_wait3A_1243 : memref<112x128xf32, #tpu.memory_space<vmem>>) dst(%dma_wait3A_1239 : memref<112x128xf32, #tpu.memory_space<hbm>>)
    %dma_start3A_1244 = arith.constant 2 : i32
    %dma_start3A_1245 = arith.constant 2 : i32
    %dma_start3A_1246 = arith.constant 0 : i32
    %dma_start3A_1247 = arith.constant 0 : i32
    %dma_start3A_1248 = tpu.memref_slice %arg6[%dma_start3A_1244, %dma_start3A_1246, %dma_start3A_1247] : memref<4x112x128xf32, #tpu.memory_space<vmem>> -> memref<1x112x128xf32, #tpu.memory_space<vmem>>
    %dma_start3A_1249 = tpu.memref_squeeze %dma_start3A_1248 : memref<1x112x128xf32, #tpu.memory_space<vmem>> -> memref<112x128xf32, #tpu.memory_space<vmem>>
    %dma_start3A_1250 = arith.constant 2464 : i32
    %dma_start3A_1251 = tpu.memref_slice %arg5[%dma_start3A_1250] : memref<3136xi32, #tpu.memory_space<vmem>> -> memref<112xi32, #tpu.memory_space<vmem>>
    %dma_start3A_1252 = arith.constant 0 : i32
    %dma_start3A_1253 = arith.constant 0 : i32
    %dma_start3A_1254 = tpu.memref_slice %arg7[%dma_start3A_1252, %dma_start3A_1253] : memref<1025x128xf32, #tpu.memory_space<vmem_shared>> -> memref<1025x128xf32, #tpu.memory_space<vmem_shared>>
    %dma_start3A_1255 = tpu.memref_slice %arg8[%dma_start3A_1245] : memref<4x!tpu.dma_semaphore, #tpu.memory_space<semaphore_mem>> -> memref<1x!tpu.dma_semaphore, #tpu.memory_space<semaphore_mem>>
    %dma_start3A_1256 = tpu.memref_squeeze %dma_start3A_1255 : memref<1x!tpu.dma_semaphore, #tpu.memory_space<semaphore_mem>> -> memref<!tpu.dma_semaphore, #tpu.memory_space<semaphore_mem>>
    tpu.enqueue_indirect_dma source(%dma_start3A_1254 : memref<1025x128xf32, #tpu.memory_space<vmem_shared>>) target(%dma_start3A_1249 : memref<112x128xf32, #tpu.memory_space<vmem>>) offsets(%dma_start3A_1251 : memref<112xi32, #tpu.memory_space<vmem>>) semaphore(%dma_start3A_1256 : memref<!tpu.dma_semaphore, #tpu.memory_space<semaphore_mem>>)
    %dma_wait3A_1257 = arith.constant 0 : i32
    %dma_wait3A_1258 = arith.constant 0 : i32
    %dma_wait3A_1259 = arith.constant 0 : i32
    %dma_wait3A_1260 = arith.constant 0 : i32
    %dma_wait3A_1261 = tpu.memref_slice %arg6[%dma_wait3A_1257, %dma_wait3A_1259, %dma_wait3A_1260] : memref<4x112x128xf32, #tpu.memory_space<vmem>> -> memref<1x112x128xf32, #tpu.memory_space<vmem>>
    %dma_wait3A_1262 = tpu.memref_squeeze %dma_wait3A_1261 : memref<1x112x128xf32, #tpu.memory_space<vmem>> -> memref<112x128xf32, #tpu.memory_space<vmem>>
    %dma_wait3A_1263 = arith.constant 2240 : i32
    %dma_wait3A_1264 = tpu.memref_slice %arg5[%dma_wait3A_1263] : memref<3136xi32, #tpu.memory_space<vmem>> -> memref<112xi32, #tpu.memory_space<vmem>>
    %dma_wait3A_1265 = arith.constant 0 : i32
    %dma_wait3A_1266 = arith.constant 0 : i32
    %dma_wait3A_1267 = tpu.memref_slice %arg7[%dma_wait3A_1265, %dma_wait3A_1266] : memref<1025x128xf32, #tpu.memory_space<vmem_shared>> -> memref<1025x128xf32, #tpu.memory_space<vmem_shared>>
    %dma_wait3A_1268 = tpu.memref_slice %arg8[%dma_wait3A_1258] : memref<4x!tpu.dma_semaphore, #tpu.memory_space<semaphore_mem>> -> memref<1x!tpu.dma_semaphore, #tpu.memory_space<semaphore_mem>>
    %dma_wait3A_1269 = tpu.memref_squeeze %dma_wait3A_1268 : memref<1x!tpu.dma_semaphore, #tpu.memory_space<semaphore_mem>> -> memref<!tpu.dma_semaphore, #tpu.memory_space<semaphore_mem>>
    tpu.wait_indirect_dma semaphore(%dma_wait3A_1269 : memref<!tpu.dma_semaphore, #tpu.memory_space<semaphore_mem>>) src(%dma_wait3A_1267 : memref<1025x128xf32, #tpu.memory_space<vmem_shared>>) dst(%dma_wait3A_1262 : memref<112x128xf32, #tpu.memory_space<vmem>>)
    %add3A_1270 = arith.constant 2240 : i32
    %add3A_1271 = arith.addi %min3A_3, %add3A_1270 : i32
    %multiple_of3A_1272 = tpu.assume_multiple %add3A_1271, 8 : i32
    %dma_start3A_1273 = arith.constant 0 : i32
    %dma_start3A_1274 = arith.constant 0 : i32
    %dma_start3A_1275 = arith.constant 0 : i32
    %dma_start3A_1276 = arith.constant 0 : i32
    %dma_start3A_1277 = tpu.memref_slice %arg6[%dma_start3A_1273, %dma_start3A_1275, %dma_start3A_1276] : memref<4x112x128xf32, #tpu.memory_space<vmem>> -> memref<1x112x128xf32, #tpu.memory_space<vmem>>
    %dma_start3A_1278 = tpu.memref_squeeze %dma_start3A_1277 : memref<1x112x128xf32, #tpu.memory_space<vmem>> -> memref<112x128xf32, #tpu.memory_space<vmem>>
    %dma_start3A_1279 = arith.constant 0 : i32
    %dma_start3A_1280 = tpu.memref_slice %arg4[%multiple_of3A_1272, %dma_start3A_1279] : memref<100000x128xf32, #tpu.memory_space<hbm>> -> memref<112x128xf32, #tpu.memory_space<hbm>>
    %dma_start3A_1281 = tpu.memref_slice %arg9[%dma_start3A_1274] : memref<4x!tpu.dma_semaphore, #tpu.memory_space<semaphore_mem>> -> memref<1x!tpu.dma_semaphore, #tpu.memory_space<semaphore_mem>>
    %dma_start3A_1282 = tpu.memref_squeeze %dma_start3A_1281 : memref<1x!tpu.dma_semaphore, #tpu.memory_space<semaphore_mem>> -> memref<!tpu.dma_semaphore, #tpu.memory_space<semaphore_mem>>
    %dma_start3A_1283 = arith.constant 0 : i32
    %dma_start3A_1284 = tpu.memref_slice %arg4[%multiple_of3A_1272, %dma_start3A_1283] : memref<100000x128xf32, #tpu.memory_space<hbm>> -> memref<112x128xf32, #tpu.memory_space<hbm>>
    %dma_start3A_1285 = arith.constant 0 : i32
    %dma_start3A_1286 = arith.constant 0 : i32
    %dma_start3A_1287 = tpu.memref_slice %arg6[%dma_start3A_1273, %dma_start3A_1285, %dma_start3A_1286] : memref<4x112x128xf32, #tpu.memory_space<vmem>> -> memref<1x112x128xf32, #tpu.memory_space<vmem>>
    %dma_start3A_1288 = tpu.memref_squeeze %dma_start3A_1287 : memref<1x112x128xf32, #tpu.memory_space<vmem>> -> memref<112x128xf32, #tpu.memory_space<vmem>>
    tpu.enqueue_dma source(%dma_start3A_1288 : memref<112x128xf32, #tpu.memory_space<vmem>>) target(%dma_start3A_1284 : memref<112x128xf32, #tpu.memory_space<hbm>>) target_semaphore(%dma_start3A_1282 : memref<!tpu.dma_semaphore, #tpu.memory_space<semaphore_mem>>)
    %dma_wait3A_1289 = arith.constant 3 : i32
    %dma_wait3A_1290 = arith.constant 3 : i32
    %dma_wait3A_1291 = arith.constant 0 : i32
    %dma_wait3A_1292 = arith.constant 0 : i32
    %dma_wait3A_1293 = tpu.memref_slice %arg6[%dma_wait3A_1289, %dma_wait3A_1291, %dma_wait3A_1292] : memref<4x112x128xf32, #tpu.memory_space<vmem>> -> memref<1x112x128xf32, #tpu.memory_space<vmem>>
    %dma_wait3A_1294 = tpu.memref_squeeze %dma_wait3A_1293 : memref<1x112x128xf32, #tpu.memory_space<vmem>> -> memref<112x128xf32, #tpu.memory_space<vmem>>
    %dma_wait3A_1295 = arith.constant 0 : i32
    %dma_wait3A_1296 = tpu.memref_slice %arg4[%multiple_of3A_1211, %dma_wait3A_1295] : memref<100000x128xf32, #tpu.memory_space<hbm>> -> memref<112x128xf32, #tpu.memory_space<hbm>>
    %dma_wait3A_1297 = tpu.memref_slice %arg9[%dma_wait3A_1290] : memref<4x!tpu.dma_semaphore, #tpu.memory_space<semaphore_mem>> -> memref<1x!tpu.dma_semaphore, #tpu.memory_space<semaphore_mem>>
    %dma_wait3A_1298 = tpu.memref_squeeze %dma_wait3A_1297 : memref<1x!tpu.dma_semaphore, #tpu.memory_space<semaphore_mem>> -> memref<!tpu.dma_semaphore, #tpu.memory_space<semaphore_mem>>
    %dma_wait3A_1299 = arith.constant 0 : i32
    %dma_wait3A_1300 = tpu.memref_slice %arg4[%multiple_of3A_1211, %dma_wait3A_1299] : memref<100000x128xf32, #tpu.memory_space<hbm>> -> memref<112x128xf32, #tpu.memory_space<hbm>>
    %dma_wait3A_1301 = arith.constant 0 : i32
    %dma_wait3A_1302 = arith.constant 0 : i32
    %dma_wait3A_1303 = tpu.memref_slice %arg6[%dma_wait3A_1289, %dma_wait3A_1301, %dma_wait3A_1302] : memref<4x112x128xf32, #tpu.memory_space<vmem>> -> memref<1x112x128xf32, #tpu.memory_space<vmem>>
    %dma_wait3A_1304 = tpu.memref_squeeze %dma_wait3A_1303 : memref<1x112x128xf32, #tpu.memory_space<vmem>> -> memref<112x128xf32, #tpu.memory_space<vmem>>
    tpu.wait_dma2 semaphore(%dma_wait3A_1298 : memref<!tpu.dma_semaphore, #tpu.memory_space<semaphore_mem>>) src(%dma_wait3A_1304 : memref<112x128xf32, #tpu.memory_space<vmem>>) dst(%dma_wait3A_1300 : memref<112x128xf32, #tpu.memory_space<hbm>>)
    %dma_start3A_1305 = arith.constant 3 : i32
    %dma_start3A_1306 = arith.constant 3 : i32
    %dma_start3A_1307 = arith.constant 0 : i32
    %dma_start3A_1308 = arith.constant 0 : i32
    %dma_start3A_1309 = tpu.memref_slice %arg6[%dma_start3A_1305, %dma_start3A_1307, %dma_start3A_1308] : memref<4x112x128xf32, #tpu.memory_space<vmem>> -> memref<1x112x128xf32, #tpu.memory_space<vmem>>
    %dma_start3A_1310 = tpu.memref_squeeze %dma_start3A_1309 : memref<1x112x128xf32, #tpu.memory_space<vmem>> -> memref<112x128xf32, #tpu.memory_space<vmem>>
    %dma_start3A_1311 = arith.constant 2576 : i32
    %dma_start3A_1312 = tpu.memref_slice %arg5[%dma_start3A_1311] : memref<3136xi32, #tpu.memory_space<vmem>> -> memref<112xi32, #tpu.memory_space<vmem>>
    %dma_start3A_1313 = arith.constant 0 : i32
    %dma_start3A_1314 = arith.constant 0 : i32
    %dma_start3A_1315 = tpu.memref_slice %arg7[%dma_start3A_1313, %dma_start3A_1314] : memref<1025x128xf32, #tpu.memory_space<vmem_shared>> -> memref<1025x128xf32, #tpu.memory_space<vmem_shared>>
    %dma_start3A_1316 = tpu.memref_slice %arg8[%dma_start3A_1306] : memref<4x!tpu.dma_semaphore, #tpu.memory_space<semaphore_mem>> -> memref<1x!tpu.dma_semaphore, #tpu.memory_space<semaphore_mem>>
    %dma_start3A_1317 = tpu.memref_squeeze %dma_start3A_1316 : memref<1x!tpu.dma_semaphore, #tpu.memory_space<semaphore_mem>> -> memref<!tpu.dma_semaphore, #tpu.memory_space<semaphore_mem>>
    tpu.enqueue_indirect_dma source(%dma_start3A_1315 : memref<1025x128xf32, #tpu.memory_space<vmem_shared>>) target(%dma_start3A_1310 : memref<112x128xf32, #tpu.memory_space<vmem>>) offsets(%dma_start3A_1312 : memref<112xi32, #tpu.memory_space<vmem>>) semaphore(%dma_start3A_1317 : memref<!tpu.dma_semaphore, #tpu.memory_space<semaphore_mem>>)
    %dma_wait3A_1318 = arith.constant 1 : i32
    %dma_wait3A_1319 = arith.constant 1 : i32
    %dma_wait3A_1320 = arith.constant 0 : i32
    %dma_wait3A_1321 = arith.constant 0 : i32
    %dma_wait3A_1322 = tpu.memref_slice %arg6[%dma_wait3A_1318, %dma_wait3A_1320, %dma_wait3A_1321] : memref<4x112x128xf32, #tpu.memory_space<vmem>> -> memref<1x112x128xf32, #tpu.memory_space<vmem>>
    %dma_wait3A_1323 = tpu.memref_squeeze %dma_wait3A_1322 : memref<1x112x128xf32, #tpu.memory_space<vmem>> -> memref<112x128xf32, #tpu.memory_space<vmem>>
    %dma_wait3A_1324 = arith.constant 2352 : i32
    %dma_wait3A_1325 = tpu.memref_slice %arg5[%dma_wait3A_1324] : memref<3136xi32, #tpu.memory_space<vmem>> -> memref<112xi32, #tpu.memory_space<vmem>>
    %dma_wait3A_1326 = arith.constant 0 : i32
    %dma_wait3A_1327 = arith.constant 0 : i32
    %dma_wait3A_1328 = tpu.memref_slice %arg7[%dma_wait3A_1326, %dma_wait3A_1327] : memref<1025x128xf32, #tpu.memory_space<vmem_shared>> -> memref<1025x128xf32, #tpu.memory_space<vmem_shared>>
    %dma_wait3A_1329 = tpu.memref_slice %arg8[%dma_wait3A_1319] : memref<4x!tpu.dma_semaphore, #tpu.memory_space<semaphore_mem>> -> memref<1x!tpu.dma_semaphore, #tpu.memory_space<semaphore_mem>>
    %dma_wait3A_1330 = tpu.memref_squeeze %dma_wait3A_1329 : memref<1x!tpu.dma_semaphore, #tpu.memory_space<semaphore_mem>> -> memref<!tpu.dma_semaphore, #tpu.memory_space<semaphore_mem>>
    tpu.wait_indirect_dma semaphore(%dma_wait3A_1330 : memref<!tpu.dma_semaphore, #tpu.memory_space<semaphore_mem>>) src(%dma_wait3A_1328 : memref<1025x128xf32, #tpu.memory_space<vmem_shared>>) dst(%dma_wait3A_1323 : memref<112x128xf32, #tpu.memory_space<vmem>>)
    %add3A_1331 = arith.constant 2352 : i32
    %add3A_1332 = arith.addi %min3A_3, %add3A_1331 : i32
    %multiple_of3A_1333 = tpu.assume_multiple %add3A_1332, 8 : i32
    %dma_start3A_1334 = arith.constant 1 : i32
    %dma_start3A_1335 = arith.constant 1 : i32
    %dma_start3A_1336 = arith.constant 0 : i32
    %dma_start3A_1337 = arith.constant 0 : i32
    %dma_start3A_1338 = tpu.memref_slice %arg6[%dma_start3A_1334, %dma_start3A_1336, %dma_start3A_1337] : memref<4x112x128xf32, #tpu.memory_space<vmem>> -> memref<1x112x128xf32, #tpu.memory_space<vmem>>
    %dma_start3A_1339 = tpu.memref_squeeze %dma_start3A_1338 : memref<1x112x128xf32, #tpu.memory_space<vmem>> -> memref<112x128xf32, #tpu.memory_space<vmem>>
    %dma_start3A_1340 = arith.constant 0 : i32
    %dma_start3A_1341 = tpu.memref_slice %arg4[%multiple_of3A_1333, %dma_start3A_1340] : memref<100000x128xf32, #tpu.memory_space<hbm>> -> memref<112x128xf32, #tpu.memory_space<hbm>>
    %dma_start3A_1342 = tpu.memref_slice %arg9[%dma_start3A_1335] : memref<4x!tpu.dma_semaphore, #tpu.memory_space<semaphore_mem>> -> memref<1x!tpu.dma_semaphore, #tpu.memory_space<semaphore_mem>>
    %dma_start3A_1343 = tpu.memref_squeeze %dma_start3A_1342 : memref<1x!tpu.dma_semaphore, #tpu.memory_space<semaphore_mem>> -> memref<!tpu.dma_semaphore, #tpu.memory_space<semaphore_mem>>
    %dma_start3A_1344 = arith.constant 0 : i32
    %dma_start3A_1345 = tpu.memref_slice %arg4[%multiple_of3A_1333, %dma_start3A_1344] : memref<100000x128xf32, #tpu.memory_space<hbm>> -> memref<112x128xf32, #tpu.memory_space<hbm>>
    %dma_start3A_1346 = arith.constant 0 : i32
    %dma_start3A_1347 = arith.constant 0 : i32
    %dma_start3A_1348 = tpu.memref_slice %arg6[%dma_start3A_1334, %dma_start3A_1346, %dma_start3A_1347] : memref<4x112x128xf32, #tpu.memory_space<vmem>> -> memref<1x112x128xf32, #tpu.memory_space<vmem>>
    %dma_start3A_1349 = tpu.memref_squeeze %dma_start3A_1348 : memref<1x112x128xf32, #tpu.memory_space<vmem>> -> memref<112x128xf32, #tpu.memory_space<vmem>>
    tpu.enqueue_dma source(%dma_start3A_1349 : memref<112x128xf32, #tpu.memory_space<vmem>>) target(%dma_start3A_1345 : memref<112x128xf32, #tpu.memory_space<hbm>>) target_semaphore(%dma_start3A_1343 : memref<!tpu.dma_semaphore, #tpu.memory_space<semaphore_mem>>)
    %dma_wait3A_1350 = arith.constant 0 : i32
    %dma_wait3A_1351 = arith.constant 0 : i32
    %dma_wait3A_1352 = arith.constant 0 : i32
    %dma_wait3A_1353 = arith.constant 0 : i32
    %dma_wait3A_1354 = tpu.memref_slice %arg6[%dma_wait3A_1350, %dma_wait3A_1352, %dma_wait3A_1353] : memref<4x112x128xf32, #tpu.memory_space<vmem>> -> memref<1x112x128xf32, #tpu.memory_space<vmem>>
    %dma_wait3A_1355 = tpu.memref_squeeze %dma_wait3A_1354 : memref<1x112x128xf32, #tpu.memory_space<vmem>> -> memref<112x128xf32, #tpu.memory_space<vmem>>
    %dma_wait3A_1356 = arith.constant 0 : i32
    %dma_wait3A_1357 = tpu.memref_slice %arg4[%multiple_of3A_1272, %dma_wait3A_1356] : memref<100000x128xf32, #tpu.memory_space<hbm>> -> memref<112x128xf32, #tpu.memory_space<hbm>>
    %dma_wait3A_1358 = tpu.memref_slice %arg9[%dma_wait3A_1351] : memref<4x!tpu.dma_semaphore, #tpu.memory_space<semaphore_mem>> -> memref<1x!tpu.dma_semaphore, #tpu.memory_space<semaphore_mem>>
    %dma_wait3A_1359 = tpu.memref_squeeze %dma_wait3A_1358 : memref<1x!tpu.dma_semaphore, #tpu.memory_space<semaphore_mem>> -> memref<!tpu.dma_semaphore, #tpu.memory_space<semaphore_mem>>
    %dma_wait3A_1360 = arith.constant 0 : i32
    %dma_wait3A_1361 = tpu.memref_slice %arg4[%multiple_of3A_1272, %dma_wait3A_1360] : memref<100000x128xf32, #tpu.memory_space<hbm>> -> memref<112x128xf32, #tpu.memory_space<hbm>>
    %dma_wait3A_1362 = arith.constant 0 : i32
    %dma_wait3A_1363 = arith.constant 0 : i32
    %dma_wait3A_1364 = tpu.memref_slice %arg6[%dma_wait3A_1350, %dma_wait3A_1362, %dma_wait3A_1363] : memref<4x112x128xf32, #tpu.memory_space<vmem>> -> memref<1x112x128xf32, #tpu.memory_space<vmem>>
    %dma_wait3A_1365 = tpu.memref_squeeze %dma_wait3A_1364 : memref<1x112x128xf32, #tpu.memory_space<vmem>> -> memref<112x128xf32, #tpu.memory_space<vmem>>
    tpu.wait_dma2 semaphore(%dma_wait3A_1359 : memref<!tpu.dma_semaphore, #tpu.memory_space<semaphore_mem>>) src(%dma_wait3A_1365 : memref<112x128xf32, #tpu.memory_space<vmem>>) dst(%dma_wait3A_1361 : memref<112x128xf32, #tpu.memory_space<hbm>>)
    %dma_start3A_1366 = arith.constant 0 : i32
    %dma_start3A_1367 = arith.constant 0 : i32
    %dma_start3A_1368 = arith.constant 0 : i32
    %dma_start3A_1369 = arith.constant 0 : i32
    %dma_start3A_1370 = tpu.memref_slice %arg6[%dma_start3A_1366, %dma_start3A_1368, %dma_start3A_1369] : memref<4x112x128xf32, #tpu.memory_space<vmem>> -> memref<1x112x128xf32, #tpu.memory_space<vmem>>
    %dma_start3A_1371 = tpu.memref_squeeze %dma_start3A_1370 : memref<1x112x128xf32, #tpu.memory_space<vmem>> -> memref<112x128xf32, #tpu.memory_space<vmem>>
    %dma_start3A_1372 = arith.constant 2688 : i32
    %dma_start3A_1373 = tpu.memref_slice %arg5[%dma_start3A_1372] : memref<3136xi32, #tpu.memory_space<vmem>> -> memref<112xi32, #tpu.memory_space<vmem>>
    %dma_start3A_1374 = arith.constant 0 : i32
    %dma_start3A_1375 = arith.constant 0 : i32
    %dma_start3A_1376 = tpu.memref_slice %arg7[%dma_start3A_1374, %dma_start3A_1375] : memref<1025x128xf32, #tpu.memory_space<vmem_shared>> -> memref<1025x128xf32, #tpu.memory_space<vmem_shared>>
    %dma_start3A_1377 = tpu.memref_slice %arg8[%dma_start3A_1367] : memref<4x!tpu.dma_semaphore, #tpu.memory_space<semaphore_mem>> -> memref<1x!tpu.dma_semaphore, #tpu.memory_space<semaphore_mem>>
    %dma_start3A_1378 = tpu.memref_squeeze %dma_start3A_1377 : memref<1x!tpu.dma_semaphore, #tpu.memory_space<semaphore_mem>> -> memref<!tpu.dma_semaphore, #tpu.memory_space<semaphore_mem>>
    tpu.enqueue_indirect_dma source(%dma_start3A_1376 : memref<1025x128xf32, #tpu.memory_space<vmem_shared>>) target(%dma_start3A_1371 : memref<112x128xf32, #tpu.memory_space<vmem>>) offsets(%dma_start3A_1373 : memref<112xi32, #tpu.memory_space<vmem>>) semaphore(%dma_start3A_1378 : memref<!tpu.dma_semaphore, #tpu.memory_space<semaphore_mem>>)
    %dma_wait3A_1379 = arith.constant 2 : i32
    %dma_wait3A_1380 = arith.constant 2 : i32
    %dma_wait3A_1381 = arith.constant 0 : i32
    %dma_wait3A_1382 = arith.constant 0 : i32
    %dma_wait3A_1383 = tpu.memref_slice %arg6[%dma_wait3A_1379, %dma_wait3A_1381, %dma_wait3A_1382] : memref<4x112x128xf32, #tpu.memory_space<vmem>> -> memref<1x112x128xf32, #tpu.memory_space<vmem>>
    %dma_wait3A_1384 = tpu.memref_squeeze %dma_wait3A_1383 : memref<1x112x128xf32, #tpu.memory_space<vmem>> -> memref<112x128xf32, #tpu.memory_space<vmem>>
    %dma_wait3A_1385 = arith.constant 2464 : i32
    %dma_wait3A_1386 = tpu.memref_slice %arg5[%dma_wait3A_1385] : memref<3136xi32, #tpu.memory_space<vmem>> -> memref<112xi32, #tpu.memory_space<vmem>>
    %dma_wait3A_1387 = arith.constant 0 : i32
    %dma_wait3A_1388 = arith.constant 0 : i32
    %dma_wait3A_1389 = tpu.memref_slice %arg7[%dma_wait3A_1387, %dma_wait3A_1388] : memref<1025x128xf32, #tpu.memory_space<vmem_shared>> -> memref<1025x128xf32, #tpu.memory_space<vmem_shared>>
    %dma_wait3A_1390 = tpu.memref_slice %arg8[%dma_wait3A_1380] : memref<4x!tpu.dma_semaphore, #tpu.memory_space<semaphore_mem>> -> memref<1x!tpu.dma_semaphore, #tpu.memory_space<semaphore_mem>>
    %dma_wait3A_1391 = tpu.memref_squeeze %dma_wait3A_1390 : memref<1x!tpu.dma_semaphore, #tpu.memory_space<semaphore_mem>> -> memref<!tpu.dma_semaphore, #tpu.memory_space<semaphore_mem>>
    tpu.wait_indirect_dma semaphore(%dma_wait3A_1391 : memref<!tpu.dma_semaphore, #tpu.memory_space<semaphore_mem>>) src(%dma_wait3A_1389 : memref<1025x128xf32, #tpu.memory_space<vmem_shared>>) dst(%dma_wait3A_1384 : memref<112x128xf32, #tpu.memory_space<vmem>>)
    %add3A_1392 = arith.constant 2464 : i32
    %add3A_1393 = arith.addi %min3A_3, %add3A_1392 : i32
    %multiple_of3A_1394 = tpu.assume_multiple %add3A_1393, 8 : i32
    %dma_start3A_1395 = arith.constant 2 : i32
    %dma_start3A_1396 = arith.constant 2 : i32
    %dma_start3A_1397 = arith.constant 0 : i32
    %dma_start3A_1398 = arith.constant 0 : i32
    %dma_start3A_1399 = tpu.memref_slice %arg6[%dma_start3A_1395, %dma_start3A_1397, %dma_start3A_1398] : memref<4x112x128xf32, #tpu.memory_space<vmem>> -> memref<1x112x128xf32, #tpu.memory_space<vmem>>
    %dma_start3A_1400 = tpu.memref_squeeze %dma_start3A_1399 : memref<1x112x128xf32, #tpu.memory_space<vmem>> -> memref<112x128xf32, #tpu.memory_space<vmem>>
    %dma_start3A_1401 = arith.constant 0 : i32
    %dma_start3A_1402 = tpu.memref_slice %arg4[%multiple_of3A_1394, %dma_start3A_1401] : memref<100000x128xf32, #tpu.memory_space<hbm>> -> memref<112x128xf32, #tpu.memory_space<hbm>>
    %dma_start3A_1403 = tpu.memref_slice %arg9[%dma_start3A_1396] : memref<4x!tpu.dma_semaphore, #tpu.memory_space<semaphore_mem>> -> memref<1x!tpu.dma_semaphore, #tpu.memory_space<semaphore_mem>>
    %dma_start3A_1404 = tpu.memref_squeeze %dma_start3A_1403 : memref<1x!tpu.dma_semaphore, #tpu.memory_space<semaphore_mem>> -> memref<!tpu.dma_semaphore, #tpu.memory_space<semaphore_mem>>
    %dma_start3A_1405 = arith.constant 0 : i32
    %dma_start3A_1406 = tpu.memref_slice %arg4[%multiple_of3A_1394, %dma_start3A_1405] : memref<100000x128xf32, #tpu.memory_space<hbm>> -> memref<112x128xf32, #tpu.memory_space<hbm>>
    %dma_start3A_1407 = arith.constant 0 : i32
    %dma_start3A_1408 = arith.constant 0 : i32
    %dma_start3A_1409 = tpu.memref_slice %arg6[%dma_start3A_1395, %dma_start3A_1407, %dma_start3A_1408] : memref<4x112x128xf32, #tpu.memory_space<vmem>> -> memref<1x112x128xf32, #tpu.memory_space<vmem>>
    %dma_start3A_1410 = tpu.memref_squeeze %dma_start3A_1409 : memref<1x112x128xf32, #tpu.memory_space<vmem>> -> memref<112x128xf32, #tpu.memory_space<vmem>>
    tpu.enqueue_dma source(%dma_start3A_1410 : memref<112x128xf32, #tpu.memory_space<vmem>>) target(%dma_start3A_1406 : memref<112x128xf32, #tpu.memory_space<hbm>>) target_semaphore(%dma_start3A_1404 : memref<!tpu.dma_semaphore, #tpu.memory_space<semaphore_mem>>)
    %dma_wait3A_1411 = arith.constant 1 : i32
    %dma_wait3A_1412 = arith.constant 1 : i32
    %dma_wait3A_1413 = arith.constant 0 : i32
    %dma_wait3A_1414 = arith.constant 0 : i32
    %dma_wait3A_1415 = tpu.memref_slice %arg6[%dma_wait3A_1411, %dma_wait3A_1413, %dma_wait3A_1414] : memref<4x112x128xf32, #tpu.memory_space<vmem>> -> memref<1x112x128xf32, #tpu.memory_space<vmem>>
    %dma_wait3A_1416 = tpu.memref_squeeze %dma_wait3A_1415 : memref<1x112x128xf32, #tpu.memory_space<vmem>> -> memref<112x128xf32, #tpu.memory_space<vmem>>
    %dma_wait3A_1417 = arith.constant 0 : i32
    %dma_wait3A_1418 = tpu.memref_slice %arg4[%multiple_of3A_1333, %dma_wait3A_1417] : memref<100000x128xf32, #tpu.memory_space<hbm>> -> memref<112x128xf32, #tpu.memory_space<hbm>>
    %dma_wait3A_1419 = tpu.memref_slice %arg9[%dma_wait3A_1412] : memref<4x!tpu.dma_semaphore, #tpu.memory_space<semaphore_mem>> -> memref<1x!tpu.dma_semaphore, #tpu.memory_space<semaphore_mem>>
    %dma_wait3A_1420 = tpu.memref_squeeze %dma_wait3A_1419 : memref<1x!tpu.dma_semaphore, #tpu.memory_space<semaphore_mem>> -> memref<!tpu.dma_semaphore, #tpu.memory_space<semaphore_mem>>
    %dma_wait3A_1421 = arith.constant 0 : i32
    %dma_wait3A_1422 = tpu.memref_slice %arg4[%multiple_of3A_1333, %dma_wait3A_1421] : memref<100000x128xf32, #tpu.memory_space<hbm>> -> memref<112x128xf32, #tpu.memory_space<hbm>>
    %dma_wait3A_1423 = arith.constant 0 : i32
    %dma_wait3A_1424 = arith.constant 0 : i32
    %dma_wait3A_1425 = tpu.memref_slice %arg6[%dma_wait3A_1411, %dma_wait3A_1423, %dma_wait3A_1424] : memref<4x112x128xf32, #tpu.memory_space<vmem>> -> memref<1x112x128xf32, #tpu.memory_space<vmem>>
    %dma_wait3A_1426 = tpu.memref_squeeze %dma_wait3A_1425 : memref<1x112x128xf32, #tpu.memory_space<vmem>> -> memref<112x128xf32, #tpu.memory_space<vmem>>
    tpu.wait_dma2 semaphore(%dma_wait3A_1420 : memref<!tpu.dma_semaphore, #tpu.memory_space<semaphore_mem>>) src(%dma_wait3A_1426 : memref<112x128xf32, #tpu.memory_space<vmem>>) dst(%dma_wait3A_1422 : memref<112x128xf32, #tpu.memory_space<hbm>>)
    %dma_start3A_1427 = arith.constant 1 : i32
    %dma_start3A_1428 = arith.constant 1 : i32
    %dma_start3A_1429 = arith.constant 0 : i32
    %dma_start3A_1430 = arith.constant 0 : i32
    %dma_start3A_1431 = tpu.memref_slice %arg6[%dma_start3A_1427, %dma_start3A_1429, %dma_start3A_1430] : memref<4x112x128xf32, #tpu.memory_space<vmem>> -> memref<1x112x128xf32, #tpu.memory_space<vmem>>
    %dma_start3A_1432 = tpu.memref_squeeze %dma_start3A_1431 : memref<1x112x128xf32, #tpu.memory_space<vmem>> -> memref<112x128xf32, #tpu.memory_space<vmem>>
    %dma_start3A_1433 = arith.constant 2800 : i32
    %dma_start3A_1434 = tpu.memref_slice %arg5[%dma_start3A_1433] : memref<3136xi32, #tpu.memory_space<vmem>> -> memref<112xi32, #tpu.memory_space<vmem>>
    %dma_start3A_1435 = arith.constant 0 : i32
    %dma_start3A_1436 = arith.constant 0 : i32
    %dma_start3A_1437 = tpu.memref_slice %arg7[%dma_start3A_1435, %dma_start3A_1436] : memref<1025x128xf32, #tpu.memory_space<vmem_shared>> -> memref<1025x128xf32, #tpu.memory_space<vmem_shared>>
    %dma_start3A_1438 = tpu.memref_slice %arg8[%dma_start3A_1428] : memref<4x!tpu.dma_semaphore, #tpu.memory_space<semaphore_mem>> -> memref<1x!tpu.dma_semaphore, #tpu.memory_space<semaphore_mem>>
    %dma_start3A_1439 = tpu.memref_squeeze %dma_start3A_1438 : memref<1x!tpu.dma_semaphore, #tpu.memory_space<semaphore_mem>> -> memref<!tpu.dma_semaphore, #tpu.memory_space<semaphore_mem>>
    tpu.enqueue_indirect_dma source(%dma_start3A_1437 : memref<1025x128xf32, #tpu.memory_space<vmem_shared>>) target(%dma_start3A_1432 : memref<112x128xf32, #tpu.memory_space<vmem>>) offsets(%dma_start3A_1434 : memref<112xi32, #tpu.memory_space<vmem>>) semaphore(%dma_start3A_1439 : memref<!tpu.dma_semaphore, #tpu.memory_space<semaphore_mem>>)
    %dma_wait3A_1440 = arith.constant 3 : i32
    %dma_wait3A_1441 = arith.constant 3 : i32
    %dma_wait3A_1442 = arith.constant 0 : i32
    %dma_wait3A_1443 = arith.constant 0 : i32
    %dma_wait3A_1444 = tpu.memref_slice %arg6[%dma_wait3A_1440, %dma_wait3A_1442, %dma_wait3A_1443] : memref<4x112x128xf32, #tpu.memory_space<vmem>> -> memref<1x112x128xf32, #tpu.memory_space<vmem>>
    %dma_wait3A_1445 = tpu.memref_squeeze %dma_wait3A_1444 : memref<1x112x128xf32, #tpu.memory_space<vmem>> -> memref<112x128xf32, #tpu.memory_space<vmem>>
    %dma_wait3A_1446 = arith.constant 2576 : i32
    %dma_wait3A_1447 = tpu.memref_slice %arg5[%dma_wait3A_1446] : memref<3136xi32, #tpu.memory_space<vmem>> -> memref<112xi32, #tpu.memory_space<vmem>>
    %dma_wait3A_1448 = arith.constant 0 : i32
    %dma_wait3A_1449 = arith.constant 0 : i32
    %dma_wait3A_1450 = tpu.memref_slice %arg7[%dma_wait3A_1448, %dma_wait3A_1449] : memref<1025x128xf32, #tpu.memory_space<vmem_shared>> -> memref<1025x128xf32, #tpu.memory_space<vmem_shared>>
    %dma_wait3A_1451 = tpu.memref_slice %arg8[%dma_wait3A_1441] : memref<4x!tpu.dma_semaphore, #tpu.memory_space<semaphore_mem>> -> memref<1x!tpu.dma_semaphore, #tpu.memory_space<semaphore_mem>>
    %dma_wait3A_1452 = tpu.memref_squeeze %dma_wait3A_1451 : memref<1x!tpu.dma_semaphore, #tpu.memory_space<semaphore_mem>> -> memref<!tpu.dma_semaphore, #tpu.memory_space<semaphore_mem>>
    tpu.wait_indirect_dma semaphore(%dma_wait3A_1452 : memref<!tpu.dma_semaphore, #tpu.memory_space<semaphore_mem>>) src(%dma_wait3A_1450 : memref<1025x128xf32, #tpu.memory_space<vmem_shared>>) dst(%dma_wait3A_1445 : memref<112x128xf32, #tpu.memory_space<vmem>>)
    %add3A_1453 = arith.constant 2576 : i32
    %add3A_1454 = arith.addi %min3A_3, %add3A_1453 : i32
    %multiple_of3A_1455 = tpu.assume_multiple %add3A_1454, 8 : i32
    %dma_start3A_1456 = arith.constant 3 : i32
    %dma_start3A_1457 = arith.constant 3 : i32
    %dma_start3A_1458 = arith.constant 0 : i32
    %dma_start3A_1459 = arith.constant 0 : i32
    %dma_start3A_1460 = tpu.memref_slice %arg6[%dma_start3A_1456, %dma_start3A_1458, %dma_start3A_1459] : memref<4x112x128xf32, #tpu.memory_space<vmem>> -> memref<1x112x128xf32, #tpu.memory_space<vmem>>
    %dma_start3A_1461 = tpu.memref_squeeze %dma_start3A_1460 : memref<1x112x128xf32, #tpu.memory_space<vmem>> -> memref<112x128xf32, #tpu.memory_space<vmem>>
    %dma_start3A_1462 = arith.constant 0 : i32
    %dma_start3A_1463 = tpu.memref_slice %arg4[%multiple_of3A_1455, %dma_start3A_1462] : memref<100000x128xf32, #tpu.memory_space<hbm>> -> memref<112x128xf32, #tpu.memory_space<hbm>>
    %dma_start3A_1464 = tpu.memref_slice %arg9[%dma_start3A_1457] : memref<4x!tpu.dma_semaphore, #tpu.memory_space<semaphore_mem>> -> memref<1x!tpu.dma_semaphore, #tpu.memory_space<semaphore_mem>>
    %dma_start3A_1465 = tpu.memref_squeeze %dma_start3A_1464 : memref<1x!tpu.dma_semaphore, #tpu.memory_space<semaphore_mem>> -> memref<!tpu.dma_semaphore, #tpu.memory_space<semaphore_mem>>
    %dma_start3A_1466 = arith.constant 0 : i32
    %dma_start3A_1467 = tpu.memref_slice %arg4[%multiple_of3A_1455, %dma_start3A_1466] : memref<100000x128xf32, #tpu.memory_space<hbm>> -> memref<112x128xf32, #tpu.memory_space<hbm>>
    %dma_start3A_1468 = arith.constant 0 : i32
    %dma_start3A_1469 = arith.constant 0 : i32
    %dma_start3A_1470 = tpu.memref_slice %arg6[%dma_start3A_1456, %dma_start3A_1468, %dma_start3A_1469] : memref<4x112x128xf32, #tpu.memory_space<vmem>> -> memref<1x112x128xf32, #tpu.memory_space<vmem>>
    %dma_start3A_1471 = tpu.memref_squeeze %dma_start3A_1470 : memref<1x112x128xf32, #tpu.memory_space<vmem>> -> memref<112x128xf32, #tpu.memory_space<vmem>>
    tpu.enqueue_dma source(%dma_start3A_1471 : memref<112x128xf32, #tpu.memory_space<vmem>>) target(%dma_start3A_1467 : memref<112x128xf32, #tpu.memory_space<hbm>>) target_semaphore(%dma_start3A_1465 : memref<!tpu.dma_semaphore, #tpu.memory_space<semaphore_mem>>)
    %dma_wait3A_1472 = arith.constant 2 : i32
    %dma_wait3A_1473 = arith.constant 2 : i32
    %dma_wait3A_1474 = arith.constant 0 : i32
    %dma_wait3A_1475 = arith.constant 0 : i32
    %dma_wait3A_1476 = tpu.memref_slice %arg6[%dma_wait3A_1472, %dma_wait3A_1474, %dma_wait3A_1475] : memref<4x112x128xf32, #tpu.memory_space<vmem>> -> memref<1x112x128xf32, #tpu.memory_space<vmem>>
    %dma_wait3A_1477 = tpu.memref_squeeze %dma_wait3A_1476 : memref<1x112x128xf32, #tpu.memory_space<vmem>> -> memref<112x128xf32, #tpu.memory_space<vmem>>
    %dma_wait3A_1478 = arith.constant 0 : i32
    %dma_wait3A_1479 = tpu.memref_slice %arg4[%multiple_of3A_1394, %dma_wait3A_1478] : memref<100000x128xf32, #tpu.memory_space<hbm>> -> memref<112x128xf32, #tpu.memory_space<hbm>>
    %dma_wait3A_1480 = tpu.memref_slice %arg9[%dma_wait3A_1473] : memref<4x!tpu.dma_semaphore, #tpu.memory_space<semaphore_mem>> -> memref<1x!tpu.dma_semaphore, #tpu.memory_space<semaphore_mem>>
    %dma_wait3A_1481 = tpu.memref_squeeze %dma_wait3A_1480 : memref<1x!tpu.dma_semaphore, #tpu.memory_space<semaphore_mem>> -> memref<!tpu.dma_semaphore, #tpu.memory_space<semaphore_mem>>
    %dma_wait3A_1482 = arith.constant 0 : i32
    %dma_wait3A_1483 = tpu.memref_slice %arg4[%multiple_of3A_1394, %dma_wait3A_1482] : memref<100000x128xf32, #tpu.memory_space<hbm>> -> memref<112x128xf32, #tpu.memory_space<hbm>>
    %dma_wait3A_1484 = arith.constant 0 : i32
    %dma_wait3A_1485 = arith.constant 0 : i32
    %dma_wait3A_1486 = tpu.memref_slice %arg6[%dma_wait3A_1472, %dma_wait3A_1484, %dma_wait3A_1485] : memref<4x112x128xf32, #tpu.memory_space<vmem>> -> memref<1x112x128xf32, #tpu.memory_space<vmem>>
    %dma_wait3A_1487 = tpu.memref_squeeze %dma_wait3A_1486 : memref<1x112x128xf32, #tpu.memory_space<vmem>> -> memref<112x128xf32, #tpu.memory_space<vmem>>
    tpu.wait_dma2 semaphore(%dma_wait3A_1481 : memref<!tpu.dma_semaphore, #tpu.memory_space<semaphore_mem>>) src(%dma_wait3A_1487 : memref<112x128xf32, #tpu.memory_space<vmem>>) dst(%dma_wait3A_1483 : memref<112x128xf32, #tpu.memory_space<hbm>>)
    %dma_start3A_1488 = arith.constant 2 : i32
    %dma_start3A_1489 = arith.constant 2 : i32
    %dma_start3A_1490 = arith.constant 0 : i32
    %dma_start3A_1491 = arith.constant 0 : i32
    %dma_start3A_1492 = tpu.memref_slice %arg6[%dma_start3A_1488, %dma_start3A_1490, %dma_start3A_1491] : memref<4x112x128xf32, #tpu.memory_space<vmem>> -> memref<1x112x128xf32, #tpu.memory_space<vmem>>
    %dma_start3A_1493 = tpu.memref_squeeze %dma_start3A_1492 : memref<1x112x128xf32, #tpu.memory_space<vmem>> -> memref<112x128xf32, #tpu.memory_space<vmem>>
    %dma_start3A_1494 = arith.constant 2912 : i32
    %dma_start3A_1495 = tpu.memref_slice %arg5[%dma_start3A_1494] : memref<3136xi32, #tpu.memory_space<vmem>> -> memref<112xi32, #tpu.memory_space<vmem>>
    %dma_start3A_1496 = arith.constant 0 : i32
    %dma_start3A_1497 = arith.constant 0 : i32
    %dma_start3A_1498 = tpu.memref_slice %arg7[%dma_start3A_1496, %dma_start3A_1497] : memref<1025x128xf32, #tpu.memory_space<vmem_shared>> -> memref<1025x128xf32, #tpu.memory_space<vmem_shared>>
    %dma_start3A_1499 = tpu.memref_slice %arg8[%dma_start3A_1489] : memref<4x!tpu.dma_semaphore, #tpu.memory_space<semaphore_mem>> -> memref<1x!tpu.dma_semaphore, #tpu.memory_space<semaphore_mem>>
    %dma_start3A_1500 = tpu.memref_squeeze %dma_start3A_1499 : memref<1x!tpu.dma_semaphore, #tpu.memory_space<semaphore_mem>> -> memref<!tpu.dma_semaphore, #tpu.memory_space<semaphore_mem>>
    tpu.enqueue_indirect_dma source(%dma_start3A_1498 : memref<1025x128xf32, #tpu.memory_space<vmem_shared>>) target(%dma_start3A_1493 : memref<112x128xf32, #tpu.memory_space<vmem>>) offsets(%dma_start3A_1495 : memref<112xi32, #tpu.memory_space<vmem>>) semaphore(%dma_start3A_1500 : memref<!tpu.dma_semaphore, #tpu.memory_space<semaphore_mem>>)
    %dma_wait3A_1501 = arith.constant 0 : i32
    %dma_wait3A_1502 = arith.constant 0 : i32
    %dma_wait3A_1503 = arith.constant 0 : i32
    %dma_wait3A_1504 = arith.constant 0 : i32
    %dma_wait3A_1505 = tpu.memref_slice %arg6[%dma_wait3A_1501, %dma_wait3A_1503, %dma_wait3A_1504] : memref<4x112x128xf32, #tpu.memory_space<vmem>> -> memref<1x112x128xf32, #tpu.memory_space<vmem>>
    %dma_wait3A_1506 = tpu.memref_squeeze %dma_wait3A_1505 : memref<1x112x128xf32, #tpu.memory_space<vmem>> -> memref<112x128xf32, #tpu.memory_space<vmem>>
    %dma_wait3A_1507 = arith.constant 2688 : i32
    %dma_wait3A_1508 = tpu.memref_slice %arg5[%dma_wait3A_1507] : memref<3136xi32, #tpu.memory_space<vmem>> -> memref<112xi32, #tpu.memory_space<vmem>>
    %dma_wait3A_1509 = arith.constant 0 : i32
    %dma_wait3A_1510 = arith.constant 0 : i32
    %dma_wait3A_1511 = tpu.memref_slice %arg7[%dma_wait3A_1509, %dma_wait3A_1510] : memref<1025x128xf32, #tpu.memory_space<vmem_shared>> -> memref<1025x128xf32, #tpu.memory_space<vmem_shared>>
    %dma_wait3A_1512 = tpu.memref_slice %arg8[%dma_wait3A_1502] : memref<4x!tpu.dma_semaphore, #tpu.memory_space<semaphore_mem>> -> memref<1x!tpu.dma_semaphore, #tpu.memory_space<semaphore_mem>>
    %dma_wait3A_1513 = tpu.memref_squeeze %dma_wait3A_1512 : memref<1x!tpu.dma_semaphore, #tpu.memory_space<semaphore_mem>> -> memref<!tpu.dma_semaphore, #tpu.memory_space<semaphore_mem>>
    tpu.wait_indirect_dma semaphore(%dma_wait3A_1513 : memref<!tpu.dma_semaphore, #tpu.memory_space<semaphore_mem>>) src(%dma_wait3A_1511 : memref<1025x128xf32, #tpu.memory_space<vmem_shared>>) dst(%dma_wait3A_1506 : memref<112x128xf32, #tpu.memory_space<vmem>>)
    %add3A_1514 = arith.constant 2688 : i32
    %add3A_1515 = arith.addi %min3A_3, %add3A_1514 : i32
    %multiple_of3A_1516 = tpu.assume_multiple %add3A_1515, 8 : i32
    %dma_start3A_1517 = arith.constant 0 : i32
    %dma_start3A_1518 = arith.constant 0 : i32
    %dma_start3A_1519 = arith.constant 0 : i32
    %dma_start3A_1520 = arith.constant 0 : i32
    %dma_start3A_1521 = tpu.memref_slice %arg6[%dma_start3A_1517, %dma_start3A_1519, %dma_start3A_1520] : memref<4x112x128xf32, #tpu.memory_space<vmem>> -> memref<1x112x128xf32, #tpu.memory_space<vmem>>
    %dma_start3A_1522 = tpu.memref_squeeze %dma_start3A_1521 : memref<1x112x128xf32, #tpu.memory_space<vmem>> -> memref<112x128xf32, #tpu.memory_space<vmem>>
    %dma_start3A_1523 = arith.constant 0 : i32
    %dma_start3A_1524 = tpu.memref_slice %arg4[%multiple_of3A_1516, %dma_start3A_1523] : memref<100000x128xf32, #tpu.memory_space<hbm>> -> memref<112x128xf32, #tpu.memory_space<hbm>>
    %dma_start3A_1525 = tpu.memref_slice %arg9[%dma_start3A_1518] : memref<4x!tpu.dma_semaphore, #tpu.memory_space<semaphore_mem>> -> memref<1x!tpu.dma_semaphore, #tpu.memory_space<semaphore_mem>>
    %dma_start3A_1526 = tpu.memref_squeeze %dma_start3A_1525 : memref<1x!tpu.dma_semaphore, #tpu.memory_space<semaphore_mem>> -> memref<!tpu.dma_semaphore, #tpu.memory_space<semaphore_mem>>
    %dma_start3A_1527 = arith.constant 0 : i32
    %dma_start3A_1528 = tpu.memref_slice %arg4[%multiple_of3A_1516, %dma_start3A_1527] : memref<100000x128xf32, #tpu.memory_space<hbm>> -> memref<112x128xf32, #tpu.memory_space<hbm>>
    %dma_start3A_1529 = arith.constant 0 : i32
    %dma_start3A_1530 = arith.constant 0 : i32
    %dma_start3A_1531 = tpu.memref_slice %arg6[%dma_start3A_1517, %dma_start3A_1529, %dma_start3A_1530] : memref<4x112x128xf32, #tpu.memory_space<vmem>> -> memref<1x112x128xf32, #tpu.memory_space<vmem>>
    %dma_start3A_1532 = tpu.memref_squeeze %dma_start3A_1531 : memref<1x112x128xf32, #tpu.memory_space<vmem>> -> memref<112x128xf32, #tpu.memory_space<vmem>>
    tpu.enqueue_dma source(%dma_start3A_1532 : memref<112x128xf32, #tpu.memory_space<vmem>>) target(%dma_start3A_1528 : memref<112x128xf32, #tpu.memory_space<hbm>>) target_semaphore(%dma_start3A_1526 : memref<!tpu.dma_semaphore, #tpu.memory_space<semaphore_mem>>)
    %dma_wait3A_1533 = arith.constant 3 : i32
    %dma_wait3A_1534 = arith.constant 3 : i32
    %dma_wait3A_1535 = arith.constant 0 : i32
    %dma_wait3A_1536 = arith.constant 0 : i32
    %dma_wait3A_1537 = tpu.memref_slice %arg6[%dma_wait3A_1533, %dma_wait3A_1535, %dma_wait3A_1536] : memref<4x112x128xf32, #tpu.memory_space<vmem>> -> memref<1x112x128xf32, #tpu.memory_space<vmem>>
    %dma_wait3A_1538 = tpu.memref_squeeze %dma_wait3A_1537 : memref<1x112x128xf32, #tpu.memory_space<vmem>> -> memref<112x128xf32, #tpu.memory_space<vmem>>
    %dma_wait3A_1539 = arith.constant 0 : i32
    %dma_wait3A_1540 = tpu.memref_slice %arg4[%multiple_of3A_1455, %dma_wait3A_1539] : memref<100000x128xf32, #tpu.memory_space<hbm>> -> memref<112x128xf32, #tpu.memory_space<hbm>>
    %dma_wait3A_1541 = tpu.memref_slice %arg9[%dma_wait3A_1534] : memref<4x!tpu.dma_semaphore, #tpu.memory_space<semaphore_mem>> -> memref<1x!tpu.dma_semaphore, #tpu.memory_space<semaphore_mem>>
    %dma_wait3A_1542 = tpu.memref_squeeze %dma_wait3A_1541 : memref<1x!tpu.dma_semaphore, #tpu.memory_space<semaphore_mem>> -> memref<!tpu.dma_semaphore, #tpu.memory_space<semaphore_mem>>
    %dma_wait3A_1543 = arith.constant 0 : i32
    %dma_wait3A_1544 = tpu.memref_slice %arg4[%multiple_of3A_1455, %dma_wait3A_1543] : memref<100000x128xf32, #tpu.memory_space<hbm>> -> memref<112x128xf32, #tpu.memory_space<hbm>>
    %dma_wait3A_1545 = arith.constant 0 : i32
    %dma_wait3A_1546 = arith.constant 0 : i32
    %dma_wait3A_1547 = tpu.memref_slice %arg6[%dma_wait3A_1533, %dma_wait3A_1545, %dma_wait3A_1546] : memref<4x112x128xf32, #tpu.memory_space<vmem>> -> memref<1x112x128xf32, #tpu.memory_space<vmem>>
    %dma_wait3A_1548 = tpu.memref_squeeze %dma_wait3A_1547 : memref<1x112x128xf32, #tpu.memory_space<vmem>> -> memref<112x128xf32, #tpu.memory_space<vmem>>
    tpu.wait_dma2 semaphore(%dma_wait3A_1542 : memref<!tpu.dma_semaphore, #tpu.memory_space<semaphore_mem>>) src(%dma_wait3A_1548 : memref<112x128xf32, #tpu.memory_space<vmem>>) dst(%dma_wait3A_1544 : memref<112x128xf32, #tpu.memory_space<hbm>>)
    %dma_start3A_1549 = arith.constant 3 : i32
    %dma_start3A_1550 = arith.constant 3 : i32
    %dma_start3A_1551 = arith.constant 0 : i32
    %dma_start3A_1552 = arith.constant 0 : i32
    %dma_start3A_1553 = tpu.memref_slice %arg6[%dma_start3A_1549, %dma_start3A_1551, %dma_start3A_1552] : memref<4x112x128xf32, #tpu.memory_space<vmem>> -> memref<1x112x128xf32, #tpu.memory_space<vmem>>
    %dma_start3A_1554 = tpu.memref_squeeze %dma_start3A_1553 : memref<1x112x128xf32, #tpu.memory_space<vmem>> -> memref<112x128xf32, #tpu.memory_space<vmem>>
    %dma_start3A_1555 = arith.constant 3024 : i32
    %dma_start3A_1556 = tpu.memref_slice %arg5[%dma_start3A_1555] : memref<3136xi32, #tpu.memory_space<vmem>> -> memref<112xi32, #tpu.memory_space<vmem>>
    %dma_start3A_1557 = arith.constant 0 : i32
    %dma_start3A_1558 = arith.constant 0 : i32
    %dma_start3A_1559 = tpu.memref_slice %arg7[%dma_start3A_1557, %dma_start3A_1558] : memref<1025x128xf32, #tpu.memory_space<vmem_shared>> -> memref<1025x128xf32, #tpu.memory_space<vmem_shared>>
    %dma_start3A_1560 = tpu.memref_slice %arg8[%dma_start3A_1550] : memref<4x!tpu.dma_semaphore, #tpu.memory_space<semaphore_mem>> -> memref<1x!tpu.dma_semaphore, #tpu.memory_space<semaphore_mem>>
    %dma_start3A_1561 = tpu.memref_squeeze %dma_start3A_1560 : memref<1x!tpu.dma_semaphore, #tpu.memory_space<semaphore_mem>> -> memref<!tpu.dma_semaphore, #tpu.memory_space<semaphore_mem>>
    tpu.enqueue_indirect_dma source(%dma_start3A_1559 : memref<1025x128xf32, #tpu.memory_space<vmem_shared>>) target(%dma_start3A_1554 : memref<112x128xf32, #tpu.memory_space<vmem>>) offsets(%dma_start3A_1556 : memref<112xi32, #tpu.memory_space<vmem>>) semaphore(%dma_start3A_1561 : memref<!tpu.dma_semaphore, #tpu.memory_space<semaphore_mem>>)
    %dma_wait3A_1562 = arith.constant 1 : i32
    %dma_wait3A_1563 = arith.constant 1 : i32
    %dma_wait3A_1564 = arith.constant 0 : i32
    %dma_wait3A_1565 = arith.constant 0 : i32
    %dma_wait3A_1566 = tpu.memref_slice %arg6[%dma_wait3A_1562, %dma_wait3A_1564, %dma_wait3A_1565] : memref<4x112x128xf32, #tpu.memory_space<vmem>> -> memref<1x112x128xf32, #tpu.memory_space<vmem>>
    %dma_wait3A_1567 = tpu.memref_squeeze %dma_wait3A_1566 : memref<1x112x128xf32, #tpu.memory_space<vmem>> -> memref<112x128xf32, #tpu.memory_space<vmem>>
    %dma_wait3A_1568 = arith.constant 2800 : i32
    %dma_wait3A_1569 = tpu.memref_slice %arg5[%dma_wait3A_1568] : memref<3136xi32, #tpu.memory_space<vmem>> -> memref<112xi32, #tpu.memory_space<vmem>>
    %dma_wait3A_1570 = arith.constant 0 : i32
    %dma_wait3A_1571 = arith.constant 0 : i32
    %dma_wait3A_1572 = tpu.memref_slice %arg7[%dma_wait3A_1570, %dma_wait3A_1571] : memref<1025x128xf32, #tpu.memory_space<vmem_shared>> -> memref<1025x128xf32, #tpu.memory_space<vmem_shared>>
    %dma_wait3A_1573 = tpu.memref_slice %arg8[%dma_wait3A_1563] : memref<4x!tpu.dma_semaphore, #tpu.memory_space<semaphore_mem>> -> memref<1x!tpu.dma_semaphore, #tpu.memory_space<semaphore_mem>>
    %dma_wait3A_1574 = tpu.memref_squeeze %dma_wait3A_1573 : memref<1x!tpu.dma_semaphore, #tpu.memory_space<semaphore_mem>> -> memref<!tpu.dma_semaphore, #tpu.memory_space<semaphore_mem>>
    tpu.wait_indirect_dma semaphore(%dma_wait3A_1574 : memref<!tpu.dma_semaphore, #tpu.memory_space<semaphore_mem>>) src(%dma_wait3A_1572 : memref<1025x128xf32, #tpu.memory_space<vmem_shared>>) dst(%dma_wait3A_1567 : memref<112x128xf32, #tpu.memory_space<vmem>>)
    %add3A_1575 = arith.constant 2800 : i32
    %add3A_1576 = arith.addi %min3A_3, %add3A_1575 : i32
    %multiple_of3A_1577 = tpu.assume_multiple %add3A_1576, 8 : i32
    %dma_start3A_1578 = arith.constant 1 : i32
    %dma_start3A_1579 = arith.constant 1 : i32
    %dma_start3A_1580 = arith.constant 0 : i32
    %dma_start3A_1581 = arith.constant 0 : i32
    %dma_start3A_1582 = tpu.memref_slice %arg6[%dma_start3A_1578, %dma_start3A_1580, %dma_start3A_1581] : memref<4x112x128xf32, #tpu.memory_space<vmem>> -> memref<1x112x128xf32, #tpu.memory_space<vmem>>
    %dma_start3A_1583 = tpu.memref_squeeze %dma_start3A_1582 : memref<1x112x128xf32, #tpu.memory_space<vmem>> -> memref<112x128xf32, #tpu.memory_space<vmem>>
    %dma_start3A_1584 = arith.constant 0 : i32
    %dma_start3A_1585 = tpu.memref_slice %arg4[%multiple_of3A_1577, %dma_start3A_1584] : memref<100000x128xf32, #tpu.memory_space<hbm>> -> memref<112x128xf32, #tpu.memory_space<hbm>>
    %dma_start3A_1586 = tpu.memref_slice %arg9[%dma_start3A_1579] : memref<4x!tpu.dma_semaphore, #tpu.memory_space<semaphore_mem>> -> memref<1x!tpu.dma_semaphore, #tpu.memory_space<semaphore_mem>>
    %dma_start3A_1587 = tpu.memref_squeeze %dma_start3A_1586 : memref<1x!tpu.dma_semaphore, #tpu.memory_space<semaphore_mem>> -> memref<!tpu.dma_semaphore, #tpu.memory_space<semaphore_mem>>
    %dma_start3A_1588 = arith.constant 0 : i32
    %dma_start3A_1589 = tpu.memref_slice %arg4[%multiple_of3A_1577, %dma_start3A_1588] : memref<100000x128xf32, #tpu.memory_space<hbm>> -> memref<112x128xf32, #tpu.memory_space<hbm>>
    %dma_start3A_1590 = arith.constant 0 : i32
    %dma_start3A_1591 = arith.constant 0 : i32
    %dma_start3A_1592 = tpu.memref_slice %arg6[%dma_start3A_1578, %dma_start3A_1590, %dma_start3A_1591] : memref<4x112x128xf32, #tpu.memory_space<vmem>> -> memref<1x112x128xf32, #tpu.memory_space<vmem>>
    %dma_start3A_1593 = tpu.memref_squeeze %dma_start3A_1592 : memref<1x112x128xf32, #tpu.memory_space<vmem>> -> memref<112x128xf32, #tpu.memory_space<vmem>>
    tpu.enqueue_dma source(%dma_start3A_1593 : memref<112x128xf32, #tpu.memory_space<vmem>>) target(%dma_start3A_1589 : memref<112x128xf32, #tpu.memory_space<hbm>>) target_semaphore(%dma_start3A_1587 : memref<!tpu.dma_semaphore, #tpu.memory_space<semaphore_mem>>)
    %dma_wait3A_1594 = arith.constant 2 : i32
    %dma_wait3A_1595 = arith.constant 2 : i32
    %dma_wait3A_1596 = arith.constant 0 : i32
    %dma_wait3A_1597 = arith.constant 0 : i32
    %dma_wait3A_1598 = tpu.memref_slice %arg6[%dma_wait3A_1594, %dma_wait3A_1596, %dma_wait3A_1597] : memref<4x112x128xf32, #tpu.memory_space<vmem>> -> memref<1x112x128xf32, #tpu.memory_space<vmem>>
    %dma_wait3A_1599 = tpu.memref_squeeze %dma_wait3A_1598 : memref<1x112x128xf32, #tpu.memory_space<vmem>> -> memref<112x128xf32, #tpu.memory_space<vmem>>
    %dma_wait3A_1600 = arith.constant 2912 : i32
    %dma_wait3A_1601 = tpu.memref_slice %arg5[%dma_wait3A_1600] : memref<3136xi32, #tpu.memory_space<vmem>> -> memref<112xi32, #tpu.memory_space<vmem>>
    %dma_wait3A_1602 = arith.constant 0 : i32
    %dma_wait3A_1603 = arith.constant 0 : i32
    %dma_wait3A_1604 = tpu.memref_slice %arg7[%dma_wait3A_1602, %dma_wait3A_1603] : memref<1025x128xf32, #tpu.memory_space<vmem_shared>> -> memref<1025x128xf32, #tpu.memory_space<vmem_shared>>
    %dma_wait3A_1605 = tpu.memref_slice %arg8[%dma_wait3A_1595] : memref<4x!tpu.dma_semaphore, #tpu.memory_space<semaphore_mem>> -> memref<1x!tpu.dma_semaphore, #tpu.memory_space<semaphore_mem>>
    %dma_wait3A_1606 = tpu.memref_squeeze %dma_wait3A_1605 : memref<1x!tpu.dma_semaphore, #tpu.memory_space<semaphore_mem>> -> memref<!tpu.dma_semaphore, #tpu.memory_space<semaphore_mem>>
    tpu.wait_indirect_dma semaphore(%dma_wait3A_1606 : memref<!tpu.dma_semaphore, #tpu.memory_space<semaphore_mem>>) src(%dma_wait3A_1604 : memref<1025x128xf32, #tpu.memory_space<vmem_shared>>) dst(%dma_wait3A_1599 : memref<112x128xf32, #tpu.memory_space<vmem>>)
    %add3A_1607 = arith.constant 2912 : i32
    %add3A_1608 = arith.addi %min3A_3, %add3A_1607 : i32
    %multiple_of3A_1609 = tpu.assume_multiple %add3A_1608, 8 : i32
    %dma_start3A_1610 = arith.constant 2 : i32
    %dma_start3A_1611 = arith.constant 2 : i32
    %dma_start3A_1612 = arith.constant 0 : i32
    %dma_start3A_1613 = arith.constant 0 : i32
    %dma_start3A_1614 = tpu.memref_slice %arg6[%dma_start3A_1610, %dma_start3A_1612, %dma_start3A_1613] : memref<4x112x128xf32, #tpu.memory_space<vmem>> -> memref<1x112x128xf32, #tpu.memory_space<vmem>>
    %dma_start3A_1615 = tpu.memref_squeeze %dma_start3A_1614 : memref<1x112x128xf32, #tpu.memory_space<vmem>> -> memref<112x128xf32, #tpu.memory_space<vmem>>
    %dma_start3A_1616 = arith.constant 0 : i32
    %dma_start3A_1617 = tpu.memref_slice %arg4[%multiple_of3A_1609, %dma_start3A_1616] : memref<100000x128xf32, #tpu.memory_space<hbm>> -> memref<112x128xf32, #tpu.memory_space<hbm>>
    %dma_start3A_1618 = tpu.memref_slice %arg9[%dma_start3A_1611] : memref<4x!tpu.dma_semaphore, #tpu.memory_space<semaphore_mem>> -> memref<1x!tpu.dma_semaphore, #tpu.memory_space<semaphore_mem>>
    %dma_start3A_1619 = tpu.memref_squeeze %dma_start3A_1618 : memref<1x!tpu.dma_semaphore, #tpu.memory_space<semaphore_mem>> -> memref<!tpu.dma_semaphore, #tpu.memory_space<semaphore_mem>>
    %dma_start3A_1620 = arith.constant 0 : i32
    %dma_start3A_1621 = tpu.memref_slice %arg4[%multiple_of3A_1609, %dma_start3A_1620] : memref<100000x128xf32, #tpu.memory_space<hbm>> -> memref<112x128xf32, #tpu.memory_space<hbm>>
    %dma_start3A_1622 = arith.constant 0 : i32
    %dma_start3A_1623 = arith.constant 0 : i32
    %dma_start3A_1624 = tpu.memref_slice %arg6[%dma_start3A_1610, %dma_start3A_1622, %dma_start3A_1623] : memref<4x112x128xf32, #tpu.memory_space<vmem>> -> memref<1x112x128xf32, #tpu.memory_space<vmem>>
    %dma_start3A_1625 = tpu.memref_squeeze %dma_start3A_1624 : memref<1x112x128xf32, #tpu.memory_space<vmem>> -> memref<112x128xf32, #tpu.memory_space<vmem>>
    tpu.enqueue_dma source(%dma_start3A_1625 : memref<112x128xf32, #tpu.memory_space<vmem>>) target(%dma_start3A_1621 : memref<112x128xf32, #tpu.memory_space<hbm>>) target_semaphore(%dma_start3A_1619 : memref<!tpu.dma_semaphore, #tpu.memory_space<semaphore_mem>>)
    %dma_wait3A_1626 = arith.constant 3 : i32
    %dma_wait3A_1627 = arith.constant 3 : i32
    %dma_wait3A_1628 = arith.constant 0 : i32
    %dma_wait3A_1629 = arith.constant 0 : i32
    %dma_wait3A_1630 = tpu.memref_slice %arg6[%dma_wait3A_1626, %dma_wait3A_1628, %dma_wait3A_1629] : memref<4x112x128xf32, #tpu.memory_space<vmem>> -> memref<1x112x128xf32, #tpu.memory_space<vmem>>
    %dma_wait3A_1631 = tpu.memref_squeeze %dma_wait3A_1630 : memref<1x112x128xf32, #tpu.memory_space<vmem>> -> memref<112x128xf32, #tpu.memory_space<vmem>>
    %dma_wait3A_1632 = arith.constant 3024 : i32
    %dma_wait3A_1633 = tpu.memref_slice %arg5[%dma_wait3A_1632] : memref<3136xi32, #tpu.memory_space<vmem>> -> memref<112xi32, #tpu.memory_space<vmem>>
    %dma_wait3A_1634 = arith.constant 0 : i32
    %dma_wait3A_1635 = arith.constant 0 : i32
    %dma_wait3A_1636 = tpu.memref_slice %arg7[%dma_wait3A_1634, %dma_wait3A_1635] : memref<1025x128xf32, #tpu.memory_space<vmem_shared>> -> memref<1025x128xf32, #tpu.memory_space<vmem_shared>>
    %dma_wait3A_1637 = tpu.memref_slice %arg8[%dma_wait3A_1627] : memref<4x!tpu.dma_semaphore, #tpu.memory_space<semaphore_mem>> -> memref<1x!tpu.dma_semaphore, #tpu.memory_space<semaphore_mem>>
    %dma_wait3A_1638 = tpu.memref_squeeze %dma_wait3A_1637 : memref<1x!tpu.dma_semaphore, #tpu.memory_space<semaphore_mem>> -> memref<!tpu.dma_semaphore, #tpu.memory_space<semaphore_mem>>
    tpu.wait_indirect_dma semaphore(%dma_wait3A_1638 : memref<!tpu.dma_semaphore, #tpu.memory_space<semaphore_mem>>) src(%dma_wait3A_1636 : memref<1025x128xf32, #tpu.memory_space<vmem_shared>>) dst(%dma_wait3A_1631 : memref<112x128xf32, #tpu.memory_space<vmem>>)
    %add3A_1639 = arith.constant 3024 : i32
    %add3A_1640 = arith.addi %min3A_3, %add3A_1639 : i32
    %multiple_of3A_1641 = tpu.assume_multiple %add3A_1640, 8 : i32
    %dma_start3A_1642 = arith.constant 3 : i32
    %dma_start3A_1643 = arith.constant 3 : i32
    %dma_start3A_1644 = arith.constant 0 : i32
    %dma_start3A_1645 = arith.constant 0 : i32
    %dma_start3A_1646 = tpu.memref_slice %arg6[%dma_start3A_1642, %dma_start3A_1644, %dma_start3A_1645] : memref<4x112x128xf32, #tpu.memory_space<vmem>> -> memref<1x112x128xf32, #tpu.memory_space<vmem>>
    %dma_start3A_1647 = tpu.memref_squeeze %dma_start3A_1646 : memref<1x112x128xf32, #tpu.memory_space<vmem>> -> memref<112x128xf32, #tpu.memory_space<vmem>>
    %dma_start3A_1648 = arith.constant 0 : i32
    %dma_start3A_1649 = tpu.memref_slice %arg4[%multiple_of3A_1641, %dma_start3A_1648] : memref<100000x128xf32, #tpu.memory_space<hbm>> -> memref<112x128xf32, #tpu.memory_space<hbm>>
    %dma_start3A_1650 = tpu.memref_slice %arg9[%dma_start3A_1643] : memref<4x!tpu.dma_semaphore, #tpu.memory_space<semaphore_mem>> -> memref<1x!tpu.dma_semaphore, #tpu.memory_space<semaphore_mem>>
    %dma_start3A_1651 = tpu.memref_squeeze %dma_start3A_1650 : memref<1x!tpu.dma_semaphore, #tpu.memory_space<semaphore_mem>> -> memref<!tpu.dma_semaphore, #tpu.memory_space<semaphore_mem>>
    %dma_start3A_1652 = arith.constant 0 : i32
    %dma_start3A_1653 = tpu.memref_slice %arg4[%multiple_of3A_1641, %dma_start3A_1652] : memref<100000x128xf32, #tpu.memory_space<hbm>> -> memref<112x128xf32, #tpu.memory_space<hbm>>
    %dma_start3A_1654 = arith.constant 0 : i32
    %dma_start3A_1655 = arith.constant 0 : i32
    %dma_start3A_1656 = tpu.memref_slice %arg6[%dma_start3A_1642, %dma_start3A_1654, %dma_start3A_1655] : memref<4x112x128xf32, #tpu.memory_space<vmem>> -> memref<1x112x128xf32, #tpu.memory_space<vmem>>
    %dma_start3A_1657 = tpu.memref_squeeze %dma_start3A_1656 : memref<1x112x128xf32, #tpu.memory_space<vmem>> -> memref<112x128xf32, #tpu.memory_space<vmem>>
    tpu.enqueue_dma source(%dma_start3A_1657 : memref<112x128xf32, #tpu.memory_space<vmem>>) target(%dma_start3A_1653 : memref<112x128xf32, #tpu.memory_space<hbm>>) target_semaphore(%dma_start3A_1651 : memref<!tpu.dma_semaphore, #tpu.memory_space<semaphore_mem>>)
    %dma_wait3A_1658 = arith.constant 0 : i32
    %dma_wait3A_1659 = arith.constant 0 : i32
    %dma_wait3A_1660 = arith.constant 0 : i32
    %dma_wait3A_1661 = arith.constant 0 : i32
    %dma_wait3A_1662 = tpu.memref_slice %arg6[%dma_wait3A_1658, %dma_wait3A_1660, %dma_wait3A_1661] : memref<4x112x128xf32, #tpu.memory_space<vmem>> -> memref<1x112x128xf32, #tpu.memory_space<vmem>>
    %dma_wait3A_1663 = tpu.memref_squeeze %dma_wait3A_1662 : memref<1x112x128xf32, #tpu.memory_space<vmem>> -> memref<112x128xf32, #tpu.memory_space<vmem>>
    %dma_wait3A_1664 = arith.constant 0 : i32
    %dma_wait3A_1665 = tpu.memref_slice %arg4[%multiple_of3A_1516, %dma_wait3A_1664] : memref<100000x128xf32, #tpu.memory_space<hbm>> -> memref<112x128xf32, #tpu.memory_space<hbm>>
    %dma_wait3A_1666 = tpu.memref_slice %arg9[%dma_wait3A_1659] : memref<4x!tpu.dma_semaphore, #tpu.memory_space<semaphore_mem>> -> memref<1x!tpu.dma_semaphore, #tpu.memory_space<semaphore_mem>>
    %dma_wait3A_1667 = tpu.memref_squeeze %dma_wait3A_1666 : memref<1x!tpu.dma_semaphore, #tpu.memory_space<semaphore_mem>> -> memref<!tpu.dma_semaphore, #tpu.memory_space<semaphore_mem>>
    %dma_wait3A_1668 = arith.constant 0 : i32
    %dma_wait3A_1669 = tpu.memref_slice %arg4[%multiple_of3A_1516, %dma_wait3A_1668] : memref<100000x128xf32, #tpu.memory_space<hbm>> -> memref<112x128xf32, #tpu.memory_space<hbm>>
    %dma_wait3A_1670 = arith.constant 0 : i32
    %dma_wait3A_1671 = arith.constant 0 : i32
    %dma_wait3A_1672 = tpu.memref_slice %arg6[%dma_wait3A_1658, %dma_wait3A_1670, %dma_wait3A_1671] : memref<4x112x128xf32, #tpu.memory_space<vmem>> -> memref<1x112x128xf32, #tpu.memory_space<vmem>>
    %dma_wait3A_1673 = tpu.memref_squeeze %dma_wait3A_1672 : memref<1x112x128xf32, #tpu.memory_space<vmem>> -> memref<112x128xf32, #tpu.memory_space<vmem>>
    tpu.wait_dma2 semaphore(%dma_wait3A_1667 : memref<!tpu.dma_semaphore, #tpu.memory_space<semaphore_mem>>) src(%dma_wait3A_1673 : memref<112x128xf32, #tpu.memory_space<vmem>>) dst(%dma_wait3A_1669 : memref<112x128xf32, #tpu.memory_space<hbm>>)
    %dma_wait3A_1674 = arith.constant 1 : i32
    %dma_wait3A_1675 = arith.constant 1 : i32
    %dma_wait3A_1676 = arith.constant 0 : i32
    %dma_wait3A_1677 = arith.constant 0 : i32
    %dma_wait3A_1678 = tpu.memref_slice %arg6[%dma_wait3A_1674, %dma_wait3A_1676, %dma_wait3A_1677] : memref<4x112x128xf32, #tpu.memory_space<vmem>> -> memref<1x112x128xf32, #tpu.memory_space<vmem>>
    %dma_wait3A_1679 = tpu.memref_squeeze %dma_wait3A_1678 : memref<1x112x128xf32, #tpu.memory_space<vmem>> -> memref<112x128xf32, #tpu.memory_space<vmem>>
    %dma_wait3A_1680 = arith.constant 0 : i32
    %dma_wait3A_1681 = tpu.memref_slice %arg4[%multiple_of3A_1577, %dma_wait3A_1680] : memref<100000x128xf32, #tpu.memory_space<hbm>> -> memref<112x128xf32, #tpu.memory_space<hbm>>
    %dma_wait3A_1682 = tpu.memref_slice %arg9[%dma_wait3A_1675] : memref<4x!tpu.dma_semaphore, #tpu.memory_space<semaphore_mem>> -> memref<1x!tpu.dma_semaphore, #tpu.memory_space<semaphore_mem>>
    %dma_wait3A_1683 = tpu.memref_squeeze %dma_wait3A_1682 : memref<1x!tpu.dma_semaphore, #tpu.memory_space<semaphore_mem>> -> memref<!tpu.dma_semaphore, #tpu.memory_space<semaphore_mem>>
    %dma_wait3A_1684 = arith.constant 0 : i32
    %dma_wait3A_1685 = tpu.memref_slice %arg4[%multiple_of3A_1577, %dma_wait3A_1684] : memref<100000x128xf32, #tpu.memory_space<hbm>> -> memref<112x128xf32, #tpu.memory_space<hbm>>
    %dma_wait3A_1686 = arith.constant 0 : i32
    %dma_wait3A_1687 = arith.constant 0 : i32
    %dma_wait3A_1688 = tpu.memref_slice %arg6[%dma_wait3A_1674, %dma_wait3A_1686, %dma_wait3A_1687] : memref<4x112x128xf32, #tpu.memory_space<vmem>> -> memref<1x112x128xf32, #tpu.memory_space<vmem>>
    %dma_wait3A_1689 = tpu.memref_squeeze %dma_wait3A_1688 : memref<1x112x128xf32, #tpu.memory_space<vmem>> -> memref<112x128xf32, #tpu.memory_space<vmem>>
    tpu.wait_dma2 semaphore(%dma_wait3A_1683 : memref<!tpu.dma_semaphore, #tpu.memory_space<semaphore_mem>>) src(%dma_wait3A_1689 : memref<112x128xf32, #tpu.memory_space<vmem>>) dst(%dma_wait3A_1685 : memref<112x128xf32, #tpu.memory_space<hbm>>)
    %dma_wait3A_1690 = arith.constant 2 : i32
    %dma_wait3A_1691 = arith.constant 2 : i32
    %dma_wait3A_1692 = arith.constant 0 : i32
    %dma_wait3A_1693 = arith.constant 0 : i32
    %dma_wait3A_1694 = tpu.memref_slice %arg6[%dma_wait3A_1690, %dma_wait3A_1692, %dma_wait3A_1693] : memref<4x112x128xf32, #tpu.memory_space<vmem>> -> memref<1x112x128xf32, #tpu.memory_space<vmem>>
    %dma_wait3A_1695 = tpu.memref_squeeze %dma_wait3A_1694 : memref<1x112x128xf32, #tpu.memory_space<vmem>> -> memref<112x128xf32, #tpu.memory_space<vmem>>
    %dma_wait3A_1696 = arith.constant 0 : i32
    %dma_wait3A_1697 = tpu.memref_slice %arg4[%multiple_of3A_1609, %dma_wait3A_1696] : memref<100000x128xf32, #tpu.memory_space<hbm>> -> memref<112x128xf32, #tpu.memory_space<hbm>>
    %dma_wait3A_1698 = tpu.memref_slice %arg9[%dma_wait3A_1691] : memref<4x!tpu.dma_semaphore, #tpu.memory_space<semaphore_mem>> -> memref<1x!tpu.dma_semaphore, #tpu.memory_space<semaphore_mem>>
    %dma_wait3A_1699 = tpu.memref_squeeze %dma_wait3A_1698 : memref<1x!tpu.dma_semaphore, #tpu.memory_space<semaphore_mem>> -> memref<!tpu.dma_semaphore, #tpu.memory_space<semaphore_mem>>
    %dma_wait3A_1700 = arith.constant 0 : i32
    %dma_wait3A_1701 = tpu.memref_slice %arg4[%multiple_of3A_1609, %dma_wait3A_1700] : memref<100000x128xf32, #tpu.memory_space<hbm>> -> memref<112x128xf32, #tpu.memory_space<hbm>>
    %dma_wait3A_1702 = arith.constant 0 : i32
    %dma_wait3A_1703 = arith.constant 0 : i32
    %dma_wait3A_1704 = tpu.memref_slice %arg6[%dma_wait3A_1690, %dma_wait3A_1702, %dma_wait3A_1703] : memref<4x112x128xf32, #tpu.memory_space<vmem>> -> memref<1x112x128xf32, #tpu.memory_space<vmem>>
    %dma_wait3A_1705 = tpu.memref_squeeze %dma_wait3A_1704 : memref<1x112x128xf32, #tpu.memory_space<vmem>> -> memref<112x128xf32, #tpu.memory_space<vmem>>
    tpu.wait_dma2 semaphore(%dma_wait3A_1699 : memref<!tpu.dma_semaphore, #tpu.memory_space<semaphore_mem>>) src(%dma_wait3A_1705 : memref<112x128xf32, #tpu.memory_space<vmem>>) dst(%dma_wait3A_1701 : memref<112x128xf32, #tpu.memory_space<hbm>>)
    %dma_wait3A_1706 = arith.constant 3 : i32
    %dma_wait3A_1707 = arith.constant 3 : i32
    %dma_wait3A_1708 = arith.constant 0 : i32
    %dma_wait3A_1709 = arith.constant 0 : i32
    %dma_wait3A_1710 = tpu.memref_slice %arg6[%dma_wait3A_1706, %dma_wait3A_1708, %dma_wait3A_1709] : memref<4x112x128xf32, #tpu.memory_space<vmem>> -> memref<1x112x128xf32, #tpu.memory_space<vmem>>
    %dma_wait3A_1711 = tpu.memref_squeeze %dma_wait3A_1710 : memref<1x112x128xf32, #tpu.memory_space<vmem>> -> memref<112x128xf32, #tpu.memory_space<vmem>>
    %dma_wait3A_1712 = arith.constant 0 : i32
    %dma_wait3A_1713 = tpu.memref_slice %arg4[%multiple_of3A_1641, %dma_wait3A_1712] : memref<100000x128xf32, #tpu.memory_space<hbm>> -> memref<112x128xf32, #tpu.memory_space<hbm>>
    %dma_wait3A_1714 = tpu.memref_slice %arg9[%dma_wait3A_1707] : memref<4x!tpu.dma_semaphore, #tpu.memory_space<semaphore_mem>> -> memref<1x!tpu.dma_semaphore, #tpu.memory_space<semaphore_mem>>
    %dma_wait3A_1715 = tpu.memref_squeeze %dma_wait3A_1714 : memref<1x!tpu.dma_semaphore, #tpu.memory_space<semaphore_mem>> -> memref<!tpu.dma_semaphore, #tpu.memory_space<semaphore_mem>>
    %dma_wait3A_1716 = arith.constant 0 : i32
    %dma_wait3A_1717 = tpu.memref_slice %arg4[%multiple_of3A_1641, %dma_wait3A_1716] : memref<100000x128xf32, #tpu.memory_space<hbm>> -> memref<112x128xf32, #tpu.memory_space<hbm>>
    %dma_wait3A_1718 = arith.constant 0 : i32
    %dma_wait3A_1719 = arith.constant 0 : i32
    %dma_wait3A_1720 = tpu.memref_slice %arg6[%dma_wait3A_1706, %dma_wait3A_1718, %dma_wait3A_1719] : memref<4x112x128xf32, #tpu.memory_space<vmem>> -> memref<1x112x128xf32, #tpu.memory_space<vmem>>
    %dma_wait3A_1721 = tpu.memref_squeeze %dma_wait3A_1720 : memref<1x112x128xf32, #tpu.memory_space<vmem>> -> memref<112x128xf32, #tpu.memory_space<vmem>>
    tpu.wait_dma2 semaphore(%dma_wait3A_1715 : memref<!tpu.dma_semaphore, #tpu.memory_space<semaphore_mem>>) src(%dma_wait3A_1721 : memref<112x128xf32, #tpu.memory_space<vmem>>) dst(%dma_wait3A_1717 : memref<112x128xf32, #tpu.memory_space<hbm>>)
    return
  }
}

</mosaic_0001>

<sc_bundles>
// kernel: kernel.3.cloned.1.call-start
scs
__scs_entry_jumppad:
0x0: {  	(pc) =	sbr.rel $0x88, $3  }
0x1: {  	(tag) =	ssettag $0x0;
	lr =	simm.s32 $0x1  }
0x2: {  	[smem:$0x3F9F] =	sst lr;
	_ =	strace $0xD0000000  }
0x3: {  	_ = 	snop  }
0x4: {  	_ = 	snop  }
0x5: {  	_ = 	snop  }
0x6: {  	_ = 	snop  }
0x7: {  	_ = 	snop  }
__scs_overlays_trampoline_lowered:
0x8: {  	[smem:$0x3FAE] =	sst s0  }
0x9: {  	[smem:$0x3FAF] =	sst s1  }
0xa: {  	[smem:$0x3FB0] =	sst s2  }
0xb: {  	[smem:$0x3FB1] =	sst s3  }
0xc: {  	[smem:$0x3FB2] =	sst s4  }
0xd: {  	[smem:$0x3FB3] =	sst s5  }
0xe: {  	[smem:$0x3FB4] =	sst s6  }
0xf: {  	[smem:$0x3FB5] =	sst s7  }
0x10: {  	[smem:$0x3FB6] =	sst s8  }
0x11: {  	[smem:$0x3FB7] =	sst s9;
	s0 =	simm.s32 @!p0 $0x0  }
0x12: {  	s1 =	sld [smem:$0x3F9D];
	s0 =	simm.s32 @p0 $0x1  }
0x13: {  	[smem:$0x3FB8] =	sst s0;
	s0 =	simm.s32 @!p1 $0x0  }
0x14: {  	s2 =	sld [smem:$0x3F9C];
	s0 =	simm.s32 @p1 $0x1  }
0x15: {  	[smem:$0x3FB9] =	sst s0;
	s0 =	simm.s32 @!p2 $0x0  }
0x16: {  	s3 =	sld [smem:$0x3FDB];
	s0 =	simm.s32 @p2 $0x1  }
0x17: {  	s4 =	simm.s32 $0x1BF5;
	[smem:$0x3FBB] =	sst s0  }
0x18: {  	s0 =	sld [smem:$0x3F9E];
	_ =	swait.ge [sflag:s4], $0x0  }
0x19: {  	s7 =	sld [smem:$0x3F9F]  }
0x1a: {  	s8 =	sadd.s32 $0xFFFFE003, lr  }
0x1b: {  	s9 =	sadd.s32 $0xFFFFFEF7, lr;
	s5 =	simm.s32 $0xFFFFFFFF;
	p2 =	slt.u32 s8, $0xFFFFF086  }
0x1c: {  	p1 =	slt.u32 s9, $0xF7A;
	s5 =	simm.s32 @!p2 $0x0  }
0x1d: {  	s5 =	simm.s32 @p1 $0x1;
	p0 =	seq.s32 s7, s2  }
0x1e: {  	s7 =	smul.u32 @!p0 $0xF7A, s2;
	p2 =	seq.s32 @!p0 s5, $0x0  }
0x1f: {  	s9 =	smul.u32 $0xF7A, s1;
	s8 =	simm.s32 @!p0 $0x1BF5;
	p2 =	por !p2, p0  }
0x20: {  	[sflag:s8] =	ssyncset.s32 @!p0 $0xFFFFF086;
	s6 =	sadd.s32 @!p0 s3, s7;
	s7 =	simm.s32 @!p0 $0x108  }
0x21: {  	s3 =	sadd.s32 s3, s9;
	s6 =	sadd.s32 @!p0 $0x88, s6;
	s7 =	simm.s32 @p2 $0x1082  }
0x22: {  	[simem:s7], [sflag:s8] =	dma.local @!p0 [hbm:s6], $0xF7A  }
0x23: {  	s9 =	sor.u32 $0xD0000000, s2;
	s6 =	simm.s32 $0x108;
	_ =	swait.ge @!p0 [sflag:s8], $0x0  }
0x24: {  	s3 =	sadd.s32 $0x88, s3;
	s6 =	simm.s32 @!p1 $0x1082;
	[sflag:s4] =	ssyncset.s32 $0xFFFFF086  }
0x25: {  	[simem:s6], [sflag:s4] =	dma.local [hbm:s3], $0xF7A  }
0x26: {  	[smem:$0x3F9F] =	sst s1;
	(tag) =	ssettag s2;
	_ =	strace s9  }
0x27: {  	s1 =	sld [smem:$0x3FAF]  }
0x28: {  	s2 =	sld [smem:$0x3FB0]  }
0x29: {  	s4 =	sld [smem:$0x3FB2]  }
0x2a: {  	p0 =	seq.s32 s5, $0x0;
	s5 =	sld [smem:$0x3FB3]  }
0x2b: {  	s6 =	sld [smem:$0x3FB4]  }
0x2c: {  	s7 =	sld [smem:$0x3FB5]  }
0x2d: {  	s3 =	simm.s32 $0x108;
	s8 =	sld [smem:$0x3FB6]  }
0x2e: {  	s3 =	simm.s32 @!p0 $0x1082;
	s9 =	sld [smem:$0x3FB7]  }
0x2f: {  	lr =	sadd.s32 s0, s3;
	s0 =	sld [smem:$0x3FAE]  }
0x30: {  	s3 =	sld [smem:$0x3FB1]  }
0x31: {  	[smem:$0x3FBA] =	sst s10  }
0x32: {  	s10 =	sld [smem:$0x3FB8];
	_ =	sdelay $0x3  }
0x33: {  	p0 =	seq.s32 s10, $0x1;
	s10 =	sld [smem:$0x3FBA];
	_ =	sdelay $0x3  }
0x34: {  	[smem:$0x3FBA] =	sst s10  }
0x35: {  	s10 =	sld [smem:$0x3FB9];
	_ =	sdelay $0x3  }
0x36: {  	p1 =	seq.s32 s10, $0x1;
	s10 =	sld [smem:$0x3FBA];
	_ =	sdelay $0x3  }
0x37: {  	[smem:$0x3FBA] =	sst s10  }
0x38: {  	s10 =	sld [smem:$0x3FBB]  }
0x39: {  	_ = 	snop;
	(pc) =	sbr.ind lr, $3  }
0x3a: {  	_ = 	snop  }
0x3b: {  	_ = 	snop  }
0x3c: {  	p2 =	seq.s32 s10, $0x1;
	s10 =	sld [smem:$0x3FBA]  }
0x3d: {  	_ =	shalt  }
0x3e: {  	_ =	shalt  }
0x3f: {  	_ =	shalt  }
0x40: {  	_ =	shalt  }
0x41: {  	_ =	shalt  }
0x42: {  	_ =	shalt  }
0x43: {  	_ =	shalt  }
0x44: {  	_ =	shalt  }
0x45: {  	_ =	shalt  }
0x46: {  	_ =	shalt  }
0x47: {  	_ =	shalt  }
0x48: {  	_ =	shalt  }
0x49: {  	_ =	shalt  }
0x4a: {  	_ =	shalt  }
0x4b: {  	_ =	shalt  }
0x4c: {  	_ =	shalt  }
0x4d: {  	_ =	shalt  }
0x4e: {  	_ =	shalt  }
0x4f: {  	_ =	shalt  }
0x50: {  	_ =	shalt  }
0x51: {  	_ =	shalt  }
0x52: {  	_ =	shalt  }
0x53: {  	_ =	shalt  }
0x54: {  	_ =	shalt  }
0x55: {  	_ =	shalt  }
0x56: {  	_ =	shalt  }
0x57: {  	_ =	shalt  }
0x58: {  	_ =	shalt  }
0x59: {  	_ =	shalt  }
0x5a: {  	_ =	shalt  }
0x5b: {  	_ =	shalt  }
0x5c: {  	_ =	shalt  }
0x5d: {  	_ =	shalt  }
0x5e: {  	_ =	shalt  }
0x5f: {  	_ =	shalt  }
0x60: {  	_ =	shalt  }
0x61: {  	_ =	shalt  }
0x62: {  	_ =	shalt  }
0x63: {  	_ =	shalt  }
0x64: {  	_ =	shalt  }
0x65: {  	_ =	shalt  }
0x66: {  	_ =	shalt  }
0x67: {  	_ =	shalt  }
0x68: {  	_ =	shalt  }
0x69: {  	_ =	shalt  }
0x6a: {  	_ =	shalt  }
0x6b: {  	_ =	shalt  }
0x6c: {  	_ =	shalt  }
0x6d: {  	_ =	shalt  }
0x6e: {  	_ =	shalt  }
0x6f: {  	_ =	shalt  }
0x70: {  	_ =	shalt  }
0x71: {  	_ =	shalt  }
0x72: {  	_ =	shalt  }
0x73: {  	_ =	shalt  }
0x74: {  	_ =	shalt  }
0x75: {  	_ =	shalt  }
0x76: {  	_ =	shalt  }
0x77: {  	_ =	shalt  }
0x78: {  	_ =	shalt  }
0x79: {  	_ =	shalt  }
0x7a: {  	_ =	shalt  }
0x7b: {  	_ =	shalt  }
0x7c: {  	_ =	shalt  }
0x7d: {  	_ =	shalt  }
0x7e: {  	_ =	shalt  }
0x7f: {  	_ =	shalt  }
0x80: {  	_ =	shalt  }
0x81: {  	_ =	shalt  }
0x82: {  	_ =	shalt  }
0x83: {  	_ =	shalt  }
0x84: {  	_ =	shalt  }
0x85: {  	_ =	shalt  }
0x86: {  	_ =	shalt  }
0x87: {  	_ =	shalt  }
.Lfunc_end0:
.L_simem_size_0:
called_computation_lowered:
.L_overlay_start_0:
0x88: {  	s2 =	sld [smem:$0x3FD9]  }
0x89: {  	s3 =	sld [smem:$0x3FFE];
	_ =	sdelay $0x1  }
0x8a: {  	s1 =	srdreg.scid  }
0x8b: {  	s0 =	sand.u32 $0x1, s1  }
0x8c: {  	s18 =	sshll.u32 s0, $0xA;
	s2 =	sadd.s32 s3, s2  }
0x8d: {  	s2 =	sadd.s32 s2, s18  }
0x8e: {  	[smem:$0x3FC6] =	sst s2  }
0x8f: {  	_ = 	snop  }
0x90: {  	s2 =	sld [smem:$0x3FC9]  }
0x91: {  	s19 =	sld [smem:$0x3FC8]  }
0x92: {  	s4 =	sld [smem:$0x3FD0];
	(tm) =	ssettm $0x1  }
0x93: {  	s5 =	sld [smem:$0x3FFB];
	_ =	sdelay $0x3  }
0x94: {  	_ =	strace s5  }
0x95: {  	s5 =	sld [smem:$0x3FFC];
	_ =	sdelay $0x3  }
0x96: {  	_ =	strace s5  }
0x97: {  	s5 =	sld [smem:$0x3FFD];
	_ =	sdelay $0x3  }
0x98: {  	_ =	strace s5  }
0x99: {  	_ =	strace $0x8FFFFFFF  }
0x9a: {  	s20 =	sld [smem:$0x3FDB];
	_ =	sdelay $0x1  }
0x9b: {  	s6 =	simm.s32 $_scs_section_size  }
0x9c: {  	s7 =	simm.s32 $_size__tile_overlayer_lowered;
	s8 =	simm.s32 $_tile_overlayer_lowered  }
0x9d: {  	s23 =	simm.s32 $0x1BFF;
	s22 =	sshll.u32 s8, $0x1;
	s5 =	sadd.s32 s6, s20  }
0x9e: {  	s9 =	simm.s32 $0x0;
	s21 =	sshll.u32 s7, $0x1;
	s7 =	sadd.s32 s22, s5  }
0x9f: {  	[timem:s9], [sflag:s23] =	dma.local [hbm:s7], s21  }
0xa0: {  	_ =	swait.ge [sflag:s23], s21  }
0xa1: {  	s6 =	ssub.s32 $0x0, s21;
	[sflag:s23] =	ssyncset.done $0x0  }
0xa2: {  	[sflag:s23] =	ssyncadd.s32 s6;
	_ =	sdelay $0x1  }
0xa3: {  	s24 =	simm.s32 $0x1B8B  }
0xa4: {  	_ =	swait.ge [sflag:s24], $0x1  }
0xa5: {  	[sflag:s24] =	ssyncset.done $0x0  }
0xa6: {  	s25 =	simm.s32 $0x1B8E;
	[sflag:s24] =	ssyncadd.s32 $0xFFFFFFFF  }
0xa7: {  	s26 =	simm.s32 $execute0_lowered;
	[smem:$0x3FD2] =	sst s25  }
0xa8: {  	s6 =	sshll.u32 s26, $0x1;
	_ =	strace $0x80000046;
	[dreg:$0x1] =	wrdreg $0xFFFFFFFF  }
0xa9: {  	s28 =	simm.s32 $_size_execute0_lowered;
	s5 =	sadd.s32 s5, s6;
	[dreg:$0x0] =	wrdreg $0x0  }
0xaa: {  	s6 =	sshll.u32 s28, $0x1;
	[dreg:$0x2] =	wrdreg s5  }
0xab: {  	[dreg:$0x3] =	wrdreg s6  }
0xac: {  	[dreg:$0x4] =	wrdreg $0xC0  }
0xad: {  	_ =	task [dreg:s9], $0x5FFFF  }
0xae: {  	[dreg:$0x1] =	wrdreg $0xFFFFFFFF  }
0xaf: {  	[dreg:$0x0] =	wrdreg $0x60  }
0xb0: {  	[dreg:$0x2] =	wrdreg s19  }
0xb1: {  	[dreg:$0x3] =	wrdreg s2  }
0xb2: {  	[dreg:$0x4] =	wrdreg s4  }
0xb3: {  	[dreg:$0x5] =	wrdreg $0xEC800  }
0xb4: {  	[dreg:$0x6] =	wrdreg $0x9  }
0xb5: {  	_ =	task.clear_ibuf [dreg:s9], $0x7FFFF;
	_ =	strace $0x90000046  }
0xb6: {  	s29 =	simm.s32 $0x9;
	_ =	strace $0x80000048  }
0xb7: {  	_ =	swait.ge [sflag:s29], $0x1  }
0xb8: {  	[sflag:s29] =	ssyncadd.s32 $0xFFFFFFFF  }
0xb9: {  	_ =	strace $0x90000048  }
0xba: {  	_ =	sfence  }
0xbb: {  	s30 =	sld [smem:$0x0];
	_ =	sdelay $0x2  }
0xbc: {  	s31 =	sshll.u32 s1, $0xD;
	s1 =	sshrl.u32 s1, $0x2  }
0xbd: {  	s3 =	sand.u32 $0x4000, s31;
	s1 =	sadd.s32 s1, s30  }
0xbe: {  	s0 =	sor.u32 s3, s0;
	s1 =	sshll.u32 s1, $0x11  }
0xbf: {  	s0 =	sor.u32 s1, s0  }
0xc0: {  	s0 =	sadd.s32 $0x8F2B, s0  }
0xc1: {  	[sflag:s0] =	ssyncadd.remote.s32 $0x1  }
0xc2: {  	_ =	sfence.sel $0xFFFF  }
0xc3: {  	[dreg:$0x0] =	wrdreg $0xFFFFFFFF;
	(pc) =	sbr.abs _section_cstart, $3  }
0xc4: {  	[dreg:$0x1] =	wrdreg $0xFFFFFFFF  }
0xc5: {  	_ =	task.clear_ibuf [dreg:s9], $0x2FFFF;
	_ =	strace $0x9FFFFFFF  }
0xc6: {  	(tm) =	ssettm $0x7FFFFFFF  }
0xc7: {  	_ =	shalt  }
tec
execute0_lowered:
.L_overlay_start_1:
0x0: {  	(tag) =	ssettag $0x1  }
0x1: {  	s0 =	srdreg.scid;
	s1 =	stileid.u32  }
0x2: {  	s0 =	sand.u32 $0x1, s0;
	s2 =	sshll.u32 s1, $0x1  }
0x3: {  	s3 =	sor.u32 s0, s2  }
0x4: {  	s5 =	rddreg [dreg:$0x1];
	s6 =	smul.u32 $0xC40, s3  }
0x5: {  	s4 =	rddreg [dreg:$0x2]  }
0x6: {  	s2 =	rddreg [dreg:$0x3];
	s6 =	smin.u32 s6, $0x17A60  }
0x7: {  	s3 =	simm.s32 $0x0;
	s7 =	sshll.u32 s6, $0x4;
	s6 =	sshrl.u32 s6, $0x3  }
0x8: {  	[smem:$0x7FF] =	sst s3;
	s4 =	sadd.s32 s4, s7;
	s5 =	sadd.s32 s5, s6  }
0x9: {  	_ =	strace $0x80000047;
	[dreg:$0x5] =	wrdreg s5;
	s9 =	sadd.s32 $0x700, s4  }
0xa: {  	s10 =	sadd.s32 $0xE00, s4;
	[dreg:$0x6] =	wrdreg s9  }
0xb: {  	s11 =	sadd.s32 $0x1500, s4;
	[dreg:$0x7] =	wrdreg s10  }
0xc: {  	s12 =	sadd.s32 $0x1C00, s4;
	[dreg:$0x8] =	wrdreg s11  }
0xd: {  	s13 =	sadd.s32 $0x2300, s4;
	[dreg:$0x9] =	wrdreg s12  }
0xe: {  	s14 =	sadd.s32 $0x2A00, s4;
	[dreg:$0xa] =	wrdreg s13  }
0xf: {  	p0 =	sne.s32 s1, $0x0;
	s15 =	sadd.s32 $0x3100, s4;
	[dreg:$0xb] =	wrdreg s14  }
0x10: {  	s0 =	ssub.s32 $0x2, s0;
	s16 =	sadd.s32 $0x3800, s4;
	[dreg:$0xc] =	wrdreg s15  }
0x11: {  	s8 =	sshrl.u32 s0, $0x1;
	s17 =	sadd.s32 $0x3F00, s4;
	[dreg:$0xd] =	wrdreg s16  }
0x12: {  	s0 =	ssub.s32 s0, s8;
	s18 =	sadd.s32 $0x4600, s4;
	[dreg:$0xe] =	wrdreg s17  }
0x13: {  	s8 =	simm.s32 $0xC80;
	s19 =	sadd.s32 $0x4D00, s4;
	[dreg:$0xf] =	wrdreg s18  }
0x14: {  	s6 =	simm.s32 $0xA;
	s20 =	sadd.s32 $0x5400, s4;
	[dreg:$0x10] =	wrdreg s19  }
0x15: {  	s7 =	simm.s32 $0x70;
	s21 =	sadd.s32 $0x5B00, s4;
	[dreg:$0x11] =	wrdreg s20  }
0x16: {  	s22 =	sadd.s32 $0x6200, s4;
	s23 =	sadd.s32 $0x6900, s4;
	[dreg:$0x12] =	wrdreg s21  }
0x17: {  	s24 =	sadd.s32 $0x7000, s4;
	s25 =	sadd.s32 $0x7700, s4;
	[dreg:$0x13] =	wrdreg s22  }
0x18: {  	s26 =	sadd.s32 $0x7E00, s4;
	s28 =	sadd.s32 $0x9300, s4;
	[dreg:$0x14] =	wrdreg s23  }
0x19: {  	s29 =	sadd.s32 $0x9A00, s4;
	s30 =	sadd.s32 $0xA100, s4;
	[dreg:$0x15] =	wrdreg s24  }
0x1a: {  	s31 =	sadd.s32 $0xA800, s4;
	s1 =	sadd.s32 $0xAF00, s4;
	[dreg:$0x16] =	wrdreg s25  }
0x1b: {  	s5 =	sadd.s32 $0xBD00, s4;
	[dreg:$0x17] =	wrdreg s26;
	s24 =	sadd.s32 $0x8500, s4  }
0x1c: {  	s25 =	smax.u32 s0, $0x1;
	s26 =	sadd.s32 $0x8C00, s4;
	s0 =	sadd.s32 $0xB600, s4  }
0x1d: {  	s9 =	simm.s32 $0x4480;
	s10 =	simm.s32 $0x7C80;
	s11 =	simm.s32 $0x1  }
0x1e: {  	s12 =	simm.s32 $0xB480;
	s13 =	simm.s32 $0x2;
	s14 =	simm.s32 $0x5  }
0x1f: {  	s15 =	simm.s32 $0x3;
	s16 =	simm.s32 $0x6;
	s17 =	simm.s32 $0x4  }
0x20: {  	s18 =	simm.s32 $0x7;
	s19 =	simm.s32 $0x8;
	s20 =	simm.s32 $0x0  }
.LBB2_1:
0x21: {  	s21 =	sshrl.u32 @!p0 s2, $0x3;
	s22 =	simm.s32 @!p0 $0x1C09;
	s23 =	rddreg [dreg:$0x0]  }
0x22: {  	[spmem:s21], [sflag:s22] =	dma.local @!p0 [hbm:s23], $0x4010  }
0x23: {  	s21 =	rddreg [dreg:$0x5]  }
0x24: {  	[tilespmem:s3], [sflag:$0xA] =	stream.linear.gather [hbm4b:s21+s3], $0xC40, $0x38;
	[tilespmem:$0x10C88] =	vst v63  }
0x25: {  	_ =	swait.ge [sflag:s6], $0xC40  }
0x26: {  	[sflag:s6] =	ssyncset.done $0x0  }
0x27: {  	s22 =	simm.s32 $0x40;
	s21 =	simm.s32 $0x0;
	[sflag:s6] =	ssyncadd.s32 $0xFFFFF3C0  }
.LBB2_2:
0x28: {  	p1 =	sne.s32 s22, $0x30C0;
	v0 =	vld [tilespmem:s21+$0x0];
	_ =	sdelay $0x3  }
.Ltmp0:
0x29: {  	(pc) =	sbr.rel @p1 .LBB2_2-.Ltmp0, $4  }
0x2a: {  	vm0 =	vgt.s32 v0, $0x0  }
0x2b: {  	v0 =	vnsel vm0, $0x0, v0  }
0x2c: {  	v0 =	vmin.u32 v0, $0x400  }
0x2d: {  	[tilespmem:s21+$0x0] =	vst v0;
	s21 =	sshra.s32 s22, $0x2;
	s22 =	sadd.s32 $0x40, s22  }
0x2e: {  	v0 =	vld [tilespmem:s21+$0x0];
	_ =	sdelay $0x4  }
0x2f: {  	vm0 =	vgt.s32 v0, $0x0  }
0x30: {  	v0 =	vnsel vm0, $0x0, v0  }
0x31: {  	v0 =	vmin.u32 v0, $0x400  }
0x32: {  	[tilespmem:s21+$0x0] =	vst v0;
	s21 =	simm.s32 @!p0 $0x9  }
0x33: {  	_ =	swait.ge @!p0 [sflag:s21], $0x4010  }
0x34: {  	[sflag:s21] =	ssyncset.done @!p0 $0x0  }
0x35: {  	[sflag:s21] =	ssyncadd.s32 @!p0 $0xFFFFBFF0  }
0x36: {  	[bflag:$0x0] =	sbarrier.arrive $0xFFFF  }
0x37: {  	[tilespmem:s8], [sflag:$0x1] =	stream.indirect.gather [spmem:s2], $0x80, s3, s7, $0xb8;
	[tilespmem:$0x10C88] =	vst v63  }
0x38: {  	_ = 	snop  }
0x39: {  	[tilespmem:s9], [sflag:$0x2] =	stream.indirect.gather [spmem:s2], $0x80, s7, s7, $0xb8;
	[tilespmem:$0x10C88] =	vst v63  }
0x3a: {  	s22 =	simm.s32 $0xE0  }
0x3b: {  	[tilespmem:s10], [sflag:$0x3] =	stream.indirect.gather [spmem:s2], $0x80, s22, s7, $0xb8;
	[tilespmem:$0x10C88] =	vst v63  }
0x3c: {  	_ =	swait.ge [sflag:s11], $0x3800  }
0x3d: {  	[sflag:s11] =	ssyncset.done $0x0  }
0x3e: {  	[sflag:s11] =	ssyncadd.s32 $0xFFFFC800  }
0x3f: {  	[hbm4b:s4+s3] =	stream.linear.scatter [tilespmem:s8], [sflag:$0x5], $0x3800, $0x38;
	[tilespmem:$0x10C88] =	vst v63  }
0x40: {  	s23 =	simm.s32 $0x150  }
0x41: {  	[tilespmem:s12], [sflag:$0x4] =	stream.indirect.gather [spmem:s2], $0x80, s23, s7, $0xb8;
	[tilespmem:$0x10C88] =	vst v63  }
0x42: {  	_ =	swait.ge [sflag:s13], $0x3800  }
0x43: {  	[sflag:s13] =	ssyncset.done $0x0  }
0x44: {  	s22 =	rddreg [dreg:$0x6];
	[sflag:s13] =	ssyncadd.s32 $0xFFFFC800  }
0x45: {  	[hbm4b:s22+s3] =	stream.linear.scatter [tilespmem:s9], [sflag:$0x6], $0x3800, $0x38;
	[tilespmem:$0x10C88] =	vst v63  }
0x46: {  	_ =	swait.ge [sflag:s14], $0x3800  }
0x47: {  	[sflag:s14] =	ssyncset.done $0x0  }
0x48: {  	s23 =	simm.s32 $0x1C0;
	[sflag:s14] =	ssyncadd.s32 $0xFFFFC800  }
0x49: {  	[tilespmem:s8], [sflag:$0x1] =	stream.indirect.gather [spmem:s2], $0x80, s23, s7, $0xb8;
	[tilespmem:$0x10C88] =	vst v63  }
0x4a: {  	_ =	swait.ge [sflag:s15], $0x3800  }
0x4b: {  	[sflag:s15] =	ssyncset.done $0x0  }
0x4c: {  	s22 =	rddreg [dreg:$0x7];
	[sflag:s15] =	ssyncadd.s32 $0xFFFFC800  }
0x4d: {  	[hbm4b:s22+s3] =	stream.linear.scatter [tilespmem:s10], [sflag:$0x7], $0x3800, $0x38;
	[tilespmem:$0x10C88] =	vst v63  }
0x4e: {  	_ =	swait.ge [sflag:s16], $0x3800  }
0x4f: {  	[sflag:s16] =	ssyncset.done $0x0  }
0x50: {  	s23 =	simm.s32 $0x230;
	[sflag:s16] =	ssyncadd.s32 $0xFFFFC800  }
0x51: {  	[tilespmem:s9], [sflag:$0x2] =	stream.indirect.gather [spmem:s2], $0x80, s23, s7, $0xb8;
	[tilespmem:$0x10C88] =	vst v63  }
0x52: {  	_ =	swait.ge [sflag:s17], $0x3800  }
0x53: {  	[sflag:s17] =	ssyncset.done $0x0  }
0x54: {  	s22 =	rddreg [dreg:$0x8];
	[sflag:s17] =	ssyncadd.s32 $0xFFFFC800  }
0x55: {  	[hbm4b:s22+s3] =	stream.linear.scatter [tilespmem:s12], [sflag:$0x8], $0x3800, $0x38;
	[tilespmem:$0x10C88] =	vst v63  }
0x56: {  	_ =	swait.ge [sflag:s18], $0x3800  }
0x57: {  	[sflag:s18] =	ssyncset.done $0x0  }
0x58: {  	s23 =	simm.s32 $0x2A0;
	[sflag:s18] =	ssyncadd.s32 $0xFFFFC800  }
0x59: {  	[tilespmem:s10], [sflag:$0x3] =	stream.indirect.gather [spmem:s2], $0x80, s23, s7, $0xb8;
	[tilespmem:$0x10C88] =	vst v63  }
0x5a: {  	_ =	swait.ge [sflag:s11], $0x3800  }
0x5b: {  	[sflag:s11] =	ssyncset.done $0x0  }
0x5c: {  	s22 =	rddreg [dreg:$0x9];
	[sflag:s11] =	ssyncadd.s32 $0xFFFFC800  }
0x5d: {  	[hbm4b:s22+s3] =	stream.linear.scatter [tilespmem:s8], [sflag:$0x5], $0x3800, $0x38;
	[tilespmem:$0x10C88] =	vst v63  }
0x5e: {  	_ =	swait.ge [sflag:s19], $0x3800  }
0x5f: {  	[sflag:s19] =	ssyncset.done $0x0  }
0x60: {  	s23 =	simm.s32 $0x310;
	[sflag:s19] =	ssyncadd.s32 $0xFFFFC800  }
0x61: {  	[tilespmem:s12], [sflag:$0x4] =	stream.indirect.gather [spmem:s2], $0x80, s23, s7, $0xb8;
	[tilespmem:$0x10C88] =	vst v63  }
0x62: {  	_ =	swait.ge [sflag:s13], $0x3800  }
0x63: {  	[sflag:s13] =	ssyncset.done $0x0  }
0x64: {  	s22 =	rddreg [dreg:$0xa];
	[sflag:s13] =	ssyncadd.s32 $0xFFFFC800  }
0x65: {  	[hbm4b:s22+s3] =	stream.linear.scatter [tilespmem:s9], [sflag:$0x6], $0x3800, $0x38;
	[tilespmem:$0x10C88] =	vst v63  }
0x66: {  	_ =	swait.ge [sflag:s14], $0x3800  }
0x67: {  	[sflag:s14] =	ssyncset.done $0x0  }
0x68: {  	s23 =	simm.s32 $0x380;
	[sflag:s14] =	ssyncadd.s32 $0xFFFFC800  }
0x69: {  	[tilespmem:s8], [sflag:$0x1] =	stream.indirect.gather [spmem:s2], $0x80, s23, s7, $0xb8;
	[tilespmem:$0x10C88] =	vst v63  }
0x6a: {  	_ =	swait.ge [sflag:s15], $0x3800  }
0x6b: {  	[sflag:s15] =	ssyncset.done $0x0  }
0x6c: {  	s22 =	rddreg [dreg:$0xb];
	[sflag:s15] =	ssyncadd.s32 $0xFFFFC800  }
0x6d: {  	[hbm4b:s22+s3] =	stream.linear.scatter [tilespmem:s10], [sflag:$0x7], $0x3800, $0x38;
	[tilespmem:$0x10C88] =	vst v63  }
0x6e: {  	_ =	swait.ge [sflag:s16], $0x3800  }
0x6f: {  	[sflag:s16] =	ssyncset.done $0x0  }
0x70: {  	s23 =	simm.s32 $0x3F0;
	[sflag:s16] =	ssyncadd.s32 $0xFFFFC800  }
0x71: {  	[tilespmem:s9], [sflag:$0x2] =	stream.indirect.gather [spmem:s2], $0x80, s23, s7, $0xb8;
	[tilespmem:$0x10C88] =	vst v63  }
0x72: {  	_ =	swait.ge [sflag:s17], $0x3800  }
0x73: {  	[sflag:s17] =	ssyncset.done $0x0  }
0x74: {  	s22 =	rddreg [dreg:$0xc];
	[sflag:s17] =	ssyncadd.s32 $0xFFFFC800  }
0x75: {  	[hbm4b:s22+s3] =	stream.linear.scatter [tilespmem:s12], [sflag:$0x8], $0x3800, $0x38;
	[tilespmem:$0x10C88] =	vst v63  }
0x76: {  	_ =	swait.ge [sflag:s18], $0x3800  }
0x77: {  	[sflag:s18] =	ssyncset.done $0x0  }
0x78: {  	s23 =	simm.s32 $0x460;
	[sflag:s18] =	ssyncadd.s32 $0xFFFFC800  }
0x79: {  	[tilespmem:s10], [sflag:$0x3] =	stream.indirect.gather [spmem:s2], $0x80, s23, s7, $0xb8;
	[tilespmem:$0x10C88] =	vst v63  }
0x7a: {  	_ =	swait.ge [sflag:s11], $0x3800  }
0x7b: {  	[sflag:s11] =	ssyncset.done $0x0  }
0x7c: {  	s22 =	rddreg [dreg:$0xd];
	[sflag:s11] =	ssyncadd.s32 $0xFFFFC800  }
0x7d: {  	[hbm4b:s22+s3] =	stream.linear.scatter [tilespmem:s8], [sflag:$0x5], $0x3800, $0x38;
	[tilespmem:$0x10C88] =	vst v63  }
0x7e: {  	_ =	swait.ge [sflag:s19], $0x3800  }
0x7f: {  	[sflag:s19] =	ssyncset.done $0x0  }
0x80: {  	s23 =	simm.s32 $0x4D0;
	[sflag:s19] =	ssyncadd.s32 $0xFFFFC800  }
0x81: {  	[tilespmem:s12], [sflag:$0x4] =	stream.indirect.gather [spmem:s2], $0x80, s23, s7, $0xb8;
	[tilespmem:$0x10C88] =	vst v63  }
0x82: {  	_ =	swait.ge [sflag:s13], $0x3800  }
0x83: {  	[sflag:s13] =	ssyncset.done $0x0  }
0x84: {  	s22 =	rddreg [dreg:$0xe];
	[sflag:s13] =	ssyncadd.s32 $0xFFFFC800  }
0x85: {  	[hbm4b:s22+s3] =	stream.linear.scatter [tilespmem:s9], [sflag:$0x6], $0x3800, $0x38;
	[tilespmem:$0x10C88] =	vst v63  }
0x86: {  	_ =	swait.ge [sflag:s14], $0x3800  }
0x87: {  	[sflag:s14] =	ssyncset.done $0x0  }
0x88: {  	s23 =	simm.s32 $0x540;
	[sflag:s14] =	ssyncadd.s32 $0xFFFFC800  }
0x89: {  	[tilespmem:s8], [sflag:$0x1] =	stream.indirect.gather [spmem:s2], $0x80, s23, s7, $0xb8;
	[tilespmem:$0x10C88] =	vst v63  }
0x8a: {  	_ =	swait.ge [sflag:s15], $0x3800  }
0x8b: {  	[sflag:s15] =	ssyncset.done $0x0  }
0x8c: {  	s22 =	rddreg [dreg:$0xf];
	[sflag:s15] =	ssyncadd.s32 $0xFFFFC800  }
0x8d: {  	[hbm4b:s22+s3] =	stream.linear.scatter [tilespmem:s10], [sflag:$0x7], $0x3800, $0x38;
	[tilespmem:$0x10C88] =	vst v63  }
0x8e: {  	_ =	swait.ge [sflag:s16], $0x3800  }
0x8f: {  	[sflag:s16] =	ssyncset.done $0x0  }
0x90: {  	s23 =	simm.s32 $0x5B0;
	[sflag:s16] =	ssyncadd.s32 $0xFFFFC800  }
0x91: {  	[tilespmem:s9], [sflag:$0x2] =	stream.indirect.gather [spmem:s2], $0x80, s23, s7, $0xb8;
	[tilespmem:$0x10C88] =	vst v63  }
0x92: {  	_ =	swait.ge [sflag:s17], $0x3800  }
0x93: {  	[sflag:s17] =	ssyncset.done $0x0  }
0x94: {  	s22 =	rddreg [dreg:$0x10];
	[sflag:s17] =	ssyncadd.s32 $0xFFFFC800  }
0x95: {  	[hbm4b:s22+s3] =	stream.linear.scatter [tilespmem:s12], [sflag:$0x8], $0x3800, $0x38;
	[tilespmem:$0x10C88] =	vst v63  }
0x96: {  	_ =	swait.ge [sflag:s18], $0x3800  }
0x97: {  	[sflag:s18] =	ssyncset.done $0x0  }
0x98: {  	s23 =	simm.s32 $0x620;
	[sflag:s18] =	ssyncadd.s32 $0xFFFFC800  }
0x99: {  	[tilespmem:s10], [sflag:$0x3] =	stream.indirect.gather [spmem:s2], $0x80, s23, s7, $0xb8;
	[tilespmem:$0x10C88] =	vst v63  }
0x9a: {  	_ =	swait.ge [sflag:s11], $0x3800  }
0x9b: {  	[sflag:s11] =	ssyncset.done $0x0  }
0x9c: {  	s22 =	rddreg [dreg:$0x11];
	[sflag:s11] =	ssyncadd.s32 $0xFFFFC800  }
0x9d: {  	[hbm4b:s22+s3] =	stream.linear.scatter [tilespmem:s8], [sflag:$0x5], $0x3800, $0x38;
	[tilespmem:$0x10C88] =	vst v63  }
0x9e: {  	_ =	swait.ge [sflag:s19], $0x3800  }
0x9f: {  	[sflag:s19] =	ssyncset.done $0x0  }
0xa0: {  	s23 =	simm.s32 $0x690;
	[sflag:s19] =	ssyncadd.s32 $0xFFFFC800  }
0xa1: {  	[tilespmem:s12], [sflag:$0x4] =	stream.indirect.gather [spmem:s2], $0x80, s23, s7, $0xb8;
	[tilespmem:$0x10C88] =	vst v63  }
0xa2: {  	_ =	swait.ge [sflag:s13], $0x3800  }
0xa3: {  	[sflag:s13] =	ssyncset.done $0x0  }
0xa4: {  	s22 =	rddreg [dreg:$0x12];
	[sflag:s13] =	ssyncadd.s32 $0xFFFFC800  }
0xa5: {  	[hbm4b:s22+s3] =	stream.linear.scatter [tilespmem:s9], [sflag:$0x6], $0x3800, $0x38;
	[tilespmem:$0x10C88] =	vst v63  }
0xa6: {  	_ =	swait.ge [sflag:s14], $0x3800  }
0xa7: {  	[sflag:s14] =	ssyncset.done $0x0  }
0xa8: {  	s23 =	simm.s32 $0x700;
	[sflag:s14] =	ssyncadd.s32 $0xFFFFC800  }
0xa9: {  	[tilespmem:s8], [sflag:$0x1] =	stream.indirect.gather [spmem:s2], $0x80, s23, s7, $0xb8;
	[tilespmem:$0x10C88] =	vst v63  }
0xaa: {  	_ =	swait.ge [sflag:s15], $0x3800  }
0xab: {  	[sflag:s15] =	ssyncset.done $0x0  }
0xac: {  	s22 =	rddreg [dreg:$0x13];
	[sflag:s15] =	ssyncadd.s32 $0xFFFFC800  }
0xad: {  	[hbm4b:s22+s3] =	stream.linear.scatter [tilespmem:s10], [sflag:$0x7], $0x3800, $0x38;
	[tilespmem:$0x10C88] =	vst v63  }
0xae: {  	_ =	swait.ge [sflag:s16], $0x3800  }
0xaf: {  	[sflag:s16] =	ssyncset.done $0x0  }
0xb0: {  	s23 =	simm.s32 $0x770;
	[sflag:s16] =	ssyncadd.s32 $0xFFFFC800  }
0xb1: {  	[tilespmem:s9], [sflag:$0x2] =	stream.indirect.gather [spmem:s2], $0x80, s23, s7, $0xb8;
	[tilespmem:$0x10C88] =	vst v63  }
0xb2: {  	_ =	swait.ge [sflag:s17], $0x3800  }
0xb3: {  	[sflag:s17] =	ssyncset.done $0x0  }
0xb4: {  	s22 =	rddreg [dreg:$0x14];
	[sflag:s17] =	ssyncadd.s32 $0xFFFFC800  }
0xb5: {  	[hbm4b:s22+s3] =	stream.linear.scatter [tilespmem:s12], [sflag:$0x8], $0x3800, $0x38;
	[tilespmem:$0x10C88] =	vst v63  }
0xb6: {  	_ =	swait.ge [sflag:s18], $0x3800  }
0xb7: {  	[sflag:s18] =	ssyncset.done $0x0  }
0xb8: {  	s23 =	simm.s32 $0x7E0;
	[sflag:s18] =	ssyncadd.s32 $0xFFFFC800  }
0xb9: {  	[tilespmem:s10], [sflag:$0x3] =	stream.indirect.gather [spmem:s2], $0x80, s23, s7, $0xb8;
	[tilespmem:$0x10C88] =	vst v63  }
0xba: {  	_ =	swait.ge [sflag:s11], $0x3800  }
0xbb: {  	[sflag:s11] =	ssyncset.done $0x0  }
0xbc: {  	s22 =	rddreg [dreg:$0x15];
	[sflag:s11] =	ssyncadd.s32 $0xFFFFC800  }
0xbd: {  	[hbm4b:s22+s3] =	stream.linear.scatter [tilespmem:s8], [sflag:$0x5], $0x3800, $0x38;
	[tilespmem:$0x10C88] =	vst v63  }
0xbe: {  	_ =	swait.ge [sflag:s19], $0x3800  }
0xbf: {  	[sflag:s19] =	ssyncset.done $0x0  }
0xc0: {  	s23 =	simm.s32 $0x850;
	[sflag:s19] =	ssyncadd.s32 $0xFFFFC800  }
0xc1: {  	[tilespmem:s12], [sflag:$0x4] =	stream.indirect.gather [spmem:s2], $0x80, s23, s7, $0xb8;
	[tilespmem:$0x10C88] =	vst v63  }
0xc2: {  	_ =	swait.ge [sflag:s13], $0x3800  }
0xc3: {  	[sflag:s13] =	ssyncset.done $0x0  }
0xc4: {  	s22 =	rddreg [dreg:$0x16];
	[sflag:s13] =	ssyncadd.s32 $0xFFFFC800  }
0xc5: {  	[hbm4b:s22+s3] =	stream.linear.scatter [tilespmem:s9], [sflag:$0x6], $0x3800, $0x38;
	[tilespmem:$0x10C88] =	vst v63  }
0xc6: {  	_ =	swait.ge [sflag:s14], $0x3800  }
0xc7: {  	[sflag:s14] =	ssyncset.done $0x0  }
0xc8: {  	s23 =	simm.s32 $0x8C0;
	[sflag:s14] =	ssyncadd.s32 $0xFFFFC800  }
0xc9: {  	[tilespmem:s8], [sflag:$0x1] =	stream.indirect.gather [spmem:s2], $0x80, s23, s7, $0xb8;
	[tilespmem:$0x10C88] =	vst v63  }
0xca: {  	_ =	swait.ge [sflag:s15], $0x3800  }
0xcb: {  	[sflag:s15] =	ssyncset.done $0x0  }
0xcc: {  	s22 =	rddreg [dreg:$0x17];
	[sflag:s15] =	ssyncadd.s32 $0xFFFFC800  }
0xcd: {  	[hbm4b:s22+s3] =	stream.linear.scatter [tilespmem:s10], [sflag:$0x7], $0x3800, $0x38;
	[tilespmem:$0x10C88] =	vst v63  }
0xce: {  	_ =	swait.ge [sflag:s16], $0x3800  }
0xcf: {  	[sflag:s16] =	ssyncset.done $0x0  }
0xd0: {  	s23 =	simm.s32 $0x930;
	[sflag:s16] =	ssyncadd.s32 $0xFFFFC800  }
0xd1: {  	[tilespmem:s9], [sflag:$0x2] =	stream.indirect.gather [spmem:s2], $0x80, s23, s7, $0xb8;
	[tilespmem:$0x10C88] =	vst v63  }
0xd2: {  	_ =	swait.ge [sflag:s17], $0x3800  }
0xd3: {  	[sflag:s17] =	ssyncset.done $0x0  }
0xd4: {  	[sflag:s17] =	ssyncadd.s32 $0xFFFFC800  }
0xd5: {  	[hbm4b:s24+s3] =	stream.linear.scatter [tilespmem:s12], [sflag:$0x8], $0x3800, $0x38;
	[tilespmem:$0x10C88] =	vst v63  }
0xd6: {  	_ =	swait.ge [sflag:s18], $0x3800  }
0xd7: {  	[sflag:s18] =	ssyncset.done $0x0  }
0xd8: {  	s22 =	simm.s32 $0x9A0;
	[sflag:s18] =	ssyncadd.s32 $0xFFFFC800  }
0xd9: {  	[tilespmem:s10], [sflag:$0x3] =	stream.indirect.gather [spmem:s2], $0x80, s22, s7, $0xb8;
	[tilespmem:$0x10C88] =	vst v63  }
0xda: {  	_ =	swait.ge [sflag:s11], $0x3800  }
0xdb: {  	[sflag:s11] =	ssyncset.done $0x0  }
0xdc: {  	[sflag:s11] =	ssyncadd.s32 $0xFFFFC800  }
0xdd: {  	[hbm4b:s26+s3] =	stream.linear.scatter [tilespmem:s8], [sflag:$0x5], $0x3800, $0x38;
	[tilespmem:$0x10C88] =	vst v63  }
0xde: {  	_ =	swait.ge [sflag:s19], $0x3800  }
0xdf: {  	[sflag:s19] =	ssyncset.done $0x0  }
0xe0: {  	s23 =	simm.s32 $0xA10;
	[sflag:s19] =	ssyncadd.s32 $0xFFFFC800  }
0xe1: {  	[tilespmem:s12], [sflag:$0x4] =	stream.indirect.gather [spmem:s2], $0x80, s23, s7, $0xb8;
	[tilespmem:$0x10C88] =	vst v63  }
0xe2: {  	_ =	swait.ge [sflag:s13], $0x3800  }
0xe3: {  	[sflag:s13] =	ssyncset.done $0x0  }
0xe4: {  	[sflag:s13] =	ssyncadd.s32 $0xFFFFC800  }
0xe5: {  	[hbm4b:s28+s3] =	stream.linear.scatter [tilespmem:s9], [sflag:$0x6], $0x3800, $0x38;
	[tilespmem:$0x10C88] =	vst v63  }
0xe6: {  	_ =	swait.ge [sflag:s14], $0x3800  }
0xe7: {  	[sflag:s14] =	ssyncset.done $0x0  }
0xe8: {  	s22 =	simm.s32 $0xA80;
	[sflag:s14] =	ssyncadd.s32 $0xFFFFC800  }
0xe9: {  	[tilespmem:s8], [sflag:$0x1] =	stream.indirect.gather [spmem:s2], $0x80, s22, s7, $0xb8;
	[tilespmem:$0x10C88] =	vst v63  }
0xea: {  	_ =	swait.ge [sflag:s15], $0x3800  }
0xeb: {  	[sflag:s15] =	ssyncset.done $0x0  }
0xec: {  	[sflag:s15] =	ssyncadd.s32 $0xFFFFC800  }
0xed: {  	[hbm4b:s29+s3] =	stream.linear.scatter [tilespmem:s10], [sflag:$0x7], $0x3800, $0x38;
	[tilespmem:$0x10C88] =	vst v63  }
0xee: {  	_ =	swait.ge [sflag:s16], $0x3800  }
0xef: {  	[sflag:s16] =	ssyncset.done $0x0  }
0xf0: {  	s23 =	simm.s32 $0xAF0;
	[sflag:s16] =	ssyncadd.s32 $0xFFFFC800  }
0xf1: {  	[tilespmem:s9], [sflag:$0x2] =	stream.indirect.gather [spmem:s2], $0x80, s23, s7, $0xb8;
	[tilespmem:$0x10C88] =	vst v63  }
0xf2: {  	_ =	swait.ge [sflag:s17], $0x3800  }
0xf3: {  	[sflag:s17] =	ssyncset.done $0x0  }
0xf4: {  	[sflag:s17] =	ssyncadd.s32 $0xFFFFC800  }
0xf5: {  	[hbm4b:s30+s3] =	stream.linear.scatter [tilespmem:s12], [sflag:$0x8], $0x3800, $0x38;
	[tilespmem:$0x10C88] =	vst v63  }
0xf6: {  	_ =	swait.ge [sflag:s18], $0x3800  }
0xf7: {  	[sflag:s18] =	ssyncset.done $0x0  }
0xf8: {  	s22 =	simm.s32 $0xB60;
	[sflag:s18] =	ssyncadd.s32 $0xFFFFC800  }
0xf9: {  	[tilespmem:s10], [sflag:$0x3] =	stream.indirect.gather [spmem:s2], $0x80, s22, s7, $0xb8;
	[tilespmem:$0x10C88] =	vst v63  }
0xfa: {  	_ =	swait.ge [sflag:s11], $0x3800  }
0xfb: {  	[sflag:s11] =	ssyncset.done $0x0  }
0xfc: {  	[sflag:s11] =	ssyncadd.s32 $0xFFFFC800  }
0xfd: {  	[hbm4b:s31+s3] =	stream.linear.scatter [tilespmem:s8], [sflag:$0x5], $0x3800, $0x38;
	[tilespmem:$0x10C88] =	vst v63  }
0xfe: {  	_ =	swait.ge [sflag:s19], $0x3800  }
0xff: {  	[sflag:s19] =	ssyncset.done $0x0  }
0x100: {  	s23 =	simm.s32 $0xBD0;
	[sflag:s19] =	ssyncadd.s32 $0xFFFFC800  }
0x101: {  	[tilespmem:s12], [sflag:$0x4] =	stream.indirect.gather [spmem:s2], $0x80, s23, s7, $0xb8;
	[tilespmem:$0x10C88] =	vst v63  }
0x102: {  	_ =	swait.ge [sflag:s13], $0x3800  }
0x103: {  	[sflag:s13] =	ssyncset.done $0x0  }
0x104: {  	[sflag:s13] =	ssyncadd.s32 $0xFFFFC800  }
0x105: {  	[hbm4b:s1+s3] =	stream.linear.scatter [tilespmem:s9], [sflag:$0x6], $0x3800, $0x38;
	[tilespmem:$0x10C88] =	vst v63  }
0x106: {  	_ =	swait.ge [sflag:s15], $0x3800  }
0x107: {  	[sflag:s15] =	ssyncset.done $0x0  }
0x108: {  	[sflag:s15] =	ssyncadd.s32 $0xFFFFC800  }
0x109: {  	[hbm4b:s0+s3] =	stream.linear.scatter [tilespmem:s10], [sflag:$0x7], $0x3800, $0x38;
	[tilespmem:$0x10C88] =	vst v63  }
0x10a: {  	_ =	swait.ge [sflag:s17], $0x3800  }
0x10b: {  	[sflag:s17] =	ssyncset.done $0x0  }
0x10c: {  	[sflag:s17] =	ssyncadd.s32 $0xFFFFC800  }
0x10d: {  	[hbm4b:s5+s3] =	stream.linear.scatter [tilespmem:s12], [sflag:$0x8], $0x3800, $0x38;
	[tilespmem:$0x10C88] =	vst v63  }
0x10e: {  	_ =	swait.ge [sflag:s14], $0x3800  }
0x10f: {  	[sflag:s14] =	ssyncset.done $0x0  }
0x110: {  	[sflag:s14] =	ssyncadd.s32 $0xFFFFC800  }
0x111: {  	_ =	swait.ge [sflag:s16], $0x3800  }
0x112: {  	[sflag:s16] =	ssyncset.done $0x0  }
0x113: {  	s20 =	sadd.s32 $0x1, s20;
	[sflag:s16] =	ssyncadd.s32 $0xFFFFC800  }
0x114: {  	p1 =	sne.s32 s20, s25;
	_ =	swait.ge [sflag:s18], $0x3800  }
.Ltmp1:
0x115: {  	[sflag:s18] =	ssyncset.done $0x0;
	(pc) =	sbr.rel @p1 .LBB2_1-.Ltmp1, $4  }
0x116: {  	[sflag:s18] =	ssyncadd.s32 $0xFFFFC800  }
0x117: {  	_ =	swait.ge [sflag:s19], $0x3800  }
0x118: {  	[sflag:s19] =	ssyncset.done $0x0  }
0x119: {  	[sflag:s19] =	ssyncadd.s32 $0xFFFFC800  }
0x11a: {  	_ =	sfence.sel $0x180000  }
0x11b: {  	[bflag:$0x0] =	sbarrier.arrive $0xFFFF  }
0x11c: {  	_ =	strace $0x90000047  }
0x11d: {  	[bflag:$0x2] =	sbarrier.arrive $0xFFFF  }
0x11e: {  	s0 =	rddreg [dreg:$0x4]  }
0x11f: {  	s0 =	sadd.s32 @!p0 $0x100000, s0  }
0x120: {  	[sflag:s0] =	ssyncadd.tile.s32 @!p0 $0x1;
	_ =	shalt  }
.Lfunc_end2:
_tile_overlayer_lowered:
.L_overlay_start_2:
0x121: {  	(tag) =	ssettag $0x2  }
0x122: {  	s0 =	rddreg [dreg:$0x0];
	s2 =	stileid.u32  }
0x123: {  	s1 =	rddreg [dreg:$0x1];
	p0 =	sne.s32 s2, $0x0  }
0x124: {  	s3 =	rddreg [dreg:$0x2];
	[bflag:$0x3] =	sbarrier.arrive $0xFFFF;
	s2 =	simm.s32 @!p0 $0x1C0A  }
0x125: {  	[timem:s3], [sflag:s2] =	dma.local @!p0 [hbm:s0], s1  }
0x126: {  	s0 =	simm.s32 @!p0 $0xA  }
0x127: {  	_ =	swait.ge @!p0 [sflag:s0], s1  }
0x128: {  	s1 =	ssub.s32 @!p0 $0x0, s1;
	[sflag:s0] =	ssyncset.done @!p0 $0x0  }
0x129: {  	[sflag:s0] =	ssyncadd.s32 @!p0 s1  }
0x12a: {  	[bflag:$0x3] =	sbarrier.arrive $0xFFFF  }
0x12b: {  	_ =	shalt  }

</sc_bundles>
